<compile_context>
chip_gen: v7x
topology: tpu7x:2x2x1
jax: 0.10.2.dev20260603
libtpu: 0.0.44.dev20260713+nightly
codegen_flags: <defaults>
</compile_context>

<pallas_src>
import functools

import jax
import jax.numpy as jnp
from jax import lax
from jax.experimental import pallas as pl
from jax.experimental.pallas import tpu as pltpu
from jax.experimental.pallas import tpu_sc as plsc

_pc = pl.pallas_call

N = 4096
KNN = 20
BLK = 256
NBLK = N // BLK
EPS = 1e-5


def _lrelu(h):
    return jnp.where(h >= 0, h, 0.2 * h)


def _topk_body(x_blk, x_all, xt_ref, out_ref):
    xb = x_blk[...]
    xt = xt_ref[...]
    c = xt.shape[0]
    if c == 4:
        xbr = xb.astype(jnp.bfloat16).astype(jnp.float32)
        xtr = xt.astype(jnp.bfloat16).astype(jnp.float32)
        ip = xbr[:, 0:1] * xtr[0:1, :]
        for cc in range(1, 4):
            ip = ip + xbr[:, cc : cc + 1] * xtr[cc : cc + 1, :]
    else:
        xa = x_all[...]
        ip = lax.dot_general(xb, xa, (((1,), (1,)), ((), ())),
                             preferred_element_type=jnp.float32)
    xx_row = jnp.sum(xt * xt, axis=0, keepdims=True)
    xx_blk = jnp.sum(xb * xb, axis=1, keepdims=True)
    pd = (2.0 * ip - xx_blk) - xx_row
    iota = lax.broadcasted_iota(jnp.int32, (BLK, N), 1)
    for j in range(KNN):
        m = jnp.max(pd, axis=1, keepdims=True)
        cand = jnp.where(pd == m, iota, jnp.int32(N))
        sel = jnp.min(cand, axis=1, keepdims=True)
        out_ref[:, j : j + 1] = sel
        pd = jnp.where(iota == sel, -jnp.inf, pd)


@functools.lru_cache(maxsize=None)
def _topk_call(c):
    return _pc(
        _topk_body,
        grid=(NBLK,),
        in_specs=[
            pl.BlockSpec((BLK, c), lambda i: (i, 0)),
            pl.BlockSpec((N, c), lambda i: (0, 0)),
            pl.BlockSpec((c, N), lambda i: (0, 0)),
        ],
        out_specs=pl.BlockSpec((BLK, 32), lambda i: (i, 0)),
        out_shape=jax.ShapeDtypeStruct((N, 32), jnp.int32),
    )


CP = 128


@functools.lru_cache(maxsize=None)
def _sc_gather_call():
    nc, ns = 2, 16
    nw = nc * ns
    nb = N // nw
    npairs = nb // 2

    mesh = plsc.VectorSubcoreMesh(core_axis_name="c", subcore_axis_name="s")

    @functools.partial(
        pl.kernel,
        mesh=mesh,
        out_type=jax.ShapeDtypeStruct((N * KNN, CP), jnp.float32),
        scratch_types=[
            pltpu.VMEM((nb * KNN,), jnp.int32),
            pltpu.VMEM((2 * KNN, CP), jnp.float32),
            pltpu.SemaphoreType.DMA,
        ],
    )
    def k(idx_hbm, x_hbm, out_hbm, idx_v, buf, sem):
        wid = lax.axis_index("s") * nc + lax.axis_index("c")
        base = wid * (nb * KNN)
        pltpu.sync_copy(idx_hbm.at[pl.ds(base, nb * KNN)], idx_v)

        def pair(p, carry):
            off = pl.multiple_of(p * (2 * KNN), 8)
            pltpu.async_copy(
                x_hbm.at[idx_v.at[pl.ds(off, 2 * KNN)]], buf, sem
            ).wait()
            pltpu.sync_copy(
                buf, out_hbm.at[pl.ds(base + p * (2 * KNN), 2 * KNN)]
            )
            return carry

        lax.fori_loop(0, npairs, pair, 0)

    return k


BH = 128
NBH = N // BH


def _edge_body(g_ref, x_ref, wt_ref, hmax_ref, hmin_ref, st_ref):
    i = pl.program_id(0)
    xb = x_ref[...]
    c = xb.shape[1]
    o = wt_ref.shape[1]
    gd = g_ref[...][:, :c]
    d3 = gd.reshape(BH, KNN, c) - xb[:, None, :]
    d2 = d3.reshape(BH * KNN, c)
    x3 = jnp.broadcast_to(xb[:, None, :], (BH, KNN, c))
    x2 = x3.reshape(BH * KNN, c)
    if c == 4:
        d2r = d2.astype(jnp.bfloat16).astype(jnp.float32)
        x2r = x2.astype(jnp.bfloat16).astype(jnp.float32)
        wtr = wt_ref[...].astype(jnp.bfloat16).astype(jnp.float32)
        h2 = d2r[:, 0:1] * wtr[0:1, :]
        for cc in range(1, 4):
            h2 = h2 + d2r[:, cc : cc + 1] * wtr[cc : cc + 1, :]
        for cc in range(4):
            h2 = h2 + x2r[:, cc : cc + 1] * wtr[4 + cc : 5 + cc, :]
    else:
        f2 = jnp.concatenate([d2, x2], axis=1)
        h2 = lax.dot_general(f2, wt_ref[...], (((1,), (0,)), ((), ())),
                             preferred_element_type=jnp.float32)
    h3 = h2.reshape(BH, KNN, o)
    hmax_ref[...] = jnp.max(h3, axis=1)
    hmin_ref[...] = jnp.min(h3, axis=1)
    part = jnp.concatenate(
        [
            jnp.sum(h2, axis=0, keepdims=True),
            jnp.sum(h2 * h2, axis=0, keepdims=True),
            jnp.zeros((6, o), jnp.float32),
        ],
        0,
    )

    @pl.when(i == 0)
    def _():
        st_ref[...] = jnp.zeros_like(st_ref)

    st_ref[...] += part


@functools.lru_cache(maxsize=None)
def _edge_call(c, o):
    return _pc(
        _edge_body,
        grid=(NBH,),
        in_specs=[
            pl.BlockSpec((BH * KNN, CP), lambda i: (i, 0)),
            pl.BlockSpec((BH, c), lambda i: (i, 0)),
            pl.BlockSpec((2 * c, o), lambda i: (0, 0)),
        ],
        out_specs=(
            pl.BlockSpec((BH, o), lambda i: (i, 0)),
            pl.BlockSpec((BH, o), lambda i: (i, 0)),
            pl.BlockSpec((8, o), lambda i: (0, 0)),
        ),
        out_shape=(
            jax.ShapeDtypeStruct((N, o), jnp.float32),
            jax.ShapeDtypeStruct((N, o), jnp.float32),
            jax.ShapeDtypeStruct((8, o), jnp.float32),
        ),
    )


def _fin_body(stats_ref, gb_ref, hmax_ref, hmin_ref, out_ref):
    st = stats_ref[...]
    denom = 1.0 / (N * KNN)
    mean = st[0:1] * denom
    var = st[1:2] * denom - mean * mean
    a = gb_ref[0:1] * lax.rsqrt(var + EPS)
    cc = gb_ref[1:2] - a * mean
    pre = jnp.where(a >= 0, hmax_ref[...], hmin_ref[...])
    out_ref[...] = _lrelu(a * pre + cc)


@functools.lru_cache(maxsize=None)
def _fin_call(o):
    return _pc(
        _fin_body,
        grid=(NBLK,),
        in_specs=[
            pl.BlockSpec((8, o), lambda i: (0, 0)),
            pl.BlockSpec((8, o), lambda i: (0, 0)),
            pl.BlockSpec((BLK, o), lambda i: (i, 0)),
            pl.BlockSpec((BLK, o), lambda i: (i, 0)),
        ],
        out_specs=pl.BlockSpec((BLK, o), lambda i: (i, 0)),
        out_shape=jax.ShapeDtypeStruct((N, o), jnp.float32),
    )


def _h1_body(x1_ref, x2_ref, x3_ref, x4_ref, w5_ref, h5_ref, st_ref):
    i = pl.program_id(0)
    h = jnp.dot(x1_ref[...], w5_ref[0:64, :], preferred_element_type=jnp.float32)
    h += jnp.dot(x2_ref[...], w5_ref[64:128, :], preferred_element_type=jnp.float32)
    h += jnp.dot(x3_ref[...], w5_ref[128:256, :], preferred_element_type=jnp.float32)
    h += jnp.dot(x4_ref[...], w5_ref[256:512, :], preferred_element_type=jnp.float32)
    h5_ref[...] = h
    part = jnp.concatenate(
        [
            jnp.sum(h, axis=0, keepdims=True),
            jnp.sum(h * h, axis=0, keepdims=True),
            jnp.zeros((6, h.shape[1]), jnp.float32),
        ],
        0,
    )

    @pl.when(i == 0)
    def _():
        st_ref[...] = jnp.zeros_like(st_ref)

    st_ref[...] += part


def _h1_call():
    return _pc(
        _h1_body,
        grid=(NBLK,),
        in_specs=[
            pl.BlockSpec((BLK, 64), lambda i: (i, 0)),
            pl.BlockSpec((BLK, 64), lambda i: (i, 0)),
            pl.BlockSpec((BLK, 128), lambda i: (i, 0)),
            pl.BlockSpec((BLK, 256), lambda i: (i, 0)),
            pl.BlockSpec((512, 512), lambda i: (0, 0)),
        ],
        out_specs=(
            pl.BlockSpec((BLK, 512), lambda i: (i, 0)),
            pl.BlockSpec((8, 512), lambda i: (0, 0)),
        ),
        out_shape=(
            jax.ShapeDtypeStruct((N, 512), jnp.float32),
            jax.ShapeDtypeStruct((8, 512), jnp.float32),
        ),
    )


def _h2_body(h5_ref, st5_ref, gb5_ref, wf_ref, bf_ref, g_ref, stf_ref):
    i = pl.program_id(0)
    st = st5_ref[...]
    mean = st[0:1] * (1.0 / N)
    var = st[1:2] * (1.0 / N) - mean * mean
    a = gb5_ref[0:1] * lax.rsqrt(var + EPS)
    cc = gb5_ref[1:2] - a * mean
    c5 = _lrelu(a * h5_ref[...] + cc)
    g = jnp.dot(c5, wf_ref[...], preferred_element_type=jnp.float32) + bf_ref[0:1]
    g_ref[...] = g
    part = jnp.concatenate(
        [
            jnp.sum(g, axis=0, keepdims=True),
            jnp.sum(g * g, axis=0, keepdims=True),
            jnp.zeros((6, g.shape[1]), jnp.float32),
        ],
        0,
    )

    @pl.when(i == 0)
    def _():
        stf_ref[...] = jnp.zeros_like(stf_ref)

    stf_ref[...] += part


def _h2_call():
    return _pc(
        _h2_body,
        grid=(NBLK,),
        in_specs=[
            pl.BlockSpec((BLK, 512), lambda i: (i, 0)),
            pl.BlockSpec((8, 512), lambda i: (0, 0)),
            pl.BlockSpec((8, 512), lambda i: (0, 0)),
            pl.BlockSpec((512, 1024), lambda i: (0, 0)),
            pl.BlockSpec((8, 1024), lambda i: (0, 0)),
        ],
        out_specs=(
            pl.BlockSpec((BLK, 1024), lambda i: (i, 0)),
            pl.BlockSpec((8, 1024), lambda i: (0, 0)),
        ),
        out_shape=(
            jax.ShapeDtypeStruct((N, 1024), jnp.float32),
            jax.ShapeDtypeStruct((8, 1024), jnp.float32),
        ),
    )


def _h3_body(g_ref, stf_ref, gbf_ref, wsem_ref, bsem_ref, f_ref, sem_ref):
    st = stf_ref[...]
    mean = st[0:1] * (1.0 / N)
    var = st[1:2] * (1.0 / N) - mean * mean
    a = gbf_ref[0:1] * lax.rsqrt(var + EPS)
    cc = gbf_ref[1:2] - a * mean
    f = a * g_ref[...] + cc
    f_ref[...] = f
    sem_ref[...] = (
        jnp.dot(f[:, 768:1024], wsem_ref[...], preferred_element_type=jnp.float32)
        + bsem_ref[0:1]
    )


def _h3_call():
    return _pc(
        _h3_body,
        grid=(NBLK,),
        in_specs=[
            pl.BlockSpec((BLK, 1024), lambda i: (i, 0)),
            pl.BlockSpec((8, 1024), lambda i: (0, 0)),
            pl.BlockSpec((8, 1024), lambda i: (0, 0)),
            pl.BlockSpec((256, 32), lambda i: (0, 0)),
            pl.BlockSpec((8, 32), lambda i: (0, 0)),
        ],
        out_specs=(
            pl.BlockSpec((BLK, 1024), lambda i: (i, 0)),
            pl.BlockSpec((BLK, 32), lambda i: (i, 0)),
        ),
        out_shape=(
            jax.ShapeDtypeStruct((N, 1024), jnp.float32),
            jax.ShapeDtypeStruct((N, 32), jnp.float32),
        ),
    )


def _pad_rows(*vecs):
    d = vecs[0].shape[0]
    rows = [v[None].astype(jnp.float32) for v in vecs]
    rows.append(jnp.zeros((8 - len(vecs), d), jnp.float32))
    return jnp.concatenate(rows, 0)


def kernel(coords, feats, W1, g1, b1, W2, g2, b2, W3, g3, b3, W4, g4, b4,
           W5, g5, b5, Wf5, bf5, gf5, betaf5, Wf6, bf6, gf6, betaf6,
           Wf7, bf7, gf7, betaf7, Wf8, bf8, gf8, betaf8, Wsem, bsem):
    x = jnp.concatenate([coords, feats[:, 3:4]], axis=1)
    outs = []
    for W, g, b in ((W1, g1, b1), (W2, g2, b2), (W3, g3, b3), (W4, g4, b4)):
        c = x.shape[1]
        o = W.shape[0]
        w_t = W.T
        xpad = jnp.pad(x, ((0, 0), (0, CP - c))) if c < CP else x
        idx = _topk_call(c)(x, x, x.T)
        idx_flat = idx[:, :KNN].reshape(-1)
        g_rows = _sc_gather_call()(idx_flat, xpad)
        hmax, hmin, stats = _edge_call(c, o)(g_rows, x, w_t)
        x = _fin_call(o)(stats, _pad_rows(g, b), hmax, hmin)
        outs.append(x)

    x1, x2, x3, x4 = outs
    h5, st5 = _h1_call()(x1, x2, x3, x4, W5.T)
    wf_all = jnp.concatenate([Wf5.T, Wf6.T, Wf7.T, Wf8.T], axis=1)
    bf_all = jnp.concatenate([bf5, bf6, bf7, bf8])
    g_all, stf = _h2_call()(h5, st5, _pad_rows(g5, b5), wf_all, _pad_rows(bf_all))
    gbf = _pad_rows(
        jnp.concatenate([gf5, gf6, gf7, gf8]),
        jnp.concatenate([betaf5, betaf6, betaf7, betaf8]),
    )
    wsem_pad = jnp.concatenate(
        [Wsem.T, jnp.zeros((256, 12), jnp.float32)], axis=1
    )
    bsem_pad = _pad_rows(jnp.concatenate([bsem, jnp.zeros((12,), jnp.float32)]))
    f_all, sem = _h3_call()(g_all, stf, gbf, wsem_pad, bsem_pad)

    ms_features = tuple(
        f_all[:, i * 256 : (i + 1) * 256][None] for i in range(4)
    )
    sem_logits = sem[:, :20][None]
    ms_coords = coords[None]
    ms_masks = jnp.zeros((1, N), dtype=bool)
    return (*ms_features, ms_coords, ms_masks, sem_logits)

# --- scband reference (transcript-rebuilt; emitter-appended) ---
"""Pipeline reference for scband-fixed-dgcnnbackbone-81037442941004 (READ-ONLY COPY).

The authoritative reference and input builder live on the scoring server;
editing this copy changes nothing except your own understanding.
"""

import jax, jax.numpy as jnp
import numpy as np

K = 20

def _knn_idx(xT, k):
    # xT: [N, C]; replicates torch knn(): pd = -xx - (-2 x^T x) - xx^T, topk indices
    inner = -2.0 * (xT @ xT.T)
    xx = jnp.sum(xT * xT, axis=1, keepdims=True)
    pd = -xx - inner - xx.T
    return jax.lax.top_k(pd, k)[1]

def _graph_feature(xT, k):
    idx = _knn_idx(xT, k)                      # [N, k]
    neigh = jnp.take(xT, idx, axis=0)          # gather -> [N, k, C]
    center = jnp.broadcast_to(xT[:, None, :], neigh.shape)
    return jnp.concatenate([neigh - center, center], axis=2)  # [N, k, 2C]

def _bn(h, gamma, beta, axes):
    mean = jnp.mean(h, axis=axes, keepdims=True)
    var = jnp.var(h, axis=axes, keepdims=True)
    return gamma * (h - mean) * jax.lax.rsqrt(var + 1e-5) + beta

def _lrelu(h):
    return jnp.where(h >= 0, h, 0.2 * h)

def _edge_conv(xT, W, gamma, beta, k):
    f = _graph_feature(xT, k)                  # [N, k, 2C]
    h = jnp.einsum('nkc,oc->nko', f, W)        # 1x1 Conv2d, bias=False
    h = _lrelu(_bn(h, gamma, beta, (0, 1)))
    return jnp.max(h, axis=1)                  # max over k -> [N, O]


def setup_inputs(seed: int = 0) -> dict:
    key = jax.random.key(seed)
    ks = jax.random.split(key, 20)
    N = 4096
    def w(i, o, c):
        g = np.sqrt(2.0 / (1.0 + 0.2 ** 2))
        return (jax.random.normal(ks[i], (o, c), jnp.float32) * (g / np.sqrt(o))).astype(jnp.float32)
    inp = {
        'coords': jax.random.normal(ks[0], (N, 3), jnp.float32),
        'feats': jax.random.normal(ks[1], (N, 4), jnp.float32),
        'W1': w(2, 64, 8),   'g1': jnp.ones((64,), jnp.float32),  'b1': jnp.zeros((64,), jnp.float32),
        'W2': w(3, 64, 128), 'g2': jnp.ones((64,), jnp.float32),  'b2': jnp.zeros((64,), jnp.float32),
        'W3': w(4, 128, 128),'g3': jnp.ones((128,), jnp.float32), 'b3': jnp.zeros((128,), jnp.float32),
        'W4': w(5, 256, 256),'g4': jnp.ones((256,), jnp.float32), 'b4': jnp.zeros((256,), jnp.float32),
        'W5': w(6, 512, 512),'g5': jnp.ones((512,), jnp.float32), 'b5': jnp.zeros((512,), jnp.float32),
        'Wf5': w(7, 256, 512), 'bf5': jnp.zeros((256,), jnp.float32), 'gf5': jnp.ones((256,), jnp.float32), 'betaf5': jnp.zeros((256,), jnp.float32),
        'Wf6': w(8, 256, 512), 'bf6': jnp.zeros((256,), jnp.float32), 'gf6': jnp.ones((256,), jnp.float32), 'betaf6': jnp.zeros((256,), jnp.float32),
        'Wf7': w(9, 256, 512), 'bf7': jnp.zeros((256,), jnp.float32), 'gf7': jnp.ones((256,), jnp.float32), 'betaf7': jnp.zeros((256,), jnp.float32),
        'Wf8': w(10, 256, 512),'bf8': jnp.zeros((256,), jnp.float32), 'gf8': jnp.ones((256,), jnp.float32), 'betaf8': jnp.zeros((256,), jnp.float32),
        'Wsem': (jax.random.normal(ks[11], (20, 256), jnp.float32) * 0.01).astype(jnp.float32),
        'bsem': jnp.zeros((20,), jnp.float32),
    }
    return inp


def reference(coords, feats, W1, g1, b1, W2, g2, b2, W3, g3, b3, W4, g4, b4,
              W5, g5, b5, Wf5, bf5, gf5, betaf5, Wf6, bf6, gf6, betaf6,
              Wf7, bf7, gf7, betaf7, Wf8, bf8, gf8, betaf8, Wsem, bsem):
    # process_single_cloud: x_in = cat([coords, feats[:, 3:4]])
    x_in = jnp.concatenate([coords, feats[:, 3:4]], axis=1)   # [N, 4]
    x1 = _edge_conv(x_in, W1, g1, b1, K)   # [N, 64]
    x2 = _edge_conv(x1, W2, g2, b2, K)     # [N, 64]
    x3 = _edge_conv(x2, W3, g3, b3, K)     # [N, 128]
    x4 = _edge_conv(x3, W4, g4, b4, K)     # [N, 256]
    x = jnp.concatenate([x1, x2, x3, x4], axis=1)             # [N, 512]
    x = _lrelu(_bn(x @ W5.T, g5, b5, (0,)))                   # conv5
    feats_out = []
    for Wf, bf_, gf_, btf in ((Wf5, bf5, gf5, betaf5), (Wf6, bf6, gf6, betaf6),
                              (Wf7, bf7, gf7, betaf7), (Wf8, bf8, gf8, betaf8)):
        feats_out.append(_bn(x @ Wf.T + bf_, gf_, btf, (0,)))  # feat_layer + out_bn
    sem_logits = feats_out[-1] @ Wsem.T + bsem                 # sem_head on last level
    ms_features = tuple(f[None] for f in feats_out)            # batch of 1, no padding
    ms_coords = coords[None]
    ms_masks = jnp.zeros((1, coords.shape[0]), dtype=bool)
    return (*ms_features, ms_coords, ms_masks, sem_logits[None])

if __name__ == "__main__":
    import jax
    _d = setup_inputs()
    print(jax.jit(kernel)(*tuple(_d.values())))

</pallas_src>

<mosaic_0001>
#map = affine_map<(d0, d1) -> (0)>
#map1 = affine_map<(d0, d1) -> (0, 0)>
module attributes {stable_mosaic.version = 14 : i64} {
  func.func @k(%arg0: i32, %arg1: i32, %arg2: memref<81920xi32, #tpu.memory_space<hbm>>, %arg3: memref<4096x128xf32, #tpu.memory_space<hbm>>, %arg4: memref<81920x128xf32, #tpu.memory_space<hbm>>, %arg5: memref<2560xi32, #tpu.memory_space<vmem>>, %arg6: memref<40x128xf32, #tpu.memory_space<vmem>>, %arg7: memref<!tpu.dma_semaphore, #tpu.memory_space<semaphore_mem>>) attributes {dimension_semantics = [#tpu.dimension_semantics<core_parallel>, #tpu.dimension_semantics<subcore_parallel>], iteration_bounds = array<i64: 2, 16>, scalar_prefetch = 0 : i64, scratch_operands = 3 : i64, tpu.core_type = #tpu.core_type<sc_vector_subcore>, window_params = [{transform_indices = #map}, {transform_indices = #map1}, {transform_indices = #map1}]} {
    %mul3A = arith.constant 2 : i32
    %mul3A_0 = arith.muli %arg1, %mul3A : i32
    %add3A = arith.addi %mul3A_0, %arg0 : i32
    %mul3A_1 = arith.constant 2560 : i32
    %mul3A_2 = arith.muli %add3A, %mul3A_1 : i32
    "tpu.region"() ({
      %run_scoped3A = tpu.sem_alloc : memref<!tpu.dma_semaphore, #tpu.memory_space<semaphore_mem>>
      %dma_start3A = tpu.memref_slice %arg2[%mul3A_2] : memref<81920xi32, #tpu.memory_space<hbm>> -> memref<2560xi32, #tpu.memory_space<hbm>>
      %dma_start3A_8 = tpu.memref_slice %arg2[%mul3A_2] : memref<81920xi32, #tpu.memory_space<hbm>> -> memref<2560xi32, #tpu.memory_space<hbm>>
      tpu.enqueue_dma source(%dma_start3A_8 : memref<2560xi32, #tpu.memory_space<hbm>>) target(%arg5 : memref<2560xi32, #tpu.memory_space<vmem>>) target_semaphore(%run_scoped3A : memref<!tpu.dma_semaphore, #tpu.memory_space<semaphore_mem>>)
      %dma_wait3A = tpu.memref_slice %arg2[%mul3A_2] : memref<81920xi32, #tpu.memory_space<hbm>> -> memref<2560xi32, #tpu.memory_space<hbm>>
      %dma_wait3A_9 = tpu.memref_slice %arg2[%mul3A_2] : memref<81920xi32, #tpu.memory_space<hbm>> -> memref<2560xi32, #tpu.memory_space<hbm>>
      tpu.wait_dma2 semaphore(%run_scoped3A : memref<!tpu.dma_semaphore, #tpu.memory_space<semaphore_mem>>) src(%dma_wait3A_9 : memref<2560xi32, #tpu.memory_space<hbm>>) dst(%arg5 : memref<2560xi32, #tpu.memory_space<vmem>>)
      tpu.yield
    }) : () -> ()
    %scan3A = arith.constant 0 : i32
    %scan3A_3 = arith.constant 0 : i32
    %scan3A_4 = arith.constant 64 : i32
    %scan3A_5 = arith.addi %scan3A_3, %scan3A_4 : i32
    %scan3A_6 = arith.constant 1 : i32
    scf.for %scan3A_8 = %scan3A_3 to %scan3A_5 step %scan3A_6  : i32 {
      %mul3A_9 = arith.constant 40 : i32
      %mul3A_10 = arith.muli %scan3A_8, %mul3A_9 : i32
      %multiple_of3A = tpu.assume_multiple %mul3A_10, 8 : i32
      %dma_start3A = tpu.memref_slice %arg5[%multiple_of3A] : memref<2560xi32, #tpu.memory_space<vmem>> -> memref<40xi32, #tpu.memory_space<vmem>>
      %dma_start3A_11 = arith.constant 0 : i32
      %dma_start3A_12 = arith.constant 0 : i32
      %dma_start3A_13 = tpu.memref_slice %arg3[%dma_start3A_11, %dma_start3A_12] : memref<4096x128xf32, #tpu.memory_space<hbm>> -> memref<4096x128xf32, #tpu.memory_space<hbm>>
      tpu.enqueue_indirect_dma source(%dma_start3A_13 : memref<4096x128xf32, #tpu.memory_space<hbm>>) target(%arg6 : memref<40x128xf32, #tpu.memory_space<vmem>>) offsets(%dma_start3A : memref<40xi32, #tpu.memory_space<vmem>>) semaphore(%arg7 : memref<!tpu.dma_semaphore, #tpu.memory_space<semaphore_mem>>)
      %dma_wait3A = tpu.memref_slice %arg5[%multiple_of3A] : memref<2560xi32, #tpu.memory_space<vmem>> -> memref<40xi32, #tpu.memory_space<vmem>>
      %dma_wait3A_14 = arith.constant 0 : i32
      %dma_wait3A_15 = arith.constant 0 : i32
      %dma_wait3A_16 = tpu.memref_slice %arg3[%dma_wait3A_14, %dma_wait3A_15] : memref<4096x128xf32, #tpu.memory_space<hbm>> -> memref<4096x128xf32, #tpu.memory_space<hbm>>
      tpu.wait_indirect_dma semaphore(%arg7 : memref<!tpu.dma_semaphore, #tpu.memory_space<semaphore_mem>>) src(%dma_wait3A_16 : memref<4096x128xf32, #tpu.memory_space<hbm>>) dst(%arg6 : memref<40x128xf32, #tpu.memory_space<vmem>>)
      %mul3A_17 = arith.constant 40 : i32
      %mul3A_18 = arith.muli %scan3A_8, %mul3A_17 : i32
      %add3A_19 = arith.addi %mul3A_2, %mul3A_18 : i32
      "tpu.region"() ({
        %run_scoped3A = tpu.sem_alloc : memref<!tpu.dma_semaphore, #tpu.memory_space<semaphore_mem>>
        %dma_start3A_20 = arith.constant 0 : i32
        %dma_start3A_21 = tpu.memref_slice %arg4[%add3A_19, %dma_start3A_20] : memref<81920x128xf32, #tpu.memory_space<hbm>> -> memref<40x128xf32, #tpu.memory_space<hbm>>
        %dma_start3A_22 = arith.constant 0 : i32
        %dma_start3A_23 = tpu.memref_slice %arg4[%add3A_19, %dma_start3A_22] : memref<81920x128xf32, #tpu.memory_space<hbm>> -> memref<40x128xf32, #tpu.memory_space<hbm>>
        tpu.enqueue_dma source(%arg6 : memref<40x128xf32, #tpu.memory_space<vmem>>) target(%dma_start3A_23 : memref<40x128xf32, #tpu.memory_space<hbm>>) target_semaphore(%run_scoped3A : memref<!tpu.dma_semaphore, #tpu.memory_space<semaphore_mem>>)
        %dma_wait3A_24 = arith.constant 0 : i32
        %dma_wait3A_25 = tpu.memref_slice %arg4[%add3A_19, %dma_wait3A_24] : memref<81920x128xf32, #tpu.memory_space<hbm>> -> memref<40x128xf32, #tpu.memory_space<hbm>>
        %dma_wait3A_26 = arith.constant 0 : i32
        %dma_wait3A_27 = tpu.memref_slice %arg4[%add3A_19, %dma_wait3A_26] : memref<81920x128xf32, #tpu.memory_space<hbm>> -> memref<40x128xf32, #tpu.memory_space<hbm>>
        tpu.wait_dma2 semaphore(%run_scoped3A : memref<!tpu.dma_semaphore, #tpu.memory_space<semaphore_mem>>) src(%arg6 : memref<40x128xf32, #tpu.memory_space<vmem>>) dst(%dma_wait3A_27 : memref<40x128xf32, #tpu.memory_space<hbm>>)
        tpu.yield
      }) : () -> ()
    }
    %scan3A_7 = arith.constant 64 : i32
    return
  }
}

#map = affine_map<(d0, d1) -> (0)>
#map1 = affine_map<(d0, d1) -> (0, 0)>
module attributes {stable_mosaic.version = 14 : i64} {
  func.func @k(%arg0: i32, %arg1: i32, %arg2: memref<81920xi32, #tpu.memory_space<hbm>>, %arg3: memref<4096x128xf32, #tpu.memory_space<hbm>>, %arg4: memref<81920x128xf32, #tpu.memory_space<hbm>>, %arg5: memref<2560xi32, #tpu.memory_space<vmem>>, %arg6: memref<40x128xf32, #tpu.memory_space<vmem>>, %arg7: memref<!tpu.dma_semaphore, #tpu.memory_space<semaphore_mem>>) attributes {dimension_semantics = [#tpu.dimension_semantics<core_parallel>, #tpu.dimension_semantics<subcore_parallel>], iteration_bounds = array<i64: 2, 16>, scalar_prefetch = 0 : i64, scratch_operands = 3 : i64, tpu.core_type = #tpu.core_type<sc_vector_subcore>, window_params = [{transform_indices = #map}, {transform_indices = #map1}, {transform_indices = #map1}]} {
    %mul3A = arith.constant 2 : i32
    %mul3A_0 = arith.muli %arg1, %mul3A : i32
    %add3A = arith.addi %mul3A_0, %arg0 : i32
    %mul3A_1 = arith.constant 2560 : i32
    %mul3A_2 = arith.muli %add3A, %mul3A_1 : i32
    "tpu.region"() ({
      %run_scoped3A = tpu.sem_alloc : memref<!tpu.dma_semaphore, #tpu.memory_space<semaphore_mem>>
      %dma_start3A = tpu.memref_slice %arg2[%mul3A_2] : memref<81920xi32, #tpu.memory_space<hbm>> -> memref<2560xi32, #tpu.memory_space<hbm>>
      %dma_start3A_8 = tpu.memref_slice %arg2[%mul3A_2] : memref<81920xi32, #tpu.memory_space<hbm>> -> memref<2560xi32, #tpu.memory_space<hbm>>
      tpu.enqueue_dma source(%dma_start3A_8 : memref<2560xi32, #tpu.memory_space<hbm>>) target(%arg5 : memref<2560xi32, #tpu.memory_space<vmem>>) target_semaphore(%run_scoped3A : memref<!tpu.dma_semaphore, #tpu.memory_space<semaphore_mem>>)
      %dma_wait3A = tpu.memref_slice %arg2[%mul3A_2] : memref<81920xi32, #tpu.memory_space<hbm>> -> memref<2560xi32, #tpu.memory_space<hbm>>
      %dma_wait3A_9 = tpu.memref_slice %arg2[%mul3A_2] : memref<81920xi32, #tpu.memory_space<hbm>> -> memref<2560xi32, #tpu.memory_space<hbm>>
      tpu.wait_dma2 semaphore(%run_scoped3A : memref<!tpu.dma_semaphore, #tpu.memory_space<semaphore_mem>>) src(%dma_wait3A_9 : memref<2560xi32, #tpu.memory_space<hbm>>) dst(%arg5 : memref<2560xi32, #tpu.memory_space<vmem>>)
      tpu.yield
    }) : () -> ()
    %scan3A = arith.constant 0 : i32
    %scan3A_3 = arith.constant 0 : i32
    %scan3A_4 = arith.constant 64 : i32
    %scan3A_5 = arith.addi %scan3A_3, %scan3A_4 : i32
    %scan3A_6 = arith.constant 1 : i32
    scf.for %scan3A_8 = %scan3A_3 to %scan3A_5 step %scan3A_6  : i32 {
      %mul3A_9 = arith.constant 40 : i32
      %mul3A_10 = arith.muli %scan3A_8, %mul3A_9 : i32
      %multiple_of3A = tpu.assume_multiple %mul3A_10, 8 : i32
      %dma_start3A = tpu.memref_slice %arg5[%multiple_of3A] : memref<2560xi32, #tpu.memory_space<vmem>> -> memref<40xi32, #tpu.memory_space<vmem>>
      %dma_start3A_11 = arith.constant 0 : i32
      %dma_start3A_12 = arith.constant 0 : i32
      %dma_start3A_13 = tpu.memref_slice %arg3[%dma_start3A_11, %dma_start3A_12] : memref<4096x128xf32, #tpu.memory_space<hbm>> -> memref<4096x128xf32, #tpu.memory_space<hbm>>
      tpu.enqueue_indirect_dma source(%dma_start3A_13 : memref<4096x128xf32, #tpu.memory_space<hbm>>) target(%arg6 : memref<40x128xf32, #tpu.memory_space<vmem>>) offsets(%dma_start3A : memref<40xi32, #tpu.memory_space<vmem>>) semaphore(%arg7 : memref<!tpu.dma_semaphore, #tpu.memory_space<semaphore_mem>>)
      %dma_wait3A = tpu.memref_slice %arg5[%multiple_of3A] : memref<2560xi32, #tpu.memory_space<vmem>> -> memref<40xi32, #tpu.memory_space<vmem>>
      %dma_wait3A_14 = arith.constant 0 : i32
      %dma_wait3A_15 = arith.constant 0 : i32
      %dma_wait3A_16 = tpu.memref_slice %arg3[%dma_wait3A_14, %dma_wait3A_15] : memref<4096x128xf32, #tpu.memory_space<hbm>> -> memref<4096x128xf32, #tpu.memory_space<hbm>>
      tpu.wait_indirect_dma semaphore(%arg7 : memref<!tpu.dma_semaphore, #tpu.memory_space<semaphore_mem>>) src(%dma_wait3A_16 : memref<4096x128xf32, #tpu.memory_space<hbm>>) dst(%arg6 : memref<40x128xf32, #tpu.memory_space<vmem>>)
      %mul3A_17 = arith.constant 40 : i32
      %mul3A_18 = arith.muli %scan3A_8, %mul3A_17 : i32
      %add3A_19 = arith.addi %mul3A_2, %mul3A_18 : i32
      "tpu.region"() ({
        %run_scoped3A = tpu.sem_alloc : memref<!tpu.dma_semaphore, #tpu.memory_space<semaphore_mem>>
        %dma_start3A_20 = arith.constant 0 : i32
        %dma_start3A_21 = tpu.memref_slice %arg4[%add3A_19, %dma_start3A_20] : memref<81920x128xf32, #tpu.memory_space<hbm>> -> memref<40x128xf32, #tpu.memory_space<hbm>>
        %dma_start3A_22 = arith.constant 0 : i32
        %dma_start3A_23 = tpu.memref_slice %arg4[%add3A_19, %dma_start3A_22] : memref<81920x128xf32, #tpu.memory_space<hbm>> -> memref<40x128xf32, #tpu.memory_space<hbm>>
        tpu.enqueue_dma source(%arg6 : memref<40x128xf32, #tpu.memory_space<vmem>>) target(%dma_start3A_23 : memref<40x128xf32, #tpu.memory_space<hbm>>) target_semaphore(%run_scoped3A : memref<!tpu.dma_semaphore, #tpu.memory_space<semaphore_mem>>)
        %dma_wait3A_24 = arith.constant 0 : i32
        %dma_wait3A_25 = tpu.memref_slice %arg4[%add3A_19, %dma_wait3A_24] : memref<81920x128xf32, #tpu.memory_space<hbm>> -> memref<40x128xf32, #tpu.memory_space<hbm>>
        %dma_wait3A_26 = arith.constant 0 : i32
        %dma_wait3A_27 = tpu.memref_slice %arg4[%add3A_19, %dma_wait3A_26] : memref<81920x128xf32, #tpu.memory_space<hbm>> -> memref<40x128xf32, #tpu.memory_space<hbm>>
        tpu.wait_dma2 semaphore(%run_scoped3A : memref<!tpu.dma_semaphore, #tpu.memory_space<semaphore_mem>>) src(%arg6 : memref<40x128xf32, #tpu.memory_space<vmem>>) dst(%dma_wait3A_27 : memref<40x128xf32, #tpu.memory_space<hbm>>)
        tpu.yield
      }) : () -> ()
    }
    %scan3A_7 = arith.constant 64 : i32
    return
  }
}

#map = affine_map<(d0, d1) -> (0)>
#map1 = affine_map<(d0, d1) -> (0, 0)>
module attributes {stable_mosaic.version = 14 : i64} {
  func.func @k(%arg0: i32, %arg1: i32, %arg2: memref<81920xi32, #tpu.memory_space<hbm>>, %arg3: memref<4096x128xf32, #tpu.memory_space<hbm>>, %arg4: memref<81920x128xf32, #tpu.memory_space<hbm>>, %arg5: memref<2560xi32, #tpu.memory_space<vmem>>, %arg6: memref<40x128xf32, #tpu.memory_space<vmem>>, %arg7: memref<!tpu.dma_semaphore, #tpu.memory_space<semaphore_mem>>) attributes {dimension_semantics = [#tpu.dimension_semantics<core_parallel>, #tpu.dimension_semantics<subcore_parallel>], iteration_bounds = array<i64: 2, 16>, scalar_prefetch = 0 : i64, scratch_operands = 3 : i64, tpu.core_type = #tpu.core_type<sc_vector_subcore>, window_params = [{transform_indices = #map}, {transform_indices = #map1}, {transform_indices = #map1}]} {
    %mul3A = arith.constant 2 : i32
    %mul3A_0 = arith.muli %arg1, %mul3A : i32
    %add3A = arith.addi %mul3A_0, %arg0 : i32
    %mul3A_1 = arith.constant 2560 : i32
    %mul3A_2 = arith.muli %add3A, %mul3A_1 : i32
    "tpu.region"() ({
      %run_scoped3A = tpu.sem_alloc : memref<!tpu.dma_semaphore, #tpu.memory_space<semaphore_mem>>
      %dma_start3A = tpu.memref_slice %arg2[%mul3A_2] : memref<81920xi32, #tpu.memory_space<hbm>> -> memref<2560xi32, #tpu.memory_space<hbm>>
      %dma_start3A_8 = tpu.memref_slice %arg2[%mul3A_2] : memref<81920xi32, #tpu.memory_space<hbm>> -> memref<2560xi32, #tpu.memory_space<hbm>>
      tpu.enqueue_dma source(%dma_start3A_8 : memref<2560xi32, #tpu.memory_space<hbm>>) target(%arg5 : memref<2560xi32, #tpu.memory_space<vmem>>) target_semaphore(%run_scoped3A : memref<!tpu.dma_semaphore, #tpu.memory_space<semaphore_mem>>)
      %dma_wait3A = tpu.memref_slice %arg2[%mul3A_2] : memref<81920xi32, #tpu.memory_space<hbm>> -> memref<2560xi32, #tpu.memory_space<hbm>>
      %dma_wait3A_9 = tpu.memref_slice %arg2[%mul3A_2] : memref<81920xi32, #tpu.memory_space<hbm>> -> memref<2560xi32, #tpu.memory_space<hbm>>
      tpu.wait_dma2 semaphore(%run_scoped3A : memref<!tpu.dma_semaphore, #tpu.memory_space<semaphore_mem>>) src(%dma_wait3A_9 : memref<2560xi32, #tpu.memory_space<hbm>>) dst(%arg5 : memref<2560xi32, #tpu.memory_space<vmem>>)
      tpu.yield
    }) : () -> ()
    %scan3A = arith.constant 0 : i32
    %scan3A_3 = arith.constant 0 : i32
    %scan3A_4 = arith.constant 64 : i32
    %scan3A_5 = arith.addi %scan3A_3, %scan3A_4 : i32
    %scan3A_6 = arith.constant 1 : i32
    scf.for %scan3A_8 = %scan3A_3 to %scan3A_5 step %scan3A_6  : i32 {
      %mul3A_9 = arith.constant 40 : i32
      %mul3A_10 = arith.muli %scan3A_8, %mul3A_9 : i32
      %multiple_of3A = tpu.assume_multiple %mul3A_10, 8 : i32
      %dma_start3A = tpu.memref_slice %arg5[%multiple_of3A] : memref<2560xi32, #tpu.memory_space<vmem>> -> memref<40xi32, #tpu.memory_space<vmem>>
      %dma_start3A_11 = arith.constant 0 : i32
      %dma_start3A_12 = arith.constant 0 : i32
      %dma_start3A_13 = tpu.memref_slice %arg3[%dma_start3A_11, %dma_start3A_12] : memref<4096x128xf32, #tpu.memory_space<hbm>> -> memref<4096x128xf32, #tpu.memory_space<hbm>>
      tpu.enqueue_indirect_dma source(%dma_start3A_13 : memref<4096x128xf32, #tpu.memory_space<hbm>>) target(%arg6 : memref<40x128xf32, #tpu.memory_space<vmem>>) offsets(%dma_start3A : memref<40xi32, #tpu.memory_space<vmem>>) semaphore(%arg7 : memref<!tpu.dma_semaphore, #tpu.memory_space<semaphore_mem>>)
      %dma_wait3A = tpu.memref_slice %arg5[%multiple_of3A] : memref<2560xi32, #tpu.memory_space<vmem>> -> memref<40xi32, #tpu.memory_space<vmem>>
      %dma_wait3A_14 = arith.constant 0 : i32
      %dma_wait3A_15 = arith.constant 0 : i32
      %dma_wait3A_16 = tpu.memref_slice %arg3[%dma_wait3A_14, %dma_wait3A_15] : memref<4096x128xf32, #tpu.memory_space<hbm>> -> memref<4096x128xf32, #tpu.memory_space<hbm>>
      tpu.wait_indirect_dma semaphore(%arg7 : memref<!tpu.dma_semaphore, #tpu.memory_space<semaphore_mem>>) src(%dma_wait3A_16 : memref<4096x128xf32, #tpu.memory_space<hbm>>) dst(%arg6 : memref<40x128xf32, #tpu.memory_space<vmem>>)
      %mul3A_17 = arith.constant 40 : i32
      %mul3A_18 = arith.muli %scan3A_8, %mul3A_17 : i32
      %add3A_19 = arith.addi %mul3A_2, %mul3A_18 : i32
      "tpu.region"() ({
        %run_scoped3A = tpu.sem_alloc : memref<!tpu.dma_semaphore, #tpu.memory_space<semaphore_mem>>
        %dma_start3A_20 = arith.constant 0 : i32
        %dma_start3A_21 = tpu.memref_slice %arg4[%add3A_19, %dma_start3A_20] : memref<81920x128xf32, #tpu.memory_space<hbm>> -> memref<40x128xf32, #tpu.memory_space<hbm>>
        %dma_start3A_22 = arith.constant 0 : i32
        %dma_start3A_23 = tpu.memref_slice %arg4[%add3A_19, %dma_start3A_22] : memref<81920x128xf32, #tpu.memory_space<hbm>> -> memref<40x128xf32, #tpu.memory_space<hbm>>
        tpu.enqueue_dma source(%arg6 : memref<40x128xf32, #tpu.memory_space<vmem>>) target(%dma_start3A_23 : memref<40x128xf32, #tpu.memory_space<hbm>>) target_semaphore(%run_scoped3A : memref<!tpu.dma_semaphore, #tpu.memory_space<semaphore_mem>>)
        %dma_wait3A_24 = arith.constant 0 : i32
        %dma_wait3A_25 = tpu.memref_slice %arg4[%add3A_19, %dma_wait3A_24] : memref<81920x128xf32, #tpu.memory_space<hbm>> -> memref<40x128xf32, #tpu.memory_space<hbm>>
        %dma_wait3A_26 = arith.constant 0 : i32
        %dma_wait3A_27 = tpu.memref_slice %arg4[%add3A_19, %dma_wait3A_26] : memref<81920x128xf32, #tpu.memory_space<hbm>> -> memref<40x128xf32, #tpu.memory_space<hbm>>
        tpu.wait_dma2 semaphore(%run_scoped3A : memref<!tpu.dma_semaphore, #tpu.memory_space<semaphore_mem>>) src(%arg6 : memref<40x128xf32, #tpu.memory_space<vmem>>) dst(%dma_wait3A_27 : memref<40x128xf32, #tpu.memory_space<hbm>>)
        tpu.yield
      }) : () -> ()
    }
    %scan3A_7 = arith.constant 64 : i32
    return
  }
}

#map = affine_map<(d0, d1) -> (0)>
#map1 = affine_map<(d0, d1) -> (0, 0)>
module attributes {stable_mosaic.version = 14 : i64} {
  func.func @k(%arg0: i32, %arg1: i32, %arg2: memref<81920xi32, #tpu.memory_space<hbm>>, %arg3: memref<4096x128xf32, #tpu.memory_space<hbm>>, %arg4: memref<81920x128xf32, #tpu.memory_space<hbm>>, %arg5: memref<2560xi32, #tpu.memory_space<vmem>>, %arg6: memref<40x128xf32, #tpu.memory_space<vmem>>, %arg7: memref<!tpu.dma_semaphore, #tpu.memory_space<semaphore_mem>>) attributes {dimension_semantics = [#tpu.dimension_semantics<core_parallel>, #tpu.dimension_semantics<subcore_parallel>], iteration_bounds = array<i64: 2, 16>, scalar_prefetch = 0 : i64, scratch_operands = 3 : i64, tpu.core_type = #tpu.core_type<sc_vector_subcore>, window_params = [{transform_indices = #map}, {transform_indices = #map1}, {transform_indices = #map1}]} {
    %mul3A = arith.constant 2 : i32
    %mul3A_0 = arith.muli %arg1, %mul3A : i32
    %add3A = arith.addi %mul3A_0, %arg0 : i32
    %mul3A_1 = arith.constant 2560 : i32
    %mul3A_2 = arith.muli %add3A, %mul3A_1 : i32
    "tpu.region"() ({
      %run_scoped3A = tpu.sem_alloc : memref<!tpu.dma_semaphore, #tpu.memory_space<semaphore_mem>>
      %dma_start3A = tpu.memref_slice %arg2[%mul3A_2] : memref<81920xi32, #tpu.memory_space<hbm>> -> memref<2560xi32, #tpu.memory_space<hbm>>
      %dma_start3A_8 = tpu.memref_slice %arg2[%mul3A_2] : memref<81920xi32, #tpu.memory_space<hbm>> -> memref<2560xi32, #tpu.memory_space<hbm>>
      tpu.enqueue_dma source(%dma_start3A_8 : memref<2560xi32, #tpu.memory_space<hbm>>) target(%arg5 : memref<2560xi32, #tpu.memory_space<vmem>>) target_semaphore(%run_scoped3A : memref<!tpu.dma_semaphore, #tpu.memory_space<semaphore_mem>>)
      %dma_wait3A = tpu.memref_slice %arg2[%mul3A_2] : memref<81920xi32, #tpu.memory_space<hbm>> -> memref<2560xi32, #tpu.memory_space<hbm>>
      %dma_wait3A_9 = tpu.memref_slice %arg2[%mul3A_2] : memref<81920xi32, #tpu.memory_space<hbm>> -> memref<2560xi32, #tpu.memory_space<hbm>>
      tpu.wait_dma2 semaphore(%run_scoped3A : memref<!tpu.dma_semaphore, #tpu.memory_space<semaphore_mem>>) src(%dma_wait3A_9 : memref<2560xi32, #tpu.memory_space<hbm>>) dst(%arg5 : memref<2560xi32, #tpu.memory_space<vmem>>)
      tpu.yield
    }) : () -> ()
    %scan3A = arith.constant 0 : i32
    %scan3A_3 = arith.constant 0 : i32
    %scan3A_4 = arith.constant 64 : i32
    %scan3A_5 = arith.addi %scan3A_3, %scan3A_4 : i32
    %scan3A_6 = arith.constant 1 : i32
    scf.for %scan3A_8 = %scan3A_3 to %scan3A_5 step %scan3A_6  : i32 {
      %mul3A_9 = arith.constant 40 : i32
      %mul3A_10 = arith.muli %scan3A_8, %mul3A_9 : i32
      %multiple_of3A = tpu.assume_multiple %mul3A_10, 8 : i32
      %dma_start3A = tpu.memref_slice %arg5[%multiple_of3A] : memref<2560xi32, #tpu.memory_space<vmem>> -> memref<40xi32, #tpu.memory_space<vmem>>
      %dma_start3A_11 = arith.constant 0 : i32
      %dma_start3A_12 = arith.constant 0 : i32
      %dma_start3A_13 = tpu.memref_slice %arg3[%dma_start3A_11, %dma_start3A_12] : memref<4096x128xf32, #tpu.memory_space<hbm>> -> memref<4096x128xf32, #tpu.memory_space<hbm>>
      tpu.enqueue_indirect_dma source(%dma_start3A_13 : memref<4096x128xf32, #tpu.memory_space<hbm>>) target(%arg6 : memref<40x128xf32, #tpu.memory_space<vmem>>) offsets(%dma_start3A : memref<40xi32, #tpu.memory_space<vmem>>) semaphore(%arg7 : memref<!tpu.dma_semaphore, #tpu.memory_space<semaphore_mem>>)
      %dma_wait3A = tpu.memref_slice %arg5[%multiple_of3A] : memref<2560xi32, #tpu.memory_space<vmem>> -> memref<40xi32, #tpu.memory_space<vmem>>
      %dma_wait3A_14 = arith.constant 0 : i32
      %dma_wait3A_15 = arith.constant 0 : i32
      %dma_wait3A_16 = tpu.memref_slice %arg3[%dma_wait3A_14, %dma_wait3A_15] : memref<4096x128xf32, #tpu.memory_space<hbm>> -> memref<4096x128xf32, #tpu.memory_space<hbm>>
      tpu.wait_indirect_dma semaphore(%arg7 : memref<!tpu.dma_semaphore, #tpu.memory_space<semaphore_mem>>) src(%dma_wait3A_16 : memref<4096x128xf32, #tpu.memory_space<hbm>>) dst(%arg6 : memref<40x128xf32, #tpu.memory_space<vmem>>)
      %mul3A_17 = arith.constant 40 : i32
      %mul3A_18 = arith.muli %scan3A_8, %mul3A_17 : i32
      %add3A_19 = arith.addi %mul3A_2, %mul3A_18 : i32
      "tpu.region"() ({
        %run_scoped3A = tpu.sem_alloc : memref<!tpu.dma_semaphore, #tpu.memory_space<semaphore_mem>>
        %dma_start3A_20 = arith.constant 0 : i32
        %dma_start3A_21 = tpu.memref_slice %arg4[%add3A_19, %dma_start3A_20] : memref<81920x128xf32, #tpu.memory_space<hbm>> -> memref<40x128xf32, #tpu.memory_space<hbm>>
        %dma_start3A_22 = arith.constant 0 : i32
        %dma_start3A_23 = tpu.memref_slice %arg4[%add3A_19, %dma_start3A_22] : memref<81920x128xf32, #tpu.memory_space<hbm>> -> memref<40x128xf32, #tpu.memory_space<hbm>>
        tpu.enqueue_dma source(%arg6 : memref<40x128xf32, #tpu.memory_space<vmem>>) target(%dma_start3A_23 : memref<40x128xf32, #tpu.memory_space<hbm>>) target_semaphore(%run_scoped3A : memref<!tpu.dma_semaphore, #tpu.memory_space<semaphore_mem>>)
        %dma_wait3A_24 = arith.constant 0 : i32
        %dma_wait3A_25 = tpu.memref_slice %arg4[%add3A_19, %dma_wait3A_24] : memref<81920x128xf32, #tpu.memory_space<hbm>> -> memref<40x128xf32, #tpu.memory_space<hbm>>
        %dma_wait3A_26 = arith.constant 0 : i32
        %dma_wait3A_27 = tpu.memref_slice %arg4[%add3A_19, %dma_wait3A_26] : memref<81920x128xf32, #tpu.memory_space<hbm>> -> memref<40x128xf32, #tpu.memory_space<hbm>>
        tpu.wait_dma2 semaphore(%run_scoped3A : memref<!tpu.dma_semaphore, #tpu.memory_space<semaphore_mem>>) src(%arg6 : memref<40x128xf32, #tpu.memory_space<vmem>>) dst(%dma_wait3A_27 : memref<40x128xf32, #tpu.memory_space<hbm>>)
        tpu.yield
      }) : () -> ()
    }
    %scan3A_7 = arith.constant 64 : i32
    return
  }
}

module attributes {stable_mosaic.version = 14 : i64} {
  func.func @_topk_body(%arg0: i32, %arg1: memref<256x4xf32, #tpu.memory_space<vmem>>, %arg2: memref<4096x4xf32, #tpu.memory_space<vmem>>, %arg3: memref<4x4096xf32, #tpu.memory_space<vmem>>, %arg4: memref<256x32xi32, #tpu.memory_space<vmem>>) attributes {dimension_semantics = [#tpu.dimension_semantics<arbitrary>], iteration_bounds = array<i64: 16>, scalar_prefetch = 0 : i64, scratch_operands = 0 : i64, tpu.core_type = #tpu.core_type<tc>, window_params = [{transform_indices = @transform_0, window_bounds = array<i64: 256, 4>}, {pipeline_mode = #tpu.pipeline_mode<synchronous>, transform_indices = @transform_1, window_bounds = array<i64: 4096, 4>}, {pipeline_mode = #tpu.pipeline_mode<synchronous>, transform_indices = @transform_2, window_bounds = array<i64: 4, 4096>}, {transform_indices = @transform_3, window_bounds = array<i64: 256, 32>}]} {
    %get3A = arith.constant 0 : index
    %get3A_0 = arith.constant 0 : index
    %get3A_1 = vector.load %arg1[%get3A, %get3A_0] : memref<256x4xf32, #tpu.memory_space<vmem>>, vector<256x4xf32>
    %get3A_2 = arith.constant 0 : index
    %get3A_3 = arith.constant 0 : index
    %get3A_4 = vector.load %arg3[%get3A_2, %get3A_3] : memref<4x4096xf32, #tpu.memory_space<vmem>>, vector<4x4096xf32>
    %convert_element_type3A = arith.truncf %get3A_1 : vector<256x4xf32> to vector<256x4xbf16>
    %convert_element_type3A_5 = arith.extf %convert_element_type3A : vector<256x4xbf16> to vector<256x4xf32>
    %convert_element_type3A_6 = arith.truncf %get3A_4 : vector<4x4096xf32> to vector<4x4096xbf16>
    %convert_element_type3A_7 = arith.extf %convert_element_type3A_6 : vector<4x4096xbf16> to vector<4x4096xf32>
    %slice3A = vector.extract_strided_slice %convert_element_type3A_5 {offsets = [0, 0], sizes = [256, 1], strides = [1, 1]} : vector<256x4xf32> to vector<256x1xf32>
    %slice3A_8 = vector.extract_strided_slice %convert_element_type3A_7 {offsets = [0, 0], sizes = [1, 4096], strides = [1, 1]} : vector<4x4096xf32> to vector<1x4096xf32>
    %mul3A = vector.broadcast %slice3A : vector<256x1xf32> to vector<256x4096xf32>
    %mul3A_9 = vector.broadcast %slice3A_8 : vector<1x4096xf32> to vector<256x4096xf32>
    %mul3A_10 = arith.mulf %mul3A, %mul3A_9 : vector<256x4096xf32>
    %slice3A_11 = vector.extract_strided_slice %convert_element_type3A_5 {offsets = [0, 1], sizes = [256, 1], strides = [1, 1]} : vector<256x4xf32> to vector<256x1xf32>
    %slice3A_12 = vector.extract_strided_slice %convert_element_type3A_7 {offsets = [1, 0], sizes = [1, 4096], strides = [1, 1]} : vector<4x4096xf32> to vector<1x4096xf32>
    %mul3A_13 = vector.broadcast %slice3A_11 : vector<256x1xf32> to vector<256x4096xf32>
    %mul3A_14 = vector.broadcast %slice3A_12 : vector<1x4096xf32> to vector<256x4096xf32>
    %mul3A_15 = arith.mulf %mul3A_13, %mul3A_14 : vector<256x4096xf32>
    %add3A = arith.addf %mul3A_10, %mul3A_15 : vector<256x4096xf32>
    %slice3A_16 = vector.extract_strided_slice %convert_element_type3A_5 {offsets = [0, 2], sizes = [256, 1], strides = [1, 1]} : vector<256x4xf32> to vector<256x1xf32>
    %slice3A_17 = vector.extract_strided_slice %convert_element_type3A_7 {offsets = [2, 0], sizes = [1, 4096], strides = [1, 1]} : vector<4x4096xf32> to vector<1x4096xf32>
    %mul3A_18 = vector.broadcast %slice3A_16 : vector<256x1xf32> to vector<256x4096xf32>
    %mul3A_19 = vector.broadcast %slice3A_17 : vector<1x4096xf32> to vector<256x4096xf32>
    %mul3A_20 = arith.mulf %mul3A_18, %mul3A_19 : vector<256x4096xf32>
    %add3A_21 = arith.addf %add3A, %mul3A_20 : vector<256x4096xf32>
    %slice3A_22 = vector.extract_strided_slice %convert_element_type3A_5 {offsets = [0, 3], sizes = [256, 1], strides = [1, 1]} : vector<256x4xf32> to vector<256x1xf32>
    %slice3A_23 = vector.extract_strided_slice %convert_element_type3A_7 {offsets = [3, 0], sizes = [1, 4096], strides = [1, 1]} : vector<4x4096xf32> to vector<1x4096xf32>
    %mul3A_24 = vector.broadcast %slice3A_22 : vector<256x1xf32> to vector<256x4096xf32>
    %mul3A_25 = vector.broadcast %slice3A_23 : vector<1x4096xf32> to vector<256x4096xf32>
    %mul3A_26 = arith.mulf %mul3A_24, %mul3A_25 : vector<256x4096xf32>
    %add3A_27 = arith.addf %add3A_21, %mul3A_26 : vector<256x4096xf32>
    %mul3A_28 = arith.mulf %get3A_4, %get3A_4 : vector<4x4096xf32>
    %reduce_sum3A = arith.constant dense<0.000000e+00> : vector<4096xf32>
    %reduce_sum3A_29 = vector.multi_reduction <add>, %mul3A_28, %reduce_sum3A [0] : vector<4x4096xf32> to vector<4096xf32>
    %broadcast_in_dim3A = vector.shape_cast %reduce_sum3A_29 : vector<4096xf32> to vector<1x4096xf32>
    %mul3A_30 = arith.mulf %get3A_1, %get3A_1 : vector<256x4xf32>
    %reduce_sum3A_31 = arith.constant dense<0.000000e+00> : vector<256xf32>
    %reduce_sum3A_32 = vector.multi_reduction <add>, %mul3A_30, %reduce_sum3A_31 [1] : vector<256x4xf32> to vector<256xf32>
    %broadcast_in_dim3A_33 = vector.shape_cast %reduce_sum3A_32 : vector<256xf32> to vector<256x1xf32>
    %mul3A_34 = arith.constant 2.000000e+00 : f32
    %mul3A_35 = vector.broadcast %mul3A_34 : f32 to vector<256x4096xf32>
    %mul3A_36 = arith.mulf %mul3A_35, %add3A_27 : vector<256x4096xf32>
    %sub3A = vector.broadcast %broadcast_in_dim3A_33 : vector<256x1xf32> to vector<256x4096xf32>
    %sub3A_37 = arith.subf %mul3A_36, %sub3A : vector<256x4096xf32>
    %sub3A_38 = vector.broadcast %broadcast_in_dim3A : vector<1x4096xf32> to vector<256x4096xf32>
    %sub3A_39 = arith.subf %sub3A_37, %sub3A_38 : vector<256x4096xf32>
    %iota3A = tpu.iota {dimensions = array<i32: 1>} : vector<256x4096xi32>
    %reduce_max3A = arith.constant dense<0xFF800000> : vector<256xf32>
    %reduce_max3A_40 = vector.multi_reduction <maximumf>, %sub3A_39, %reduce_max3A [1] : vector<256x4096xf32> to vector<256xf32>
    %broadcast_in_dim3A_41 = vector.shape_cast %reduce_max3A_40 : vector<256xf32> to vector<256x1xf32>
    %eq3A = vector.broadcast %broadcast_in_dim3A_41 : vector<256x1xf32> to vector<256x4096xf32>
    %eq3A_42 = arith.cmpf oeq, %sub3A_39, %eq3A : vector<256x4096xf32>
    %jit3A = arith.constant 4096 : i32
    %broadcast_in_dim3A_43 = vector.broadcast %jit3A : i32 to vector<256x4096xi32>
    %select_n3A = arith.select %eq3A_42, %iota3A, %broadcast_in_dim3A_43 : vector<256x4096xi1>, vector<256x4096xi32>
    %reduce_min3A = arith.constant dense<2147483647> : vector<256xi32>
    %reduce_min3A_44 = vector.multi_reduction <minsi>, %select_n3A, %reduce_min3A [1] : vector<256x4096xi32> to vector<256xi32>
    %broadcast_in_dim3A_45 = vector.shape_cast %reduce_min3A_44 : vector<256xi32> to vector<256x1xi32>
    %swap3A = arith.constant 0 : index
    %swap3A_46 = arith.constant 0 : index
    %swap3A_47 = vector.load %arg4[%swap3A, %swap3A_46] : memref<256x32xi32, #tpu.memory_space<vmem>>, vector<256x1xi32>
    tpu.vector_store %arg4[%swap3A, %swap3A_46], %broadcast_in_dim3A_45 {strides = array<i32>} : memref<256x32xi32, #tpu.memory_space<vmem>>, vector<256x1xi32>,
    %eq3A_48 = vector.broadcast %broadcast_in_dim3A_45 : vector<256x1xi32> to vector<256x4096xi32>
    %eq3A_49 = arith.cmpi eq, %iota3A, %eq3A_48 : vector<256x4096xi32>
    %jit3A_50 = arith.constant 0xFF800000 : f32
    %broadcast_in_dim3A_51 = vector.broadcast %jit3A_50 : f32 to vector<256x4096xf32>
    %select_n3A_52 = arith.select %eq3A_49, %broadcast_in_dim3A_51, %sub3A_39 : vector<256x4096xi1>, vector<256x4096xf32>
    %reduce_max3A_53 = arith.constant dense<0xFF800000> : vector<256xf32>
    %reduce_max3A_54 = vector.multi_reduction <maximumf>, %select_n3A_52, %reduce_max3A_53 [1] : vector<256x4096xf32> to vector<256xf32>
    %broadcast_in_dim3A_55 = vector.shape_cast %reduce_max3A_54 : vector<256xf32> to vector<256x1xf32>
    %eq3A_56 = vector.broadcast %broadcast_in_dim3A_55 : vector<256x1xf32> to vector<256x4096xf32>
    %eq3A_57 = arith.cmpf oeq, %select_n3A_52, %eq3A_56 : vector<256x4096xf32>
    %jit3A_58 = arith.constant 4096 : i32
    %broadcast_in_dim3A_59 = vector.broadcast %jit3A_58 : i32 to vector<256x4096xi32>
    %select_n3A_60 = arith.select %eq3A_57, %iota3A, %broadcast_in_dim3A_59 : vector<256x4096xi1>, vector<256x4096xi32>
    %reduce_min3A_61 = arith.constant dense<2147483647> : vector<256xi32>
    %reduce_min3A_62 = vector.multi_reduction <minsi>, %select_n3A_60, %reduce_min3A_61 [1] : vector<256x4096xi32> to vector<256xi32>
    %broadcast_in_dim3A_63 = vector.shape_cast %reduce_min3A_62 : vector<256xi32> to vector<256x1xi32>
    %swap3A_64 = arith.constant 0 : index
    %swap3A_65 = arith.constant 1 : index
    %swap3A_66 = vector.load %arg4[%swap3A_64, %swap3A_65] : memref<256x32xi32, #tpu.memory_space<vmem>>, vector<256x1xi32>
    tpu.vector_store %arg4[%swap3A_64, %swap3A_65], %broadcast_in_dim3A_63 {strides = array<i32>} : memref<256x32xi32, #tpu.memory_space<vmem>>, vector<256x1xi32>,
    %eq3A_67 = vector.broadcast %broadcast_in_dim3A_63 : vector<256x1xi32> to vector<256x4096xi32>
    %eq3A_68 = arith.cmpi eq, %iota3A, %eq3A_67 : vector<256x4096xi32>
    %jit3A_69 = arith.constant 0xFF800000 : f32
    %broadcast_in_dim3A_70 = vector.broadcast %jit3A_69 : f32 to vector<256x4096xf32>
    %select_n3A_71 = arith.select %eq3A_68, %broadcast_in_dim3A_70, %select_n3A_52 : vector<256x4096xi1>, vector<256x4096xf32>
    %reduce_max3A_72 = arith.constant dense<0xFF800000> : vector<256xf32>
    %reduce_max3A_73 = vector.multi_reduction <maximumf>, %select_n3A_71, %reduce_max3A_72 [1] : vector<256x4096xf32> to vector<256xf32>
    %broadcast_in_dim3A_74 = vector.shape_cast %reduce_max3A_73 : vector<256xf32> to vector<256x1xf32>
    %eq3A_75 = vector.broadcast %broadcast_in_dim3A_74 : vector<256x1xf32> to vector<256x4096xf32>
    %eq3A_76 = arith.cmpf oeq, %select_n3A_71, %eq3A_75 : vector<256x4096xf32>
    %jit3A_77 = arith.constant 4096 : i32
    %broadcast_in_dim3A_78 = vector.broadcast %jit3A_77 : i32 to vector<256x4096xi32>
    %select_n3A_79 = arith.select %eq3A_76, %iota3A, %broadcast_in_dim3A_78 : vector<256x4096xi1>, vector<256x4096xi32>
    %reduce_min3A_80 = arith.constant dense<2147483647> : vector<256xi32>
    %reduce_min3A_81 = vector.multi_reduction <minsi>, %select_n3A_79, %reduce_min3A_80 [1] : vector<256x4096xi32> to vector<256xi32>
    %broadcast_in_dim3A_82 = vector.shape_cast %reduce_min3A_81 : vector<256xi32> to vector<256x1xi32>
    %swap3A_83 = arith.constant 0 : index
    %swap3A_84 = arith.constant 2 : index
    %swap3A_85 = vector.load %arg4[%swap3A_83, %swap3A_84] : memref<256x32xi32, #tpu.memory_space<vmem>>, vector<256x1xi32>
    tpu.vector_store %arg4[%swap3A_83, %swap3A_84], %broadcast_in_dim3A_82 {strides = array<i32>} : memref<256x32xi32, #tpu.memory_space<vmem>>, vector<256x1xi32>,
    %eq3A_86 = vector.broadcast %broadcast_in_dim3A_82 : vector<256x1xi32> to vector<256x4096xi32>
    %eq3A_87 = arith.cmpi eq, %iota3A, %eq3A_86 : vector<256x4096xi32>
    %jit3A_88 = arith.constant 0xFF800000 : f32
    %broadcast_in_dim3A_89 = vector.broadcast %jit3A_88 : f32 to vector<256x4096xf32>
    %select_n3A_90 = arith.select %eq3A_87, %broadcast_in_dim3A_89, %select_n3A_71 : vector<256x4096xi1>, vector<256x4096xf32>
    %reduce_max3A_91 = arith.constant dense<0xFF800000> : vector<256xf32>
    %reduce_max3A_92 = vector.multi_reduction <maximumf>, %select_n3A_90, %reduce_max3A_91 [1] : vector<256x4096xf32> to vector<256xf32>
    %broadcast_in_dim3A_93 = vector.shape_cast %reduce_max3A_92 : vector<256xf32> to vector<256x1xf32>
    %eq3A_94 = vector.broadcast %broadcast_in_dim3A_93 : vector<256x1xf32> to vector<256x4096xf32>
    %eq3A_95 = arith.cmpf oeq, %select_n3A_90, %eq3A_94 : vector<256x4096xf32>
    %jit3A_96 = arith.constant 4096 : i32
    %broadcast_in_dim3A_97 = vector.broadcast %jit3A_96 : i32 to vector<256x4096xi32>
    %select_n3A_98 = arith.select %eq3A_95, %iota3A, %broadcast_in_dim3A_97 : vector<256x4096xi1>, vector<256x4096xi32>
    %reduce_min3A_99 = arith.constant dense<2147483647> : vector<256xi32>
    %reduce_min3A_100 = vector.multi_reduction <minsi>, %select_n3A_98, %reduce_min3A_99 [1] : vector<256x4096xi32> to vector<256xi32>
    %broadcast_in_dim3A_101 = vector.shape_cast %reduce_min3A_100 : vector<256xi32> to vector<256x1xi32>
    %swap3A_102 = arith.constant 0 : index
    %swap3A_103 = arith.constant 3 : index
    %swap3A_104 = vector.load %arg4[%swap3A_102, %swap3A_103] : memref<256x32xi32, #tpu.memory_space<vmem>>, vector<256x1xi32>
    tpu.vector_store %arg4[%swap3A_102, %swap3A_103], %broadcast_in_dim3A_101 {strides = array<i32>} : memref<256x32xi32, #tpu.memory_space<vmem>>, vector<256x1xi32>,
    %eq3A_105 = vector.broadcast %broadcast_in_dim3A_101 : vector<256x1xi32> to vector<256x4096xi32>
    %eq3A_106 = arith.cmpi eq, %iota3A, %eq3A_105 : vector<256x4096xi32>
    %jit3A_107 = arith.constant 0xFF800000 : f32
    %broadcast_in_dim3A_108 = vector.broadcast %jit3A_107 : f32 to vector<256x4096xf32>
    %select_n3A_109 = arith.select %eq3A_106, %broadcast_in_dim3A_108, %select_n3A_90 : vector<256x4096xi1>, vector<256x4096xf32>
    %reduce_max3A_110 = arith.constant dense<0xFF800000> : vector<256xf32>
    %reduce_max3A_111 = vector.multi_reduction <maximumf>, %select_n3A_109, %reduce_max3A_110 [1] : vector<256x4096xf32> to vector<256xf32>
    %broadcast_in_dim3A_112 = vector.shape_cast %reduce_max3A_111 : vector<256xf32> to vector<256x1xf32>
    %eq3A_113 = vector.broadcast %broadcast_in_dim3A_112 : vector<256x1xf32> to vector<256x4096xf32>
    %eq3A_114 = arith.cmpf oeq, %select_n3A_109, %eq3A_113 : vector<256x4096xf32>
    %jit3A_115 = arith.constant 4096 : i32
    %broadcast_in_dim3A_116 = vector.broadcast %jit3A_115 : i32 to vector<256x4096xi32>
    %select_n3A_117 = arith.select %eq3A_114, %iota3A, %broadcast_in_dim3A_116 : vector<256x4096xi1>, vector<256x4096xi32>
    %reduce_min3A_118 = arith.constant dense<2147483647> : vector<256xi32>
    %reduce_min3A_119 = vector.multi_reduction <minsi>, %select_n3A_117, %reduce_min3A_118 [1] : vector<256x4096xi32> to vector<256xi32>
    %broadcast_in_dim3A_120 = vector.shape_cast %reduce_min3A_119 : vector<256xi32> to vector<256x1xi32>
    %swap3A_121 = arith.constant 0 : index
    %swap3A_122 = arith.constant 4 : index
    %swap3A_123 = vector.load %arg4[%swap3A_121, %swap3A_122] : memref<256x32xi32, #tpu.memory_space<vmem>>, vector<256x1xi32>
    tpu.vector_store %arg4[%swap3A_121, %swap3A_122], %broadcast_in_dim3A_120 {strides = array<i32>} : memref<256x32xi32, #tpu.memory_space<vmem>>, vector<256x1xi32>,
    %eq3A_124 = vector.broadcast %broadcast_in_dim3A_120 : vector<256x1xi32> to vector<256x4096xi32>
    %eq3A_125 = arith.cmpi eq, %iota3A, %eq3A_124 : vector<256x4096xi32>
    %jit3A_126 = arith.constant 0xFF800000 : f32
    %broadcast_in_dim3A_127 = vector.broadcast %jit3A_126 : f32 to vector<256x4096xf32>
    %select_n3A_128 = arith.select %eq3A_125, %broadcast_in_dim3A_127, %select_n3A_109 : vector<256x4096xi1>, vector<256x4096xf32>
    %reduce_max3A_129 = arith.constant dense<0xFF800000> : vector<256xf32>
    %reduce_max3A_130 = vector.multi_reduction <maximumf>, %select_n3A_128, %reduce_max3A_129 [1] : vector<256x4096xf32> to vector<256xf32>
    %broadcast_in_dim3A_131 = vector.shape_cast %reduce_max3A_130 : vector<256xf32> to vector<256x1xf32>
    %eq3A_132 = vector.broadcast %broadcast_in_dim3A_131 : vector<256x1xf32> to vector<256x4096xf32>
    %eq3A_133 = arith.cmpf oeq, %select_n3A_128, %eq3A_132 : vector<256x4096xf32>
    %jit3A_134 = arith.constant 4096 : i32
    %broadcast_in_dim3A_135 = vector.broadcast %jit3A_134 : i32 to vector<256x4096xi32>
    %select_n3A_136 = arith.select %eq3A_133, %iota3A, %broadcast_in_dim3A_135 : vector<256x4096xi1>, vector<256x4096xi32>
    %reduce_min3A_137 = arith.constant dense<2147483647> : vector<256xi32>
    %reduce_min3A_138 = vector.multi_reduction <minsi>, %select_n3A_136, %reduce_min3A_137 [1] : vector<256x4096xi32> to vector<256xi32>
    %broadcast_in_dim3A_139 = vector.shape_cast %reduce_min3A_138 : vector<256xi32> to vector<256x1xi32>
    %swap3A_140 = arith.constant 0 : index
    %swap3A_141 = arith.constant 5 : index
    %swap3A_142 = vector.load %arg4[%swap3A_140, %swap3A_141] : memref<256x32xi32, #tpu.memory_space<vmem>>, vector<256x1xi32>
    tpu.vector_store %arg4[%swap3A_140, %swap3A_141], %broadcast_in_dim3A_139 {strides = array<i32>} : memref<256x32xi32, #tpu.memory_space<vmem>>, vector<256x1xi32>,
    %eq3A_143 = vector.broadcast %broadcast_in_dim3A_139 : vector<256x1xi32> to vector<256x4096xi32>
    %eq3A_144 = arith.cmpi eq, %iota3A, %eq3A_143 : vector<256x4096xi32>
    %jit3A_145 = arith.constant 0xFF800000 : f32
    %broadcast_in_dim3A_146 = vector.broadcast %jit3A_145 : f32 to vector<256x4096xf32>
    %select_n3A_147 = arith.select %eq3A_144, %broadcast_in_dim3A_146, %select_n3A_128 : vector<256x4096xi1>, vector<256x4096xf32>
    %reduce_max3A_148 = arith.constant dense<0xFF800000> : vector<256xf32>
    %reduce_max3A_149 = vector.multi_reduction <maximumf>, %select_n3A_147, %reduce_max3A_148 [1] : vector<256x4096xf32> to vector<256xf32>
    %broadcast_in_dim3A_150 = vector.shape_cast %reduce_max3A_149 : vector<256xf32> to vector<256x1xf32>
    %eq3A_151 = vector.broadcast %broadcast_in_dim3A_150 : vector<256x1xf32> to vector<256x4096xf32>
    %eq3A_152 = arith.cmpf oeq, %select_n3A_147, %eq3A_151 : vector<256x4096xf32>
    %jit3A_153 = arith.constant 4096 : i32
    %broadcast_in_dim3A_154 = vector.broadcast %jit3A_153 : i32 to vector<256x4096xi32>
    %select_n3A_155 = arith.select %eq3A_152, %iota3A, %broadcast_in_dim3A_154 : vector<256x4096xi1>, vector<256x4096xi32>
    %reduce_min3A_156 = arith.constant dense<2147483647> : vector<256xi32>
    %reduce_min3A_157 = vector.multi_reduction <minsi>, %select_n3A_155, %reduce_min3A_156 [1] : vector<256x4096xi32> to vector<256xi32>
    %broadcast_in_dim3A_158 = vector.shape_cast %reduce_min3A_157 : vector<256xi32> to vector<256x1xi32>
    %swap3A_159 = arith.constant 0 : index
    %swap3A_160 = arith.constant 6 : index
    %swap3A_161 = vector.load %arg4[%swap3A_159, %swap3A_160] : memref<256x32xi32, #tpu.memory_space<vmem>>, vector<256x1xi32>
    tpu.vector_store %arg4[%swap3A_159, %swap3A_160], %broadcast_in_dim3A_158 {strides = array<i32>} : memref<256x32xi32, #tpu.memory_space<vmem>>, vector<256x1xi32>,
    %eq3A_162 = vector.broadcast %broadcast_in_dim3A_158 : vector<256x1xi32> to vector<256x4096xi32>
    %eq3A_163 = arith.cmpi eq, %iota3A, %eq3A_162 : vector<256x4096xi32>
    %jit3A_164 = arith.constant 0xFF800000 : f32
    %broadcast_in_dim3A_165 = vector.broadcast %jit3A_164 : f32 to vector<256x4096xf32>
    %select_n3A_166 = arith.select %eq3A_163, %broadcast_in_dim3A_165, %select_n3A_147 : vector<256x4096xi1>, vector<256x4096xf32>
    %reduce_max3A_167 = arith.constant dense<0xFF800000> : vector<256xf32>
    %reduce_max3A_168 = vector.multi_reduction <maximumf>, %select_n3A_166, %reduce_max3A_167 [1] : vector<256x4096xf32> to vector<256xf32>
    %broadcast_in_dim3A_169 = vector.shape_cast %reduce_max3A_168 : vector<256xf32> to vector<256x1xf32>
    %eq3A_170 = vector.broadcast %broadcast_in_dim3A_169 : vector<256x1xf32> to vector<256x4096xf32>
    %eq3A_171 = arith.cmpf oeq, %select_n3A_166, %eq3A_170 : vector<256x4096xf32>
    %jit3A_172 = arith.constant 4096 : i32
    %broadcast_in_dim3A_173 = vector.broadcast %jit3A_172 : i32 to vector<256x4096xi32>
    %select_n3A_174 = arith.select %eq3A_171, %iota3A, %broadcast_in_dim3A_173 : vector<256x4096xi1>, vector<256x4096xi32>
    %reduce_min3A_175 = arith.constant dense<2147483647> : vector<256xi32>
    %reduce_min3A_176 = vector.multi_reduction <minsi>, %select_n3A_174, %reduce_min3A_175 [1] : vector<256x4096xi32> to vector<256xi32>
    %broadcast_in_dim3A_177 = vector.shape_cast %reduce_min3A_176 : vector<256xi32> to vector<256x1xi32>
    %swap3A_178 = arith.constant 0 : index
    %swap3A_179 = arith.constant 7 : index
    %swap3A_180 = vector.load %arg4[%swap3A_178, %swap3A_179] : memref<256x32xi32, #tpu.memory_space<vmem>>, vector<256x1xi32>
    tpu.vector_store %arg4[%swap3A_178, %swap3A_179], %broadcast_in_dim3A_177 {strides = array<i32>} : memref<256x32xi32, #tpu.memory_space<vmem>>, vector<256x1xi32>,
    %eq3A_181 = vector.broadcast %broadcast_in_dim3A_177 : vector<256x1xi32> to vector<256x4096xi32>
    %eq3A_182 = arith.cmpi eq, %iota3A, %eq3A_181 : vector<256x4096xi32>
    %jit3A_183 = arith.constant 0xFF800000 : f32
    %broadcast_in_dim3A_184 = vector.broadcast %jit3A_183 : f32 to vector<256x4096xf32>
    %select_n3A_185 = arith.select %eq3A_182, %broadcast_in_dim3A_184, %select_n3A_166 : vector<256x4096xi1>, vector<256x4096xf32>
    %reduce_max3A_186 = arith.constant dense<0xFF800000> : vector<256xf32>
    %reduce_max3A_187 = vector.multi_reduction <maximumf>, %select_n3A_185, %reduce_max3A_186 [1] : vector<256x4096xf32> to vector<256xf32>
    %broadcast_in_dim3A_188 = vector.shape_cast %reduce_max3A_187 : vector<256xf32> to vector<256x1xf32>
    %eq3A_189 = vector.broadcast %broadcast_in_dim3A_188 : vector<256x1xf32> to vector<256x4096xf32>
    %eq3A_190 = arith.cmpf oeq, %select_n3A_185, %eq3A_189 : vector<256x4096xf32>
    %jit3A_191 = arith.constant 4096 : i32
    %broadcast_in_dim3A_192 = vector.broadcast %jit3A_191 : i32 to vector<256x4096xi32>
    %select_n3A_193 = arith.select %eq3A_190, %iota3A, %broadcast_in_dim3A_192 : vector<256x4096xi1>, vector<256x4096xi32>
    %reduce_min3A_194 = arith.constant dense<2147483647> : vector<256xi32>
    %reduce_min3A_195 = vector.multi_reduction <minsi>, %select_n3A_193, %reduce_min3A_194 [1] : vector<256x4096xi32> to vector<256xi32>
    %broadcast_in_dim3A_196 = vector.shape_cast %reduce_min3A_195 : vector<256xi32> to vector<256x1xi32>
    %swap3A_197 = arith.constant 0 : index
    %swap3A_198 = arith.constant 8 : index
    %swap3A_199 = vector.load %arg4[%swap3A_197, %swap3A_198] : memref<256x32xi32, #tpu.memory_space<vmem>>, vector<256x1xi32>
    tpu.vector_store %arg4[%swap3A_197, %swap3A_198], %broadcast_in_dim3A_196 {strides = array<i32>} : memref<256x32xi32, #tpu.memory_space<vmem>>, vector<256x1xi32>,
    %eq3A_200 = vector.broadcast %broadcast_in_dim3A_196 : vector<256x1xi32> to vector<256x4096xi32>
    %eq3A_201 = arith.cmpi eq, %iota3A, %eq3A_200 : vector<256x4096xi32>
    %jit3A_202 = arith.constant 0xFF800000 : f32
    %broadcast_in_dim3A_203 = vector.broadcast %jit3A_202 : f32 to vector<256x4096xf32>
    %select_n3A_204 = arith.select %eq3A_201, %broadcast_in_dim3A_203, %select_n3A_185 : vector<256x4096xi1>, vector<256x4096xf32>
    %reduce_max3A_205 = arith.constant dense<0xFF800000> : vector<256xf32>
    %reduce_max3A_206 = vector.multi_reduction <maximumf>, %select_n3A_204, %reduce_max3A_205 [1] : vector<256x4096xf32> to vector<256xf32>
    %broadcast_in_dim3A_207 = vector.shape_cast %reduce_max3A_206 : vector<256xf32> to vector<256x1xf32>
    %eq3A_208 = vector.broadcast %broadcast_in_dim3A_207 : vector<256x1xf32> to vector<256x4096xf32>
    %eq3A_209 = arith.cmpf oeq, %select_n3A_204, %eq3A_208 : vector<256x4096xf32>
    %jit3A_210 = arith.constant 4096 : i32
    %broadcast_in_dim3A_211 = vector.broadcast %jit3A_210 : i32 to vector<256x4096xi32>
    %select_n3A_212 = arith.select %eq3A_209, %iota3A, %broadcast_in_dim3A_211 : vector<256x4096xi1>, vector<256x4096xi32>
    %reduce_min3A_213 = arith.constant dense<2147483647> : vector<256xi32>
    %reduce_min3A_214 = vector.multi_reduction <minsi>, %select_n3A_212, %reduce_min3A_213 [1] : vector<256x4096xi32> to vector<256xi32>
    %broadcast_in_dim3A_215 = vector.shape_cast %reduce_min3A_214 : vector<256xi32> to vector<256x1xi32>
    %swap3A_216 = arith.constant 0 : index
    %swap3A_217 = arith.constant 9 : index
    %swap3A_218 = vector.load %arg4[%swap3A_216, %swap3A_217] : memref<256x32xi32, #tpu.memory_space<vmem>>, vector<256x1xi32>
    tpu.vector_store %arg4[%swap3A_216, %swap3A_217], %broadcast_in_dim3A_215 {strides = array<i32>} : memref<256x32xi32, #tpu.memory_space<vmem>>, vector<256x1xi32>,
    %eq3A_219 = vector.broadcast %broadcast_in_dim3A_215 : vector<256x1xi32> to vector<256x4096xi32>
    %eq3A_220 = arith.cmpi eq, %iota3A, %eq3A_219 : vector<256x4096xi32>
    %jit3A_221 = arith.constant 0xFF800000 : f32
    %broadcast_in_dim3A_222 = vector.broadcast %jit3A_221 : f32 to vector<256x4096xf32>
    %select_n3A_223 = arith.select %eq3A_220, %broadcast_in_dim3A_222, %select_n3A_204 : vector<256x4096xi1>, vector<256x4096xf32>
    %reduce_max3A_224 = arith.constant dense<0xFF800000> : vector<256xf32>
    %reduce_max3A_225 = vector.multi_reduction <maximumf>, %select_n3A_223, %reduce_max3A_224 [1] : vector<256x4096xf32> to vector<256xf32>
    %broadcast_in_dim3A_226 = vector.shape_cast %reduce_max3A_225 : vector<256xf32> to vector<256x1xf32>
    %eq3A_227 = vector.broadcast %broadcast_in_dim3A_226 : vector<256x1xf32> to vector<256x4096xf32>
    %eq3A_228 = arith.cmpf oeq, %select_n3A_223, %eq3A_227 : vector<256x4096xf32>
    %jit3A_229 = arith.constant 4096 : i32
    %broadcast_in_dim3A_230 = vector.broadcast %jit3A_229 : i32 to vector<256x4096xi32>
    %select_n3A_231 = arith.select %eq3A_228, %iota3A, %broadcast_in_dim3A_230 : vector<256x4096xi1>, vector<256x4096xi32>
    %reduce_min3A_232 = arith.constant dense<2147483647> : vector<256xi32>
    %reduce_min3A_233 = vector.multi_reduction <minsi>, %select_n3A_231, %reduce_min3A_232 [1] : vector<256x4096xi32> to vector<256xi32>
    %broadcast_in_dim3A_234 = vector.shape_cast %reduce_min3A_233 : vector<256xi32> to vector<256x1xi32>
    %swap3A_235 = arith.constant 0 : index
    %swap3A_236 = arith.constant 10 : index
    %swap3A_237 = vector.load %arg4[%swap3A_235, %swap3A_236] : memref<256x32xi32, #tpu.memory_space<vmem>>, vector<256x1xi32>
    tpu.vector_store %arg4[%swap3A_235, %swap3A_236], %broadcast_in_dim3A_234 {strides = array<i32>} : memref<256x32xi32, #tpu.memory_space<vmem>>, vector<256x1xi32>,
    %eq3A_238 = vector.broadcast %broadcast_in_dim3A_234 : vector<256x1xi32> to vector<256x4096xi32>
    %eq3A_239 = arith.cmpi eq, %iota3A, %eq3A_238 : vector<256x4096xi32>
    %jit3A_240 = arith.constant 0xFF800000 : f32
    %broadcast_in_dim3A_241 = vector.broadcast %jit3A_240 : f32 to vector<256x4096xf32>
    %select_n3A_242 = arith.select %eq3A_239, %broadcast_in_dim3A_241, %select_n3A_223 : vector<256x4096xi1>, vector<256x4096xf32>
    %reduce_max3A_243 = arith.constant dense<0xFF800000> : vector<256xf32>
    %reduce_max3A_244 = vector.multi_reduction <maximumf>, %select_n3A_242, %reduce_max3A_243 [1] : vector<256x4096xf32> to vector<256xf32>
    %broadcast_in_dim3A_245 = vector.shape_cast %reduce_max3A_244 : vector<256xf32> to vector<256x1xf32>
    %eq3A_246 = vector.broadcast %broadcast_in_dim3A_245 : vector<256x1xf32> to vector<256x4096xf32>
    %eq3A_247 = arith.cmpf oeq, %select_n3A_242, %eq3A_246 : vector<256x4096xf32>
    %jit3A_248 = arith.constant 4096 : i32
    %broadcast_in_dim3A_249 = vector.broadcast %jit3A_248 : i32 to vector<256x4096xi32>
    %select_n3A_250 = arith.select %eq3A_247, %iota3A, %broadcast_in_dim3A_249 : vector<256x4096xi1>, vector<256x4096xi32>
    %reduce_min3A_251 = arith.constant dense<2147483647> : vector<256xi32>
    %reduce_min3A_252 = vector.multi_reduction <minsi>, %select_n3A_250, %reduce_min3A_251 [1] : vector<256x4096xi32> to vector<256xi32>
    %broadcast_in_dim3A_253 = vector.shape_cast %reduce_min3A_252 : vector<256xi32> to vector<256x1xi32>
    %swap3A_254 = arith.constant 0 : index
    %swap3A_255 = arith.constant 11 : index
    %swap3A_256 = vector.load %arg4[%swap3A_254, %swap3A_255] : memref<256x32xi32, #tpu.memory_space<vmem>>, vector<256x1xi32>
    tpu.vector_store %arg4[%swap3A_254, %swap3A_255], %broadcast_in_dim3A_253 {strides = array<i32>} : memref<256x32xi32, #tpu.memory_space<vmem>>, vector<256x1xi32>,
    %eq3A_257 = vector.broadcast %broadcast_in_dim3A_253 : vector<256x1xi32> to vector<256x4096xi32>
    %eq3A_258 = arith.cmpi eq, %iota3A, %eq3A_257 : vector<256x4096xi32>
    %jit3A_259 = arith.constant 0xFF800000 : f32
    %broadcast_in_dim3A_260 = vector.broadcast %jit3A_259 : f32 to vector<256x4096xf32>
    %select_n3A_261 = arith.select %eq3A_258, %broadcast_in_dim3A_260, %select_n3A_242 : vector<256x4096xi1>, vector<256x4096xf32>
    %reduce_max3A_262 = arith.constant dense<0xFF800000> : vector<256xf32>
    %reduce_max3A_263 = vector.multi_reduction <maximumf>, %select_n3A_261, %reduce_max3A_262 [1] : vector<256x4096xf32> to vector<256xf32>
    %broadcast_in_dim3A_264 = vector.shape_cast %reduce_max3A_263 : vector<256xf32> to vector<256x1xf32>
    %eq3A_265 = vector.broadcast %broadcast_in_dim3A_264 : vector<256x1xf32> to vector<256x4096xf32>
    %eq3A_266 = arith.cmpf oeq, %select_n3A_261, %eq3A_265 : vector<256x4096xf32>
    %jit3A_267 = arith.constant 4096 : i32
    %broadcast_in_dim3A_268 = vector.broadcast %jit3A_267 : i32 to vector<256x4096xi32>
    %select_n3A_269 = arith.select %eq3A_266, %iota3A, %broadcast_in_dim3A_268 : vector<256x4096xi1>, vector<256x4096xi32>
    %reduce_min3A_270 = arith.constant dense<2147483647> : vector<256xi32>
    %reduce_min3A_271 = vector.multi_reduction <minsi>, %select_n3A_269, %reduce_min3A_270 [1] : vector<256x4096xi32> to vector<256xi32>
    %broadcast_in_dim3A_272 = vector.shape_cast %reduce_min3A_271 : vector<256xi32> to vector<256x1xi32>
    %swap3A_273 = arith.constant 0 : index
    %swap3A_274 = arith.constant 12 : index
    %swap3A_275 = vector.load %arg4[%swap3A_273, %swap3A_274] : memref<256x32xi32, #tpu.memory_space<vmem>>, vector<256x1xi32>
    tpu.vector_store %arg4[%swap3A_273, %swap3A_274], %broadcast_in_dim3A_272 {strides = array<i32>} : memref<256x32xi32, #tpu.memory_space<vmem>>, vector<256x1xi32>,
    %eq3A_276 = vector.broadcast %broadcast_in_dim3A_272 : vector<256x1xi32> to vector<256x4096xi32>
    %eq3A_277 = arith.cmpi eq, %iota3A, %eq3A_276 : vector<256x4096xi32>
    %jit3A_278 = arith.constant 0xFF800000 : f32
    %broadcast_in_dim3A_279 = vector.broadcast %jit3A_278 : f32 to vector<256x4096xf32>
    %select_n3A_280 = arith.select %eq3A_277, %broadcast_in_dim3A_279, %select_n3A_261 : vector<256x4096xi1>, vector<256x4096xf32>
    %reduce_max3A_281 = arith.constant dense<0xFF800000> : vector<256xf32>
    %reduce_max3A_282 = vector.multi_reduction <maximumf>, %select_n3A_280, %reduce_max3A_281 [1] : vector<256x4096xf32> to vector<256xf32>
    %broadcast_in_dim3A_283 = vector.shape_cast %reduce_max3A_282 : vector<256xf32> to vector<256x1xf32>
    %eq3A_284 = vector.broadcast %broadcast_in_dim3A_283 : vector<256x1xf32> to vector<256x4096xf32>
    %eq3A_285 = arith.cmpf oeq, %select_n3A_280, %eq3A_284 : vector<256x4096xf32>
    %jit3A_286 = arith.constant 4096 : i32
    %broadcast_in_dim3A_287 = vector.broadcast %jit3A_286 : i32 to vector<256x4096xi32>
    %select_n3A_288 = arith.select %eq3A_285, %iota3A, %broadcast_in_dim3A_287 : vector<256x4096xi1>, vector<256x4096xi32>
    %reduce_min3A_289 = arith.constant dense<2147483647> : vector<256xi32>
    %reduce_min3A_290 = vector.multi_reduction <minsi>, %select_n3A_288, %reduce_min3A_289 [1] : vector<256x4096xi32> to vector<256xi32>
    %broadcast_in_dim3A_291 = vector.shape_cast %reduce_min3A_290 : vector<256xi32> to vector<256x1xi32>
    %swap3A_292 = arith.constant 0 : index
    %swap3A_293 = arith.constant 13 : index
    %swap3A_294 = vector.load %arg4[%swap3A_292, %swap3A_293] : memref<256x32xi32, #tpu.memory_space<vmem>>, vector<256x1xi32>
    tpu.vector_store %arg4[%swap3A_292, %swap3A_293], %broadcast_in_dim3A_291 {strides = array<i32>} : memref<256x32xi32, #tpu.memory_space<vmem>>, vector<256x1xi32>,
    %eq3A_295 = vector.broadcast %broadcast_in_dim3A_291 : vector<256x1xi32> to vector<256x4096xi32>
    %eq3A_296 = arith.cmpi eq, %iota3A, %eq3A_295 : vector<256x4096xi32>
    %jit3A_297 = arith.constant 0xFF800000 : f32
    %broadcast_in_dim3A_298 = vector.broadcast %jit3A_297 : f32 to vector<256x4096xf32>
    %select_n3A_299 = arith.select %eq3A_296, %broadcast_in_dim3A_298, %select_n3A_280 : vector<256x4096xi1>, vector<256x4096xf32>
    %reduce_max3A_300 = arith.constant dense<0xFF800000> : vector<256xf32>
    %reduce_max3A_301 = vector.multi_reduction <maximumf>, %select_n3A_299, %reduce_max3A_300 [1] : vector<256x4096xf32> to vector<256xf32>
    %broadcast_in_dim3A_302 = vector.shape_cast %reduce_max3A_301 : vector<256xf32> to vector<256x1xf32>
    %eq3A_303 = vector.broadcast %broadcast_in_dim3A_302 : vector<256x1xf32> to vector<256x4096xf32>
    %eq3A_304 = arith.cmpf oeq, %select_n3A_299, %eq3A_303 : vector<256x4096xf32>
    %jit3A_305 = arith.constant 4096 : i32
    %broadcast_in_dim3A_306 = vector.broadcast %jit3A_305 : i32 to vector<256x4096xi32>
    %select_n3A_307 = arith.select %eq3A_304, %iota3A, %broadcast_in_dim3A_306 : vector<256x4096xi1>, vector<256x4096xi32>
    %reduce_min3A_308 = arith.constant dense<2147483647> : vector<256xi32>
    %reduce_min3A_309 = vector.multi_reduction <minsi>, %select_n3A_307, %reduce_min3A_308 [1] : vector<256x4096xi32> to vector<256xi32>
    %broadcast_in_dim3A_310 = vector.shape_cast %reduce_min3A_309 : vector<256xi32> to vector<256x1xi32>
    %swap3A_311 = arith.constant 0 : index
    %swap3A_312 = arith.constant 14 : index
    %swap3A_313 = vector.load %arg4[%swap3A_311, %swap3A_312] : memref<256x32xi32, #tpu.memory_space<vmem>>, vector<256x1xi32>
    tpu.vector_store %arg4[%swap3A_311, %swap3A_312], %broadcast_in_dim3A_310 {strides = array<i32>} : memref<256x32xi32, #tpu.memory_space<vmem>>, vector<256x1xi32>,
    %eq3A_314 = vector.broadcast %broadcast_in_dim3A_310 : vector<256x1xi32> to vector<256x4096xi32>
    %eq3A_315 = arith.cmpi eq, %iota3A, %eq3A_314 : vector<256x4096xi32>
    %jit3A_316 = arith.constant 0xFF800000 : f32
    %broadcast_in_dim3A_317 = vector.broadcast %jit3A_316 : f32 to vector<256x4096xf32>
    %select_n3A_318 = arith.select %eq3A_315, %broadcast_in_dim3A_317, %select_n3A_299 : vector<256x4096xi1>, vector<256x4096xf32>
    %reduce_max3A_319 = arith.constant dense<0xFF800000> : vector<256xf32>
    %reduce_max3A_320 = vector.multi_reduction <maximumf>, %select_n3A_318, %reduce_max3A_319 [1] : vector<256x4096xf32> to vector<256xf32>
    %broadcast_in_dim3A_321 = vector.shape_cast %reduce_max3A_320 : vector<256xf32> to vector<256x1xf32>
    %eq3A_322 = vector.broadcast %broadcast_in_dim3A_321 : vector<256x1xf32> to vector<256x4096xf32>
    %eq3A_323 = arith.cmpf oeq, %select_n3A_318, %eq3A_322 : vector<256x4096xf32>
    %jit3A_324 = arith.constant 4096 : i32
    %broadcast_in_dim3A_325 = vector.broadcast %jit3A_324 : i32 to vector<256x4096xi32>
    %select_n3A_326 = arith.select %eq3A_323, %iota3A, %broadcast_in_dim3A_325 : vector<256x4096xi1>, vector<256x4096xi32>
    %reduce_min3A_327 = arith.constant dense<2147483647> : vector<256xi32>
    %reduce_min3A_328 = vector.multi_reduction <minsi>, %select_n3A_326, %reduce_min3A_327 [1] : vector<256x4096xi32> to vector<256xi32>
    %broadcast_in_dim3A_329 = vector.shape_cast %reduce_min3A_328 : vector<256xi32> to vector<256x1xi32>
    %swap3A_330 = arith.constant 0 : index
    %swap3A_331 = arith.constant 15 : index
    %swap3A_332 = vector.load %arg4[%swap3A_330, %swap3A_331] : memref<256x32xi32, #tpu.memory_space<vmem>>, vector<256x1xi32>
    tpu.vector_store %arg4[%swap3A_330, %swap3A_331], %broadcast_in_dim3A_329 {strides = array<i32>} : memref<256x32xi32, #tpu.memory_space<vmem>>, vector<256x1xi32>,
    %eq3A_333 = vector.broadcast %broadcast_in_dim3A_329 : vector<256x1xi32> to vector<256x4096xi32>
    %eq3A_334 = arith.cmpi eq, %iota3A, %eq3A_333 : vector<256x4096xi32>
    %jit3A_335 = arith.constant 0xFF800000 : f32
    %broadcast_in_dim3A_336 = vector.broadcast %jit3A_335 : f32 to vector<256x4096xf32>
    %select_n3A_337 = arith.select %eq3A_334, %broadcast_in_dim3A_336, %select_n3A_318 : vector<256x4096xi1>, vector<256x4096xf32>
    %reduce_max3A_338 = arith.constant dense<0xFF800000> : vector<256xf32>
    %reduce_max3A_339 = vector.multi_reduction <maximumf>, %select_n3A_337, %reduce_max3A_338 [1] : vector<256x4096xf32> to vector<256xf32>
    %broadcast_in_dim3A_340 = vector.shape_cast %reduce_max3A_339 : vector<256xf32> to vector<256x1xf32>
    %eq3A_341 = vector.broadcast %broadcast_in_dim3A_340 : vector<256x1xf32> to vector<256x4096xf32>
    %eq3A_342 = arith.cmpf oeq, %select_n3A_337, %eq3A_341 : vector<256x4096xf32>
    %jit3A_343 = arith.constant 4096 : i32
    %broadcast_in_dim3A_344 = vector.broadcast %jit3A_343 : i32 to vector<256x4096xi32>
    %select_n3A_345 = arith.select %eq3A_342, %iota3A, %broadcast_in_dim3A_344 : vector<256x4096xi1>, vector<256x4096xi32>
    %reduce_min3A_346 = arith.constant dense<2147483647> : vector<256xi32>
    %reduce_min3A_347 = vector.multi_reduction <minsi>, %select_n3A_345, %reduce_min3A_346 [1] : vector<256x4096xi32> to vector<256xi32>
    %broadcast_in_dim3A_348 = vector.shape_cast %reduce_min3A_347 : vector<256xi32> to vector<256x1xi32>
    %swap3A_349 = arith.constant 0 : index
    %swap3A_350 = arith.constant 16 : index
    %swap3A_351 = vector.load %arg4[%swap3A_349, %swap3A_350] : memref<256x32xi32, #tpu.memory_space<vmem>>, vector<256x1xi32>
    tpu.vector_store %arg4[%swap3A_349, %swap3A_350], %broadcast_in_dim3A_348 {strides = array<i32>} : memref<256x32xi32, #tpu.memory_space<vmem>>, vector<256x1xi32>,
    %eq3A_352 = vector.broadcast %broadcast_in_dim3A_348 : vector<256x1xi32> to vector<256x4096xi32>
    %eq3A_353 = arith.cmpi eq, %iota3A, %eq3A_352 : vector<256x4096xi32>
    %jit3A_354 = arith.constant 0xFF800000 : f32
    %broadcast_in_dim3A_355 = vector.broadcast %jit3A_354 : f32 to vector<256x4096xf32>
    %select_n3A_356 = arith.select %eq3A_353, %broadcast_in_dim3A_355, %select_n3A_337 : vector<256x4096xi1>, vector<256x4096xf32>
    %reduce_max3A_357 = arith.constant dense<0xFF800000> : vector<256xf32>
    %reduce_max3A_358 = vector.multi_reduction <maximumf>, %select_n3A_356, %reduce_max3A_357 [1] : vector<256x4096xf32> to vector<256xf32>
    %broadcast_in_dim3A_359 = vector.shape_cast %reduce_max3A_358 : vector<256xf32> to vector<256x1xf32>
    %eq3A_360 = vector.broadcast %broadcast_in_dim3A_359 : vector<256x1xf32> to vector<256x4096xf32>
    %eq3A_361 = arith.cmpf oeq, %select_n3A_356, %eq3A_360 : vector<256x4096xf32>
    %jit3A_362 = arith.constant 4096 : i32
    %broadcast_in_dim3A_363 = vector.broadcast %jit3A_362 : i32 to vector<256x4096xi32>
    %select_n3A_364 = arith.select %eq3A_361, %iota3A, %broadcast_in_dim3A_363 : vector<256x4096xi1>, vector<256x4096xi32>
    %reduce_min3A_365 = arith.constant dense<2147483647> : vector<256xi32>
    %reduce_min3A_366 = vector.multi_reduction <minsi>, %select_n3A_364, %reduce_min3A_365 [1] : vector<256x4096xi32> to vector<256xi32>
    %broadcast_in_dim3A_367 = vector.shape_cast %reduce_min3A_366 : vector<256xi32> to vector<256x1xi32>
    %swap3A_368 = arith.constant 0 : index
    %swap3A_369 = arith.constant 17 : index
    %swap3A_370 = vector.load %arg4[%swap3A_368, %swap3A_369] : memref<256x32xi32, #tpu.memory_space<vmem>>, vector<256x1xi32>
    tpu.vector_store %arg4[%swap3A_368, %swap3A_369], %broadcast_in_dim3A_367 {strides = array<i32>} : memref<256x32xi32, #tpu.memory_space<vmem>>, vector<256x1xi32>,
    %eq3A_371 = vector.broadcast %broadcast_in_dim3A_367 : vector<256x1xi32> to vector<256x4096xi32>
    %eq3A_372 = arith.cmpi eq, %iota3A, %eq3A_371 : vector<256x4096xi32>
    %jit3A_373 = arith.constant 0xFF800000 : f32
    %broadcast_in_dim3A_374 = vector.broadcast %jit3A_373 : f32 to vector<256x4096xf32>
    %select_n3A_375 = arith.select %eq3A_372, %broadcast_in_dim3A_374, %select_n3A_356 : vector<256x4096xi1>, vector<256x4096xf32>
    %reduce_max3A_376 = arith.constant dense<0xFF800000> : vector<256xf32>
    %reduce_max3A_377 = vector.multi_reduction <maximumf>, %select_n3A_375, %reduce_max3A_376 [1] : vector<256x4096xf32> to vector<256xf32>
    %broadcast_in_dim3A_378 = vector.shape_cast %reduce_max3A_377 : vector<256xf32> to vector<256x1xf32>
    %eq3A_379 = vector.broadcast %broadcast_in_dim3A_378 : vector<256x1xf32> to vector<256x4096xf32>
    %eq3A_380 = arith.cmpf oeq, %select_n3A_375, %eq3A_379 : vector<256x4096xf32>
    %jit3A_381 = arith.constant 4096 : i32
    %broadcast_in_dim3A_382 = vector.broadcast %jit3A_381 : i32 to vector<256x4096xi32>
    %select_n3A_383 = arith.select %eq3A_380, %iota3A, %broadcast_in_dim3A_382 : vector<256x4096xi1>, vector<256x4096xi32>
    %reduce_min3A_384 = arith.constant dense<2147483647> : vector<256xi32>
    %reduce_min3A_385 = vector.multi_reduction <minsi>, %select_n3A_383, %reduce_min3A_384 [1] : vector<256x4096xi32> to vector<256xi32>
    %broadcast_in_dim3A_386 = vector.shape_cast %reduce_min3A_385 : vector<256xi32> to vector<256x1xi32>
    %swap3A_387 = arith.constant 0 : index
    %swap3A_388 = arith.constant 18 : index
    %swap3A_389 = vector.load %arg4[%swap3A_387, %swap3A_388] : memref<256x32xi32, #tpu.memory_space<vmem>>, vector<256x1xi32>
    tpu.vector_store %arg4[%swap3A_387, %swap3A_388], %broadcast_in_dim3A_386 {strides = array<i32>} : memref<256x32xi32, #tpu.memory_space<vmem>>, vector<256x1xi32>,
    %eq3A_390 = vector.broadcast %broadcast_in_dim3A_386 : vector<256x1xi32> to vector<256x4096xi32>
    %eq3A_391 = arith.cmpi eq, %iota3A, %eq3A_390 : vector<256x4096xi32>
    %jit3A_392 = arith.constant 0xFF800000 : f32
    %broadcast_in_dim3A_393 = vector.broadcast %jit3A_392 : f32 to vector<256x4096xf32>
    %select_n3A_394 = arith.select %eq3A_391, %broadcast_in_dim3A_393, %select_n3A_375 : vector<256x4096xi1>, vector<256x4096xf32>
    %reduce_max3A_395 = arith.constant dense<0xFF800000> : vector<256xf32>
    %reduce_max3A_396 = vector.multi_reduction <maximumf>, %select_n3A_394, %reduce_max3A_395 [1] : vector<256x4096xf32> to vector<256xf32>
    %broadcast_in_dim3A_397 = vector.shape_cast %reduce_max3A_396 : vector<256xf32> to vector<256x1xf32>
    %eq3A_398 = vector.broadcast %broadcast_in_dim3A_397 : vector<256x1xf32> to vector<256x4096xf32>
    %eq3A_399 = arith.cmpf oeq, %select_n3A_394, %eq3A_398 : vector<256x4096xf32>
    %jit3A_400 = arith.constant 4096 : i32
    %broadcast_in_dim3A_401 = vector.broadcast %jit3A_400 : i32 to vector<256x4096xi32>
    %select_n3A_402 = arith.select %eq3A_399, %iota3A, %broadcast_in_dim3A_401 : vector<256x4096xi1>, vector<256x4096xi32>
    %reduce_min3A_403 = arith.constant dense<2147483647> : vector<256xi32>
    %reduce_min3A_404 = vector.multi_reduction <minsi>, %select_n3A_402, %reduce_min3A_403 [1] : vector<256x4096xi32> to vector<256xi32>
    %broadcast_in_dim3A_405 = vector.shape_cast %reduce_min3A_404 : vector<256xi32> to vector<256x1xi32>
    %swap3A_406 = arith.constant 0 : index
    %swap3A_407 = arith.constant 19 : index
    %swap3A_408 = vector.load %arg4[%swap3A_406, %swap3A_407] : memref<256x32xi32, #tpu.memory_space<vmem>>, vector<256x1xi32>
    tpu.vector_store %arg4[%swap3A_406, %swap3A_407], %broadcast_in_dim3A_405 {strides = array<i32>} : memref<256x32xi32, #tpu.memory_space<vmem>>, vector<256x1xi32>,
    return
  }
  func.func @transform_0(%arg0: i32) -> (i32, i32) {
    %c0_i32 = arith.constant 0 : i32
    %c0_i32_0 = arith.constant 0 : i32
    return %arg0, %c0_i32 : i32, i32
  }
  func.func @transform_1(%arg0: i32) -> (i32, i32) {
    %c0_i32 = arith.constant 0 : i32
    %c0_i32_0 = arith.constant 0 : i32
    %c0_i32_1 = arith.constant 0 : i32
    return %c0_i32, %c0_i32_0 : i32, i32
  }
  func.func @transform_2(%arg0: i32) -> (i32, i32) {
    %c0_i32 = arith.constant 0 : i32
    %c0_i32_0 = arith.constant 0 : i32
    %c0_i32_1 = arith.constant 0 : i32
    return %c0_i32, %c0_i32_0 : i32, i32
  }
  func.func @transform_3(%arg0: i32) -> (i32, i32) {
    %c0_i32 = arith.constant 0 : i32
    %c0_i32_0 = arith.constant 0 : i32
    return %arg0, %c0_i32 : i32, i32
  }
}

module attributes {stable_mosaic.version = 14 : i64} {
  func.func @_edge_body(%arg0: i32, %arg1: memref<2560x128xf32, #tpu.memory_space<vmem>>, %arg2: memref<128x4xf32, #tpu.memory_space<vmem>>, %arg3: memref<8x64xf32, #tpu.memory_space<vmem>>, %arg4: memref<128x64xf32, #tpu.memory_space<vmem>>, %arg5: memref<128x64xf32, #tpu.memory_space<vmem>>, %arg6: memref<8x64xf32, #tpu.memory_space<vmem>>) attributes {dimension_semantics = [#tpu.dimension_semantics<arbitrary>], iteration_bounds = array<i64: 32>, scalar_prefetch = 0 : i64, scratch_operands = 0 : i64, tpu.core_type = #tpu.core_type<tc>, window_params = [{transform_indices = @transform_0, window_bounds = array<i64: 2560, 128>}, {transform_indices = @transform_1, window_bounds = array<i64: 128, 4>}, {pipeline_mode = #tpu.pipeline_mode<synchronous>, transform_indices = @transform_2, window_bounds = array<i64: 8, 64>}, {transform_indices = @transform_3, window_bounds = array<i64: 128, 64>}, {transform_indices = @transform_4, window_bounds = array<i64: 128, 64>}, {pipeline_mode = #tpu.pipeline_mode<synchronous>, transform_indices = @transform_5, window_bounds = array<i64: 8, 64>}]} {
    %get3A = arith.constant 0 : index
    %get3A_0 = arith.constant 0 : index
    %get3A_1 = vector.load %arg2[%get3A, %get3A_0] : memref<128x4xf32, #tpu.memory_space<vmem>>, vector<128x4xf32>
    %get3A_2 = arith.constant 0 : index
    %get3A_3 = arith.constant 0 : index
    %get3A_4 = vector.load %arg1[%get3A_2, %get3A_3] : memref<2560x128xf32, #tpu.memory_space<vmem>>, vector<2560x128xf32>
    %slice3A = vector.extract_strided_slice %get3A_4 {offsets = [0, 0], sizes = [2560, 4], strides = [1, 1]} : vector<2560x128xf32> to vector<2560x4xf32>
    %reshape3A = vector.shape_cast %slice3A : vector<2560x4xf32> to vector<128x20x4xf32>
    %broadcast_in_dim3A = vector.shape_cast %get3A_1 : vector<128x4xf32> to vector<128x1x4xf32>
    %sub3A = vector.broadcast %broadcast_in_dim3A : vector<128x1x4xf32> to vector<128x20x4xf32>
    %sub3A_5 = arith.subf %reshape3A, %sub3A : vector<128x20x4xf32>
    %reshape3A_6 = vector.shape_cast %sub3A_5 : vector<128x20x4xf32> to vector<2560x4xf32>
    %broadcast_in_dim3A_7 = vector.shape_cast %get3A_1 : vector<128x4xf32> to vector<128x1x4xf32>
    %broadcast_in_dim3A_8 = vector.shape_cast %broadcast_in_dim3A_7 : vector<128x1x4xf32> to vector<128x1x4xf32>
    %broadcast_in_dim3A_9 = vector.broadcast %broadcast_in_dim3A_8 : vector<128x1x4xf32> to vector<128x20x4xf32>
    %reshape3A_10 = vector.shape_cast %broadcast_in_dim3A_9 : vector<128x20x4xf32> to vector<2560x4xf32>
    %convert_element_type3A = arith.truncf %reshape3A_6 : vector<2560x4xf32> to vector<2560x4xbf16>
    %convert_element_type3A_11 = arith.extf %convert_element_type3A : vector<2560x4xbf16> to vector<2560x4xf32>
    %convert_element_type3A_12 = arith.truncf %reshape3A_10 : vector<2560x4xf32> to vector<2560x4xbf16>
    %convert_element_type3A_13 = arith.extf %convert_element_type3A_12 : vector<2560x4xbf16> to vector<2560x4xf32>
    %get3A_14 = arith.constant 0 : index
    %get3A_15 = arith.constant 0 : index
    %get3A_16 = vector.load %arg3[%get3A_14, %get3A_15] : memref<8x64xf32, #tpu.memory_space<vmem>>, vector<8x64xf32>
    %convert_element_type3A_17 = arith.truncf %get3A_16 : vector<8x64xf32> to vector<8x64xbf16>
    %convert_element_type3A_18 = arith.extf %convert_element_type3A_17 : vector<8x64xbf16> to vector<8x64xf32>
    %slice3A_19 = vector.extract_strided_slice %convert_element_type3A_11 {offsets = [0, 0], sizes = [2560, 1], strides = [1, 1]} : vector<2560x4xf32> to vector<2560x1xf32>
    %slice3A_20 = vector.extract_strided_slice %convert_element_type3A_18 {offsets = [0, 0], sizes = [1, 64], strides = [1, 1]} : vector<8x64xf32> to vector<1x64xf32>
    %mul3A = vector.broadcast %slice3A_19 : vector<2560x1xf32> to vector<2560x64xf32>
    %mul3A_21 = vector.broadcast %slice3A_20 : vector<1x64xf32> to vector<2560x64xf32>
    %mul3A_22 = arith.mulf %mul3A, %mul3A_21 : vector<2560x64xf32>
    %slice3A_23 = vector.extract_strided_slice %convert_element_type3A_11 {offsets = [0, 1], sizes = [2560, 1], strides = [1, 1]} : vector<2560x4xf32> to vector<2560x1xf32>
    %slice3A_24 = vector.extract_strided_slice %convert_element_type3A_18 {offsets = [1, 0], sizes = [1, 64], strides = [1, 1]} : vector<8x64xf32> to vector<1x64xf32>
    %mul3A_25 = vector.broadcast %slice3A_23 : vector<2560x1xf32> to vector<2560x64xf32>
    %mul3A_26 = vector.broadcast %slice3A_24 : vector<1x64xf32> to vector<2560x64xf32>
    %mul3A_27 = arith.mulf %mul3A_25, %mul3A_26 : vector<2560x64xf32>
    %add3A = arith.addf %mul3A_22, %mul3A_27 : vector<2560x64xf32>
    %slice3A_28 = vector.extract_strided_slice %convert_element_type3A_11 {offsets = [0, 2], sizes = [2560, 1], strides = [1, 1]} : vector<2560x4xf32> to vector<2560x1xf32>
    %slice3A_29 = vector.extract_strided_slice %convert_element_type3A_18 {offsets = [2, 0], sizes = [1, 64], strides = [1, 1]} : vector<8x64xf32> to vector<1x64xf32>
    %mul3A_30 = vector.broadcast %slice3A_28 : vector<2560x1xf32> to vector<2560x64xf32>
    %mul3A_31 = vector.broadcast %slice3A_29 : vector<1x64xf32> to vector<2560x64xf32>
    %mul3A_32 = arith.mulf %mul3A_30, %mul3A_31 : vector<2560x64xf32>
    %add3A_33 = arith.addf %add3A, %mul3A_32 : vector<2560x64xf32>
    %slice3A_34 = vector.extract_strided_slice %convert_element_type3A_11 {offsets = [0, 3], sizes = [2560, 1], strides = [1, 1]} : vector<2560x4xf32> to vector<2560x1xf32>
    %slice3A_35 = vector.extract_strided_slice %convert_element_type3A_18 {offsets = [3, 0], sizes = [1, 64], strides = [1, 1]} : vector<8x64xf32> to vector<1x64xf32>
    %mul3A_36 = vector.broadcast %slice3A_34 : vector<2560x1xf32> to vector<2560x64xf32>
    %mul3A_37 = vector.broadcast %slice3A_35 : vector<1x64xf32> to vector<2560x64xf32>
    %mul3A_38 = arith.mulf %mul3A_36, %mul3A_37 : vector<2560x64xf32>
    %add3A_39 = arith.addf %add3A_33, %mul3A_38 : vector<2560x64xf32>
    %slice3A_40 = vector.extract_strided_slice %convert_element_type3A_13 {offsets = [0, 0], sizes = [2560, 1], strides = [1, 1]} : vector<2560x4xf32> to vector<2560x1xf32>
    %slice3A_41 = vector.extract_strided_slice %convert_element_type3A_18 {offsets = [4, 0], sizes = [1, 64], strides = [1, 1]} : vector<8x64xf32> to vector<1x64xf32>
    %mul3A_42 = vector.broadcast %slice3A_40 : vector<2560x1xf32> to vector<2560x64xf32>
    %mul3A_43 = vector.broadcast %slice3A_41 : vector<1x64xf32> to vector<2560x64xf32>
    %mul3A_44 = arith.mulf %mul3A_42, %mul3A_43 : vector<2560x64xf32>
    %add3A_45 = arith.addf %add3A_39, %mul3A_44 : vector<2560x64xf32>
    %slice3A_46 = vector.extract_strided_slice %convert_element_type3A_13 {offsets = [0, 1], sizes = [2560, 1], strides = [1, 1]} : vector<2560x4xf32> to vector<2560x1xf32>
    %slice3A_47 = vector.extract_strided_slice %convert_element_type3A_18 {offsets = [5, 0], sizes = [1, 64], strides = [1, 1]} : vector<8x64xf32> to vector<1x64xf32>
    %mul3A_48 = vector.broadcast %slice3A_46 : vector<2560x1xf32> to vector<2560x64xf32>
    %mul3A_49 = vector.broadcast %slice3A_47 : vector<1x64xf32> to vector<2560x64xf32>
    %mul3A_50 = arith.mulf %mul3A_48, %mul3A_49 : vector<2560x64xf32>
    %add3A_51 = arith.addf %add3A_45, %mul3A_50 : vector<2560x64xf32>
    %slice3A_52 = vector.extract_strided_slice %convert_element_type3A_13 {offsets = [0, 2], sizes = [2560, 1], strides = [1, 1]} : vector<2560x4xf32> to vector<2560x1xf32>
    %slice3A_53 = vector.extract_strided_slice %convert_element_type3A_18 {offsets = [6, 0], sizes = [1, 64], strides = [1, 1]} : vector<8x64xf32> to vector<1x64xf32>
    %mul3A_54 = vector.broadcast %slice3A_52 : vector<2560x1xf32> to vector<2560x64xf32>
    %mul3A_55 = vector.broadcast %slice3A_53 : vector<1x64xf32> to vector<2560x64xf32>
    %mul3A_56 = arith.mulf %mul3A_54, %mul3A_55 : vector<2560x64xf32>
    %add3A_57 = arith.addf %add3A_51, %mul3A_56 : vector<2560x64xf32>
    %slice3A_58 = vector.extract_strided_slice %convert_element_type3A_13 {offsets = [0, 3], sizes = [2560, 1], strides = [1, 1]} : vector<2560x4xf32> to vector<2560x1xf32>
    %slice3A_59 = vector.extract_strided_slice %convert_element_type3A_18 {offsets = [7, 0], sizes = [1, 64], strides = [1, 1]} : vector<8x64xf32> to vector<1x64xf32>
    %mul3A_60 = vector.broadcast %slice3A_58 : vector<2560x1xf32> to vector<2560x64xf32>
    %mul3A_61 = vector.broadcast %slice3A_59 : vector<1x64xf32> to vector<2560x64xf32>
    %mul3A_62 = arith.mulf %mul3A_60, %mul3A_61 : vector<2560x64xf32>
    %add3A_63 = arith.addf %add3A_57, %mul3A_62 : vector<2560x64xf32>
    %reshape3A_64 = vector.shape_cast %add3A_63 : vector<2560x64xf32> to vector<128x20x64xf32>
    %reduce_max3A = arith.constant dense<0xFF800000> : vector<128x64xf32>
    %reduce_max3A_65 = vector.multi_reduction <maximumf>, %reshape3A_64, %reduce_max3A [1] : vector<128x20x64xf32> to vector<128x64xf32>
    %swap3A = arith.constant 0 : index
    %swap3A_66 = arith.constant 0 : index
    %swap3A_67 = vector.load %arg4[%swap3A, %swap3A_66] : memref<128x64xf32, #tpu.memory_space<vmem>>, vector<128x64xf32>
    tpu.vector_store %arg4[%swap3A, %swap3A_66], %reduce_max3A_65 {strides = array<i32>} : memref<128x64xf32, #tpu.memory_space<vmem>>, vector<128x64xf32>,
    %reduce_min3A = arith.constant dense<0x7F800000> : vector<128x64xf32>
    %reduce_min3A_68 = vector.multi_reduction <minimumf>, %reshape3A_64, %reduce_min3A [1] : vector<128x20x64xf32> to vector<128x64xf32>
    %swap3A_69 = arith.constant 0 : index
    %swap3A_70 = arith.constant 0 : index
    %swap3A_71 = vector.load %arg5[%swap3A_69, %swap3A_70] : memref<128x64xf32, #tpu.memory_space<vmem>>, vector<128x64xf32>
    tpu.vector_store %arg5[%swap3A_69, %swap3A_70], %reduce_min3A_68 {strides = array<i32>} : memref<128x64xf32, #tpu.memory_space<vmem>>, vector<128x64xf32>,
    %reduce_sum3A = arith.constant dense<0.000000e+00> : vector<64xf32>
    %reduce_sum3A_72 = vector.multi_reduction <add>, %add3A_63, %reduce_sum3A [0] : vector<2560x64xf32> to vector<64xf32>
    %broadcast_in_dim3A_73 = vector.shape_cast %reduce_sum3A_72 : vector<64xf32> to vector<1x64xf32>
    %mul3A_74 = arith.mulf %add3A_63, %add3A_63 : vector<2560x64xf32>
    %reduce_sum3A_75 = arith.constant dense<0.000000e+00> : vector<64xf32>
    %reduce_sum3A_76 = vector.multi_reduction <add>, %mul3A_74, %reduce_sum3A_75 [0] : vector<2560x64xf32> to vector<64xf32>
    %broadcast_in_dim3A_77 = vector.shape_cast %reduce_sum3A_76 : vector<64xf32> to vector<1x64xf32>
    %broadcast_in_dim3A_78 = arith.constant 0.000000e+00 : f32
    %broadcast_in_dim3A_79 = vector.broadcast %broadcast_in_dim3A_78 : f32 to vector<6x64xf32>
    %concatenate3A = tpu.concatenate %broadcast_in_dim3A_73, %broadcast_in_dim3A_77, %broadcast_in_dim3A_79 in 0 : vector<1x64xf32>, vector<1x64xf32>, vector<6x64xf32> -> vector<8x64xf32>
    %eq3A = arith.constant 0 : i32
    %eq3A_80 = arith.cmpi eq, %arg0, %eq3A : i32
    %convert_element_type3A_81 = arith.extui %eq3A_80 : i1 to i32
    %cond3A = arith.constant 0 : i32
    %cond3A_82 = arith.cmpi ne, %convert_element_type3A_81, %cond3A : i32
    scf.if %cond3A_82 {
      %broadcast_in_dim3A_90 = arith.constant 0.000000e+00 : f32
      %broadcast_in_dim3A_91 = vector.broadcast %broadcast_in_dim3A_90 : f32 to vector<8x64xf32>
      %swap3A_92 = arith.constant 0 : index
      %swap3A_93 = arith.constant 0 : index
      %swap3A_94 = vector.load %arg6[%swap3A_92, %swap3A_93] : memref<8x64xf32, #tpu.memory_space<vmem>>, vector<8x64xf32>
      tpu.vector_store %arg6[%swap3A_92, %swap3A_93], %broadcast_in_dim3A_91 {strides = array<i32>} : memref<8x64xf32, #tpu.memory_space<vmem>>, vector<8x64xf32>,
    } else {
    }
    %get3A_83 = arith.constant 0 : index
    %get3A_84 = arith.constant 0 : index
    %get3A_85 = vector.load %arg6[%get3A_83, %get3A_84] : memref<8x64xf32, #tpu.memory_space<vmem>>, vector<8x64xf32>
    %add3A_86 = arith.addf %get3A_85, %concatenate3A : vector<8x64xf32>
    %swap3A_87 = arith.constant 0 : index
    %swap3A_88 = arith.constant 0 : index
    %swap3A_89 = vector.load %arg6[%swap3A_87, %swap3A_88] : memref<8x64xf32, #tpu.memory_space<vmem>>, vector<8x64xf32>
    tpu.vector_store %arg6[%swap3A_87, %swap3A_88], %add3A_86 {strides = array<i32>} : memref<8x64xf32, #tpu.memory_space<vmem>>, vector<8x64xf32>,
    return
  }
  func.func @transform_0(%arg0: i32) -> (i32, i32) {
    %c0_i32 = arith.constant 0 : i32
    %c0_i32_0 = arith.constant 0 : i32
    return %arg0, %c0_i32 : i32, i32
  }
  func.func @transform_1(%arg0: i32) -> (i32, i32) {
    %c0_i32 = arith.constant 0 : i32
    %c0_i32_0 = arith.constant 0 : i32
    return %arg0, %c0_i32 : i32, i32
  }
  func.func @transform_2(%arg0: i32) -> (i32, i32) {
    %c0_i32 = arith.constant 0 : i32
    %c0_i32_0 = arith.constant 0 : i32
    %c0_i32_1 = arith.constant 0 : i32
    return %c0_i32, %c0_i32_0 : i32, i32
  }
  func.func @transform_3(%arg0: i32) -> (i32, i32) {
    %c0_i32 = arith.constant 0 : i32
    %c0_i32_0 = arith.constant 0 : i32
    return %arg0, %c0_i32 : i32, i32
  }
  func.func @transform_4(%arg0: i32) -> (i32, i32) {
    %c0_i32 = arith.constant 0 : i32
    %c0_i32_0 = arith.constant 0 : i32
    return %arg0, %c0_i32 : i32, i32
  }
  func.func @transform_5(%arg0: i32) -> (i32, i32) {
    %c0_i32 = arith.constant 0 : i32
    %c0_i32_0 = arith.constant 0 : i32
    %c0_i32_1 = arith.constant 0 : i32
    return %c0_i32, %c0_i32_0 : i32, i32
  }
}

module attributes {stable_mosaic.version = 14 : i64} {
  func.func @_fin_body(%arg0: i32, %arg1: memref<8x64xf32, #tpu.memory_space<vmem>>, %arg2: memref<8x64xf32, #tpu.memory_space<vmem>>, %arg3: memref<256x64xf32, #tpu.memory_space<vmem>>, %arg4: memref<256x64xf32, #tpu.memory_space<vmem>>, %arg5: memref<256x64xf32, #tpu.memory_space<vmem>>) attributes {dimension_semantics = [#tpu.dimension_semantics<arbitrary>], iteration_bounds = array<i64: 16>, scalar_prefetch = 0 : i64, scratch_operands = 0 : i64, tpu.core_type = #tpu.core_type<tc>, window_params = [{pipeline_mode = #tpu.pipeline_mode<synchronous>, transform_indices = @transform_0, window_bounds = array<i64: 8, 64>}, {pipeline_mode = #tpu.pipeline_mode<synchronous>, transform_indices = @transform_1, window_bounds = array<i64: 8, 64>}, {transform_indices = @transform_2, window_bounds = array<i64: 256, 64>}, {transform_indices = @transform_3, window_bounds = array<i64: 256, 64>}, {transform_indices = @transform_4, window_bounds = array<i64: 256, 64>}]} {
    %get3A = arith.constant 0 : index
    %get3A_0 = arith.constant 0 : index
    %get3A_1 = vector.load %arg1[%get3A, %get3A_0] : memref<8x64xf32, #tpu.memory_space<vmem>>, vector<8x64xf32>
    %slice3A = vector.extract_strided_slice %get3A_1 {offsets = [0, 0], sizes = [1, 64], strides = [1, 1]} : vector<8x64xf32> to vector<1x64xf32>
    %mul3A = arith.constant 1.22070314E-5 : f32
    %mul3A_2 = vector.broadcast %mul3A : f32 to vector<1x64xf32>
    %mul3A_3 = arith.mulf %slice3A, %mul3A_2 : vector<1x64xf32>
    %slice3A_4 = vector.extract_strided_slice %get3A_1 {offsets = [1, 0], sizes = [1, 64], strides = [1, 1]} : vector<8x64xf32> to vector<1x64xf32>
    %mul3A_5 = arith.constant 1.22070314E-5 : f32
    %mul3A_6 = vector.broadcast %mul3A_5 : f32 to vector<1x64xf32>
    %mul3A_7 = arith.mulf %slice3A_4, %mul3A_6 : vector<1x64xf32>
    %mul3A_8 = arith.mulf %mul3A_3, %mul3A_3 : vector<1x64xf32>
    %sub3A = arith.subf %mul3A_7, %mul3A_8 : vector<1x64xf32>
    %get3A_9 = arith.constant 0 : index
    %get3A_10 = arith.constant 0 : index
    %get3A_11 = vector.load %arg2[%get3A_9, %get3A_10] : memref<8x64xf32, #tpu.memory_space<vmem>>, vector<1x64xf32>
    %add3A = arith.constant 9.99999974E-6 : f32
    %add3A_12 = vector.broadcast %add3A : f32 to vector<1x64xf32>
    %add3A_13 = arith.addf %sub3A, %add3A_12 : vector<1x64xf32>
    %rsqrt3A = math.rsqrt %add3A_13 : vector<1x64xf32>
    %mul3A_14 = arith.mulf %get3A_11, %rsqrt3A : vector<1x64xf32>
    %get3A_15 = arith.constant 1 : index
    %get3A_16 = arith.constant 0 : index
    %get3A_17 = vector.load %arg2[%get3A_15, %get3A_16] : memref<8x64xf32, #tpu.memory_space<vmem>>, vector<1x64xf32>
    %mul3A_18 = arith.mulf %mul3A_14, %mul3A_3 : vector<1x64xf32>
    %sub3A_19 = arith.subf %get3A_17, %mul3A_18 : vector<1x64xf32>
    %ge3A = arith.constant 0.000000e+00 : f32
    %ge3A_20 = vector.broadcast %ge3A : f32 to vector<1x64xf32>
    %ge3A_21 = arith.cmpf oge, %mul3A_14, %ge3A_20 : vector<1x64xf32>
    %get3A_22 = arith.constant 0 : index
    %get3A_23 = arith.constant 0 : index
    %get3A_24 = vector.load %arg3[%get3A_22, %get3A_23] : memref<256x64xf32, #tpu.memory_space<vmem>>, vector<256x64xf32>
    %get3A_25 = arith.constant 0 : index
    %get3A_26 = arith.constant 0 : index
    %get3A_27 = vector.load %arg4[%get3A_25, %get3A_26] : memref<256x64xf32, #tpu.memory_space<vmem>>, vector<256x64xf32>
    %broadcast_in_dim3A = vector.shape_cast %ge3A_21 : vector<1x64xi1> to vector<1x64xi1>
    %broadcast_in_dim3A_28 = vector.broadcast %broadcast_in_dim3A : vector<1x64xi1> to vector<256x64xi1>
    %select_n3A = arith.select %broadcast_in_dim3A_28, %get3A_24, %get3A_27 : vector<256x64xi1>, vector<256x64xf32>
    %mul3A_29 = vector.broadcast %mul3A_14 : vector<1x64xf32> to vector<256x64xf32>
    %mul3A_30 = arith.mulf %mul3A_29, %select_n3A : vector<256x64xf32>
    %add3A_31 = vector.broadcast %sub3A_19 : vector<1x64xf32> to vector<256x64xf32>
    %add3A_32 = arith.addf %mul3A_30, %add3A_31 : vector<256x64xf32>
    %ge3A_33 = arith.constant 0.000000e+00 : f32
    %ge3A_34 = vector.broadcast %ge3A_33 : f32 to vector<256x64xf32>
    %ge3A_35 = arith.cmpf oge, %add3A_32, %ge3A_34 : vector<256x64xf32>
    %mul3A_36 = arith.constant 2.000000e-01 : f32
    %mul3A_37 = vector.broadcast %mul3A_36 : f32 to vector<256x64xf32>
    %mul3A_38 = arith.mulf %mul3A_37, %add3A_32 : vector<256x64xf32>
    %select_n3A_39 = arith.select %ge3A_35, %add3A_32, %mul3A_38 : vector<256x64xi1>, vector<256x64xf32>
    %swap3A = arith.constant 0 : index
    %swap3A_40 = arith.constant 0 : index
    %swap3A_41 = vector.load %arg5[%swap3A, %swap3A_40] : memref<256x64xf32, #tpu.memory_space<vmem>>, vector<256x64xf32>
    tpu.vector_store %arg5[%swap3A, %swap3A_40], %select_n3A_39 {strides = array<i32>} : memref<256x64xf32, #tpu.memory_space<vmem>>, vector<256x64xf32>,
    return
  }
  func.func @transform_0(%arg0: i32) -> (i32, i32) {
    %c0_i32 = arith.constant 0 : i32
    %c0_i32_0 = arith.constant 0 : i32
    %c0_i32_1 = arith.constant 0 : i32
    return %c0_i32, %c0_i32_0 : i32, i32
  }
  func.func @transform_1(%arg0: i32) -> (i32, i32) {
    %c0_i32 = arith.constant 0 : i32
    %c0_i32_0 = arith.constant 0 : i32
    %c0_i32_1 = arith.constant 0 : i32
    return %c0_i32, %c0_i32_0 : i32, i32
  }
  func.func @transform_2(%arg0: i32) -> (i32, i32) {
    %c0_i32 = arith.constant 0 : i32
    %c0_i32_0 = arith.constant 0 : i32
    return %arg0, %c0_i32 : i32, i32
  }
  func.func @transform_3(%arg0: i32) -> (i32, i32) {
    %c0_i32 = arith.constant 0 : i32
    %c0_i32_0 = arith.constant 0 : i32
    return %arg0, %c0_i32 : i32, i32
  }
  func.func @transform_4(%arg0: i32) -> (i32, i32) {
    %c0_i32 = arith.constant 0 : i32
    %c0_i32_0 = arith.constant 0 : i32
    return %arg0, %c0_i32 : i32, i32
  }
}

module attributes {stable_mosaic.version = 14 : i64} {
  func.func @_topk_body(%arg0: i32, %arg1: memref<256x64xf32, #tpu.memory_space<vmem>>, %arg2: memref<4096x64xf32, #tpu.memory_space<vmem>>, %arg3: memref<64x4096xf32, #tpu.memory_space<vmem>>, %arg4: memref<256x32xi32, #tpu.memory_space<vmem>>) attributes {dimension_semantics = [#tpu.dimension_semantics<arbitrary>], iteration_bounds = array<i64: 16>, scalar_prefetch = 0 : i64, scratch_operands = 0 : i64, tpu.core_type = #tpu.core_type<tc>, window_params = [{transform_indices = @transform_0, window_bounds = array<i64: 256, 64>}, {pipeline_mode = #tpu.pipeline_mode<synchronous>, transform_indices = @transform_1, window_bounds = array<i64: 4096, 64>}, {pipeline_mode = #tpu.pipeline_mode<synchronous>, transform_indices = @transform_2, window_bounds = array<i64: 64, 4096>}, {transform_indices = @transform_3, window_bounds = array<i64: 256, 32>}]} {
    %get3A = arith.constant 0 : index
    %get3A_0 = arith.constant 0 : index
    %get3A_1 = vector.load %arg1[%get3A, %get3A_0] : memref<256x64xf32, #tpu.memory_space<vmem>>, vector<256x64xf32>
    %get3A_2 = arith.constant 0 : index
    %get3A_3 = arith.constant 0 : index
    %get3A_4 = vector.load %arg3[%get3A_2, %get3A_3] : memref<64x4096xf32, #tpu.memory_space<vmem>>, vector<64x4096xf32>
    %get3A_5 = arith.constant 0 : index
    %get3A_6 = arith.constant 0 : index
    %get3A_7 = vector.load %arg2[%get3A_5, %get3A_6] : memref<4096x64xf32, #tpu.memory_space<vmem>>, vector<4096x64xf32>
    %dot_general3A = arith.constant dense<0.000000e+00> : vector<256x4096xf32>
    %dot_general3A_8 = tpu.matmul %get3A_1, %get3A_7, %dot_general3A {dimension_numbers = #tpu.dot_dimension_numbers<[1], [1], [0], [0], [0, 0, 1, 0], [], []>, transpose_lhs_hint = false} : vector<256x64xf32>, vector<4096x64xf32>, vector<256x4096xf32> -> vector<256x4096xf32>
    %mul3A = arith.mulf %get3A_4, %get3A_4 : vector<64x4096xf32>
    %reduce_sum3A = arith.constant dense<0.000000e+00> : vector<4096xf32>
    %reduce_sum3A_9 = vector.multi_reduction <add>, %mul3A, %reduce_sum3A [0] : vector<64x4096xf32> to vector<4096xf32>
    %broadcast_in_dim3A = vector.shape_cast %reduce_sum3A_9 : vector<4096xf32> to vector<1x4096xf32>
    %mul3A_10 = arith.mulf %get3A_1, %get3A_1 : vector<256x64xf32>
    %reduce_sum3A_11 = arith.constant dense<0.000000e+00> : vector<256xf32>
    %reduce_sum3A_12 = vector.multi_reduction <add>, %mul3A_10, %reduce_sum3A_11 [1] : vector<256x64xf32> to vector<256xf32>
    %broadcast_in_dim3A_13 = vector.shape_cast %reduce_sum3A_12 : vector<256xf32> to vector<256x1xf32>
    %mul3A_14 = arith.constant 2.000000e+00 : f32
    %mul3A_15 = vector.broadcast %mul3A_14 : f32 to vector<256x4096xf32>
    %mul3A_16 = arith.mulf %mul3A_15, %dot_general3A_8 : vector<256x4096xf32>
    %sub3A = vector.broadcast %broadcast_in_dim3A_13 : vector<256x1xf32> to vector<256x4096xf32>
    %sub3A_17 = arith.subf %mul3A_16, %sub3A : vector<256x4096xf32>
    %sub3A_18 = vector.broadcast %broadcast_in_dim3A : vector<1x4096xf32> to vector<256x4096xf32>
    %sub3A_19 = arith.subf %sub3A_17, %sub3A_18 : vector<256x4096xf32>
    %iota3A = tpu.iota {dimensions = array<i32: 1>} : vector<256x4096xi32>
    %reduce_max3A = arith.constant dense<0xFF800000> : vector<256xf32>
    %reduce_max3A_20 = vector.multi_reduction <maximumf>, %sub3A_19, %reduce_max3A [1] : vector<256x4096xf32> to vector<256xf32>
    %broadcast_in_dim3A_21 = vector.shape_cast %reduce_max3A_20 : vector<256xf32> to vector<256x1xf32>
    %eq3A = vector.broadcast %broadcast_in_dim3A_21 : vector<256x1xf32> to vector<256x4096xf32>
    %eq3A_22 = arith.cmpf oeq, %sub3A_19, %eq3A : vector<256x4096xf32>
    %jit3A = arith.constant 4096 : i32
    %broadcast_in_dim3A_23 = vector.broadcast %jit3A : i32 to vector<256x4096xi32>
    %select_n3A = arith.select %eq3A_22, %iota3A, %broadcast_in_dim3A_23 : vector<256x4096xi1>, vector<256x4096xi32>
    %reduce_min3A = arith.constant dense<2147483647> : vector<256xi32>
    %reduce_min3A_24 = vector.multi_reduction <minsi>, %select_n3A, %reduce_min3A [1] : vector<256x4096xi32> to vector<256xi32>
    %broadcast_in_dim3A_25 = vector.shape_cast %reduce_min3A_24 : vector<256xi32> to vector<256x1xi32>
    %swap3A = arith.constant 0 : index
    %swap3A_26 = arith.constant 0 : index
    %swap3A_27 = vector.load %arg4[%swap3A, %swap3A_26] : memref<256x32xi32, #tpu.memory_space<vmem>>, vector<256x1xi32>
    tpu.vector_store %arg4[%swap3A, %swap3A_26], %broadcast_in_dim3A_25 {strides = array<i32>} : memref<256x32xi32, #tpu.memory_space<vmem>>, vector<256x1xi32>,
    %eq3A_28 = vector.broadcast %broadcast_in_dim3A_25 : vector<256x1xi32> to vector<256x4096xi32>
    %eq3A_29 = arith.cmpi eq, %iota3A, %eq3A_28 : vector<256x4096xi32>
    %jit3A_30 = arith.constant 0xFF800000 : f32
    %broadcast_in_dim3A_31 = vector.broadcast %jit3A_30 : f32 to vector<256x4096xf32>
    %select_n3A_32 = arith.select %eq3A_29, %broadcast_in_dim3A_31, %sub3A_19 : vector<256x4096xi1>, vector<256x4096xf32>
    %reduce_max3A_33 = arith.constant dense<0xFF800000> : vector<256xf32>
    %reduce_max3A_34 = vector.multi_reduction <maximumf>, %select_n3A_32, %reduce_max3A_33 [1] : vector<256x4096xf32> to vector<256xf32>
    %broadcast_in_dim3A_35 = vector.shape_cast %reduce_max3A_34 : vector<256xf32> to vector<256x1xf32>
    %eq3A_36 = vector.broadcast %broadcast_in_dim3A_35 : vector<256x1xf32> to vector<256x4096xf32>
    %eq3A_37 = arith.cmpf oeq, %select_n3A_32, %eq3A_36 : vector<256x4096xf32>
    %jit3A_38 = arith.constant 4096 : i32
    %broadcast_in_dim3A_39 = vector.broadcast %jit3A_38 : i32 to vector<256x4096xi32>
    %select_n3A_40 = arith.select %eq3A_37, %iota3A, %broadcast_in_dim3A_39 : vector<256x4096xi1>, vector<256x4096xi32>
    %reduce_min3A_41 = arith.constant dense<2147483647> : vector<256xi32>
    %reduce_min3A_42 = vector.multi_reduction <minsi>, %select_n3A_40, %reduce_min3A_41 [1] : vector<256x4096xi32> to vector<256xi32>
    %broadcast_in_dim3A_43 = vector.shape_cast %reduce_min3A_42 : vector<256xi32> to vector<256x1xi32>
    %swap3A_44 = arith.constant 0 : index
    %swap3A_45 = arith.constant 1 : index
    %swap3A_46 = vector.load %arg4[%swap3A_44, %swap3A_45] : memref<256x32xi32, #tpu.memory_space<vmem>>, vector<256x1xi32>
    tpu.vector_store %arg4[%swap3A_44, %swap3A_45], %broadcast_in_dim3A_43 {strides = array<i32>} : memref<256x32xi32, #tpu.memory_space<vmem>>, vector<256x1xi32>,
    %eq3A_47 = vector.broadcast %broadcast_in_dim3A_43 : vector<256x1xi32> to vector<256x4096xi32>
    %eq3A_48 = arith.cmpi eq, %iota3A, %eq3A_47 : vector<256x4096xi32>
    %jit3A_49 = arith.constant 0xFF800000 : f32
    %broadcast_in_dim3A_50 = vector.broadcast %jit3A_49 : f32 to vector<256x4096xf32>
    %select_n3A_51 = arith.select %eq3A_48, %broadcast_in_dim3A_50, %select_n3A_32 : vector<256x4096xi1>, vector<256x4096xf32>
    %reduce_max3A_52 = arith.constant dense<0xFF800000> : vector<256xf32>
    %reduce_max3A_53 = vector.multi_reduction <maximumf>, %select_n3A_51, %reduce_max3A_52 [1] : vector<256x4096xf32> to vector<256xf32>
    %broadcast_in_dim3A_54 = vector.shape_cast %reduce_max3A_53 : vector<256xf32> to vector<256x1xf32>
    %eq3A_55 = vector.broadcast %broadcast_in_dim3A_54 : vector<256x1xf32> to vector<256x4096xf32>
    %eq3A_56 = arith.cmpf oeq, %select_n3A_51, %eq3A_55 : vector<256x4096xf32>
    %jit3A_57 = arith.constant 4096 : i32
    %broadcast_in_dim3A_58 = vector.broadcast %jit3A_57 : i32 to vector<256x4096xi32>
    %select_n3A_59 = arith.select %eq3A_56, %iota3A, %broadcast_in_dim3A_58 : vector<256x4096xi1>, vector<256x4096xi32>
    %reduce_min3A_60 = arith.constant dense<2147483647> : vector<256xi32>
    %reduce_min3A_61 = vector.multi_reduction <minsi>, %select_n3A_59, %reduce_min3A_60 [1] : vector<256x4096xi32> to vector<256xi32>
    %broadcast_in_dim3A_62 = vector.shape_cast %reduce_min3A_61 : vector<256xi32> to vector<256x1xi32>
    %swap3A_63 = arith.constant 0 : index
    %swap3A_64 = arith.constant 2 : index
    %swap3A_65 = vector.load %arg4[%swap3A_63, %swap3A_64] : memref<256x32xi32, #tpu.memory_space<vmem>>, vector<256x1xi32>
    tpu.vector_store %arg4[%swap3A_63, %swap3A_64], %broadcast_in_dim3A_62 {strides = array<i32>} : memref<256x32xi32, #tpu.memory_space<vmem>>, vector<256x1xi32>,
    %eq3A_66 = vector.broadcast %broadcast_in_dim3A_62 : vector<256x1xi32> to vector<256x4096xi32>
    %eq3A_67 = arith.cmpi eq, %iota3A, %eq3A_66 : vector<256x4096xi32>
    %jit3A_68 = arith.constant 0xFF800000 : f32
    %broadcast_in_dim3A_69 = vector.broadcast %jit3A_68 : f32 to vector<256x4096xf32>
    %select_n3A_70 = arith.select %eq3A_67, %broadcast_in_dim3A_69, %select_n3A_51 : vector<256x4096xi1>, vector<256x4096xf32>
    %reduce_max3A_71 = arith.constant dense<0xFF800000> : vector<256xf32>
    %reduce_max3A_72 = vector.multi_reduction <maximumf>, %select_n3A_70, %reduce_max3A_71 [1] : vector<256x4096xf32> to vector<256xf32>
    %broadcast_in_dim3A_73 = vector.shape_cast %reduce_max3A_72 : vector<256xf32> to vector<256x1xf32>
    %eq3A_74 = vector.broadcast %broadcast_in_dim3A_73 : vector<256x1xf32> to vector<256x4096xf32>
    %eq3A_75 = arith.cmpf oeq, %select_n3A_70, %eq3A_74 : vector<256x4096xf32>
    %jit3A_76 = arith.constant 4096 : i32
    %broadcast_in_dim3A_77 = vector.broadcast %jit3A_76 : i32 to vector<256x4096xi32>
    %select_n3A_78 = arith.select %eq3A_75, %iota3A, %broadcast_in_dim3A_77 : vector<256x4096xi1>, vector<256x4096xi32>
    %reduce_min3A_79 = arith.constant dense<2147483647> : vector<256xi32>
    %reduce_min3A_80 = vector.multi_reduction <minsi>, %select_n3A_78, %reduce_min3A_79 [1] : vector<256x4096xi32> to vector<256xi32>
    %broadcast_in_dim3A_81 = vector.shape_cast %reduce_min3A_80 : vector<256xi32> to vector<256x1xi32>
    %swap3A_82 = arith.constant 0 : index
    %swap3A_83 = arith.constant 3 : index
    %swap3A_84 = vector.load %arg4[%swap3A_82, %swap3A_83] : memref<256x32xi32, #tpu.memory_space<vmem>>, vector<256x1xi32>
    tpu.vector_store %arg4[%swap3A_82, %swap3A_83], %broadcast_in_dim3A_81 {strides = array<i32>} : memref<256x32xi32, #tpu.memory_space<vmem>>, vector<256x1xi32>,
    %eq3A_85 = vector.broadcast %broadcast_in_dim3A_81 : vector<256x1xi32> to vector<256x4096xi32>
    %eq3A_86 = arith.cmpi eq, %iota3A, %eq3A_85 : vector<256x4096xi32>
    %jit3A_87 = arith.constant 0xFF800000 : f32
    %broadcast_in_dim3A_88 = vector.broadcast %jit3A_87 : f32 to vector<256x4096xf32>
    %select_n3A_89 = arith.select %eq3A_86, %broadcast_in_dim3A_88, %select_n3A_70 : vector<256x4096xi1>, vector<256x4096xf32>
    %reduce_max3A_90 = arith.constant dense<0xFF800000> : vector<256xf32>
    %reduce_max3A_91 = vector.multi_reduction <maximumf>, %select_n3A_89, %reduce_max3A_90 [1] : vector<256x4096xf32> to vector<256xf32>
    %broadcast_in_dim3A_92 = vector.shape_cast %reduce_max3A_91 : vector<256xf32> to vector<256x1xf32>
    %eq3A_93 = vector.broadcast %broadcast_in_dim3A_92 : vector<256x1xf32> to vector<256x4096xf32>
    %eq3A_94 = arith.cmpf oeq, %select_n3A_89, %eq3A_93 : vector<256x4096xf32>
    %jit3A_95 = arith.constant 4096 : i32
    %broadcast_in_dim3A_96 = vector.broadcast %jit3A_95 : i32 to vector<256x4096xi32>
    %select_n3A_97 = arith.select %eq3A_94, %iota3A, %broadcast_in_dim3A_96 : vector<256x4096xi1>, vector<256x4096xi32>
    %reduce_min3A_98 = arith.constant dense<2147483647> : vector<256xi32>
    %reduce_min3A_99 = vector.multi_reduction <minsi>, %select_n3A_97, %reduce_min3A_98 [1] : vector<256x4096xi32> to vector<256xi32>
    %broadcast_in_dim3A_100 = vector.shape_cast %reduce_min3A_99 : vector<256xi32> to vector<256x1xi32>
    %swap3A_101 = arith.constant 0 : index
    %swap3A_102 = arith.constant 4 : index
    %swap3A_103 = vector.load %arg4[%swap3A_101, %swap3A_102] : memref<256x32xi32, #tpu.memory_space<vmem>>, vector<256x1xi32>
    tpu.vector_store %arg4[%swap3A_101, %swap3A_102], %broadcast_in_dim3A_100 {strides = array<i32>} : memref<256x32xi32, #tpu.memory_space<vmem>>, vector<256x1xi32>,
    %eq3A_104 = vector.broadcast %broadcast_in_dim3A_100 : vector<256x1xi32> to vector<256x4096xi32>
    %eq3A_105 = arith.cmpi eq, %iota3A, %eq3A_104 : vector<256x4096xi32>
    %jit3A_106 = arith.constant 0xFF800000 : f32
    %broadcast_in_dim3A_107 = vector.broadcast %jit3A_106 : f32 to vector<256x4096xf32>
    %select_n3A_108 = arith.select %eq3A_105, %broadcast_in_dim3A_107, %select_n3A_89 : vector<256x4096xi1>, vector<256x4096xf32>
    %reduce_max3A_109 = arith.constant dense<0xFF800000> : vector<256xf32>
    %reduce_max3A_110 = vector.multi_reduction <maximumf>, %select_n3A_108, %reduce_max3A_109 [1] : vector<256x4096xf32> to vector<256xf32>
    %broadcast_in_dim3A_111 = vector.shape_cast %reduce_max3A_110 : vector<256xf32> to vector<256x1xf32>
    %eq3A_112 = vector.broadcast %broadcast_in_dim3A_111 : vector<256x1xf32> to vector<256x4096xf32>
    %eq3A_113 = arith.cmpf oeq, %select_n3A_108, %eq3A_112 : vector<256x4096xf32>
    %jit3A_114 = arith.constant 4096 : i32
    %broadcast_in_dim3A_115 = vector.broadcast %jit3A_114 : i32 to vector<256x4096xi32>
    %select_n3A_116 = arith.select %eq3A_113, %iota3A, %broadcast_in_dim3A_115 : vector<256x4096xi1>, vector<256x4096xi32>
    %reduce_min3A_117 = arith.constant dense<2147483647> : vector<256xi32>
    %reduce_min3A_118 = vector.multi_reduction <minsi>, %select_n3A_116, %reduce_min3A_117 [1] : vector<256x4096xi32> to vector<256xi32>
    %broadcast_in_dim3A_119 = vector.shape_cast %reduce_min3A_118 : vector<256xi32> to vector<256x1xi32>
    %swap3A_120 = arith.constant 0 : index
    %swap3A_121 = arith.constant 5 : index
    %swap3A_122 = vector.load %arg4[%swap3A_120, %swap3A_121] : memref<256x32xi32, #tpu.memory_space<vmem>>, vector<256x1xi32>
    tpu.vector_store %arg4[%swap3A_120, %swap3A_121], %broadcast_in_dim3A_119 {strides = array<i32>} : memref<256x32xi32, #tpu.memory_space<vmem>>, vector<256x1xi32>,
    %eq3A_123 = vector.broadcast %broadcast_in_dim3A_119 : vector<256x1xi32> to vector<256x4096xi32>
    %eq3A_124 = arith.cmpi eq, %iota3A, %eq3A_123 : vector<256x4096xi32>
    %jit3A_125 = arith.constant 0xFF800000 : f32
    %broadcast_in_dim3A_126 = vector.broadcast %jit3A_125 : f32 to vector<256x4096xf32>
    %select_n3A_127 = arith.select %eq3A_124, %broadcast_in_dim3A_126, %select_n3A_108 : vector<256x4096xi1>, vector<256x4096xf32>
    %reduce_max3A_128 = arith.constant dense<0xFF800000> : vector<256xf32>
    %reduce_max3A_129 = vector.multi_reduction <maximumf>, %select_n3A_127, %reduce_max3A_128 [1] : vector<256x4096xf32> to vector<256xf32>
    %broadcast_in_dim3A_130 = vector.shape_cast %reduce_max3A_129 : vector<256xf32> to vector<256x1xf32>
    %eq3A_131 = vector.broadcast %broadcast_in_dim3A_130 : vector<256x1xf32> to vector<256x4096xf32>
    %eq3A_132 = arith.cmpf oeq, %select_n3A_127, %eq3A_131 : vector<256x4096xf32>
    %jit3A_133 = arith.constant 4096 : i32
    %broadcast_in_dim3A_134 = vector.broadcast %jit3A_133 : i32 to vector<256x4096xi32>
    %select_n3A_135 = arith.select %eq3A_132, %iota3A, %broadcast_in_dim3A_134 : vector<256x4096xi1>, vector<256x4096xi32>
    %reduce_min3A_136 = arith.constant dense<2147483647> : vector<256xi32>
    %reduce_min3A_137 = vector.multi_reduction <minsi>, %select_n3A_135, %reduce_min3A_136 [1] : vector<256x4096xi32> to vector<256xi32>
    %broadcast_in_dim3A_138 = vector.shape_cast %reduce_min3A_137 : vector<256xi32> to vector<256x1xi32>
    %swap3A_139 = arith.constant 0 : index
    %swap3A_140 = arith.constant 6 : index
    %swap3A_141 = vector.load %arg4[%swap3A_139, %swap3A_140] : memref<256x32xi32, #tpu.memory_space<vmem>>, vector<256x1xi32>
    tpu.vector_store %arg4[%swap3A_139, %swap3A_140], %broadcast_in_dim3A_138 {strides = array<i32>} : memref<256x32xi32, #tpu.memory_space<vmem>>, vector<256x1xi32>,
    %eq3A_142 = vector.broadcast %broadcast_in_dim3A_138 : vector<256x1xi32> to vector<256x4096xi32>
    %eq3A_143 = arith.cmpi eq, %iota3A, %eq3A_142 : vector<256x4096xi32>
    %jit3A_144 = arith.constant 0xFF800000 : f32
    %broadcast_in_dim3A_145 = vector.broadcast %jit3A_144 : f32 to vector<256x4096xf32>
    %select_n3A_146 = arith.select %eq3A_143, %broadcast_in_dim3A_145, %select_n3A_127 : vector<256x4096xi1>, vector<256x4096xf32>
    %reduce_max3A_147 = arith.constant dense<0xFF800000> : vector<256xf32>
    %reduce_max3A_148 = vector.multi_reduction <maximumf>, %select_n3A_146, %reduce_max3A_147 [1] : vector<256x4096xf32> to vector<256xf32>
    %broadcast_in_dim3A_149 = vector.shape_cast %reduce_max3A_148 : vector<256xf32> to vector<256x1xf32>
    %eq3A_150 = vector.broadcast %broadcast_in_dim3A_149 : vector<256x1xf32> to vector<256x4096xf32>
    %eq3A_151 = arith.cmpf oeq, %select_n3A_146, %eq3A_150 : vector<256x4096xf32>
    %jit3A_152 = arith.constant 4096 : i32
    %broadcast_in_dim3A_153 = vector.broadcast %jit3A_152 : i32 to vector<256x4096xi32>
    %select_n3A_154 = arith.select %eq3A_151, %iota3A, %broadcast_in_dim3A_153 : vector<256x4096xi1>, vector<256x4096xi32>
    %reduce_min3A_155 = arith.constant dense<2147483647> : vector<256xi32>
    %reduce_min3A_156 = vector.multi_reduction <minsi>, %select_n3A_154, %reduce_min3A_155 [1] : vector<256x4096xi32> to vector<256xi32>
    %broadcast_in_dim3A_157 = vector.shape_cast %reduce_min3A_156 : vector<256xi32> to vector<256x1xi32>
    %swap3A_158 = arith.constant 0 : index
    %swap3A_159 = arith.constant 7 : index
    %swap3A_160 = vector.load %arg4[%swap3A_158, %swap3A_159] : memref<256x32xi32, #tpu.memory_space<vmem>>, vector<256x1xi32>
    tpu.vector_store %arg4[%swap3A_158, %swap3A_159], %broadcast_in_dim3A_157 {strides = array<i32>} : memref<256x32xi32, #tpu.memory_space<vmem>>, vector<256x1xi32>,
    %eq3A_161 = vector.broadcast %broadcast_in_dim3A_157 : vector<256x1xi32> to vector<256x4096xi32>
    %eq3A_162 = arith.cmpi eq, %iota3A, %eq3A_161 : vector<256x4096xi32>
    %jit3A_163 = arith.constant 0xFF800000 : f32
    %broadcast_in_dim3A_164 = vector.broadcast %jit3A_163 : f32 to vector<256x4096xf32>
    %select_n3A_165 = arith.select %eq3A_162, %broadcast_in_dim3A_164, %select_n3A_146 : vector<256x4096xi1>, vector<256x4096xf32>
    %reduce_max3A_166 = arith.constant dense<0xFF800000> : vector<256xf32>
    %reduce_max3A_167 = vector.multi_reduction <maximumf>, %select_n3A_165, %reduce_max3A_166 [1] : vector<256x4096xf32> to vector<256xf32>
    %broadcast_in_dim3A_168 = vector.shape_cast %reduce_max3A_167 : vector<256xf32> to vector<256x1xf32>
    %eq3A_169 = vector.broadcast %broadcast_in_dim3A_168 : vector<256x1xf32> to vector<256x4096xf32>
    %eq3A_170 = arith.cmpf oeq, %select_n3A_165, %eq3A_169 : vector<256x4096xf32>
    %jit3A_171 = arith.constant 4096 : i32
    %broadcast_in_dim3A_172 = vector.broadcast %jit3A_171 : i32 to vector<256x4096xi32>
    %select_n3A_173 = arith.select %eq3A_170, %iota3A, %broadcast_in_dim3A_172 : vector<256x4096xi1>, vector<256x4096xi32>
    %reduce_min3A_174 = arith.constant dense<2147483647> : vector<256xi32>
    %reduce_min3A_175 = vector.multi_reduction <minsi>, %select_n3A_173, %reduce_min3A_174 [1] : vector<256x4096xi32> to vector<256xi32>
    %broadcast_in_dim3A_176 = vector.shape_cast %reduce_min3A_175 : vector<256xi32> to vector<256x1xi32>
    %swap3A_177 = arith.constant 0 : index
    %swap3A_178 = arith.constant 8 : index
    %swap3A_179 = vector.load %arg4[%swap3A_177, %swap3A_178] : memref<256x32xi32, #tpu.memory_space<vmem>>, vector<256x1xi32>
    tpu.vector_store %arg4[%swap3A_177, %swap3A_178], %broadcast_in_dim3A_176 {strides = array<i32>} : memref<256x32xi32, #tpu.memory_space<vmem>>, vector<256x1xi32>,
    %eq3A_180 = vector.broadcast %broadcast_in_dim3A_176 : vector<256x1xi32> to vector<256x4096xi32>
    %eq3A_181 = arith.cmpi eq, %iota3A, %eq3A_180 : vector<256x4096xi32>
    %jit3A_182 = arith.constant 0xFF800000 : f32
    %broadcast_in_dim3A_183 = vector.broadcast %jit3A_182 : f32 to vector<256x4096xf32>
    %select_n3A_184 = arith.select %eq3A_181, %broadcast_in_dim3A_183, %select_n3A_165 : vector<256x4096xi1>, vector<256x4096xf32>
    %reduce_max3A_185 = arith.constant dense<0xFF800000> : vector<256xf32>
    %reduce_max3A_186 = vector.multi_reduction <maximumf>, %select_n3A_184, %reduce_max3A_185 [1] : vector<256x4096xf32> to vector<256xf32>
    %broadcast_in_dim3A_187 = vector.shape_cast %reduce_max3A_186 : vector<256xf32> to vector<256x1xf32>
    %eq3A_188 = vector.broadcast %broadcast_in_dim3A_187 : vector<256x1xf32> to vector<256x4096xf32>
    %eq3A_189 = arith.cmpf oeq, %select_n3A_184, %eq3A_188 : vector<256x4096xf32>
    %jit3A_190 = arith.constant 4096 : i32
    %broadcast_in_dim3A_191 = vector.broadcast %jit3A_190 : i32 to vector<256x4096xi32>
    %select_n3A_192 = arith.select %eq3A_189, %iota3A, %broadcast_in_dim3A_191 : vector<256x4096xi1>, vector<256x4096xi32>
    %reduce_min3A_193 = arith.constant dense<2147483647> : vector<256xi32>
    %reduce_min3A_194 = vector.multi_reduction <minsi>, %select_n3A_192, %reduce_min3A_193 [1] : vector<256x4096xi32> to vector<256xi32>
    %broadcast_in_dim3A_195 = vector.shape_cast %reduce_min3A_194 : vector<256xi32> to vector<256x1xi32>
    %swap3A_196 = arith.constant 0 : index
    %swap3A_197 = arith.constant 9 : index
    %swap3A_198 = vector.load %arg4[%swap3A_196, %swap3A_197] : memref<256x32xi32, #tpu.memory_space<vmem>>, vector<256x1xi32>
    tpu.vector_store %arg4[%swap3A_196, %swap3A_197], %broadcast_in_dim3A_195 {strides = array<i32>} : memref<256x32xi32, #tpu.memory_space<vmem>>, vector<256x1xi32>,
    %eq3A_199 = vector.broadcast %broadcast_in_dim3A_195 : vector<256x1xi32> to vector<256x4096xi32>
    %eq3A_200 = arith.cmpi eq, %iota3A, %eq3A_199 : vector<256x4096xi32>
    %jit3A_201 = arith.constant 0xFF800000 : f32
    %broadcast_in_dim3A_202 = vector.broadcast %jit3A_201 : f32 to vector<256x4096xf32>
    %select_n3A_203 = arith.select %eq3A_200, %broadcast_in_dim3A_202, %select_n3A_184 : vector<256x4096xi1>, vector<256x4096xf32>
    %reduce_max3A_204 = arith.constant dense<0xFF800000> : vector<256xf32>
    %reduce_max3A_205 = vector.multi_reduction <maximumf>, %select_n3A_203, %reduce_max3A_204 [1] : vector<256x4096xf32> to vector<256xf32>
    %broadcast_in_dim3A_206 = vector.shape_cast %reduce_max3A_205 : vector<256xf32> to vector<256x1xf32>
    %eq3A_207 = vector.broadcast %broadcast_in_dim3A_206 : vector<256x1xf32> to vector<256x4096xf32>
    %eq3A_208 = arith.cmpf oeq, %select_n3A_203, %eq3A_207 : vector<256x4096xf32>
    %jit3A_209 = arith.constant 4096 : i32
    %broadcast_in_dim3A_210 = vector.broadcast %jit3A_209 : i32 to vector<256x4096xi32>
    %select_n3A_211 = arith.select %eq3A_208, %iota3A, %broadcast_in_dim3A_210 : vector<256x4096xi1>, vector<256x4096xi32>
    %reduce_min3A_212 = arith.constant dense<2147483647> : vector<256xi32>
    %reduce_min3A_213 = vector.multi_reduction <minsi>, %select_n3A_211, %reduce_min3A_212 [1] : vector<256x4096xi32> to vector<256xi32>
    %broadcast_in_dim3A_214 = vector.shape_cast %reduce_min3A_213 : vector<256xi32> to vector<256x1xi32>
    %swap3A_215 = arith.constant 0 : index
    %swap3A_216 = arith.constant 10 : index
    %swap3A_217 = vector.load %arg4[%swap3A_215, %swap3A_216] : memref<256x32xi32, #tpu.memory_space<vmem>>, vector<256x1xi32>
    tpu.vector_store %arg4[%swap3A_215, %swap3A_216], %broadcast_in_dim3A_214 {strides = array<i32>} : memref<256x32xi32, #tpu.memory_space<vmem>>, vector<256x1xi32>,
    %eq3A_218 = vector.broadcast %broadcast_in_dim3A_214 : vector<256x1xi32> to vector<256x4096xi32>
    %eq3A_219 = arith.cmpi eq, %iota3A, %eq3A_218 : vector<256x4096xi32>
    %jit3A_220 = arith.constant 0xFF800000 : f32
    %broadcast_in_dim3A_221 = vector.broadcast %jit3A_220 : f32 to vector<256x4096xf32>
    %select_n3A_222 = arith.select %eq3A_219, %broadcast_in_dim3A_221, %select_n3A_203 : vector<256x4096xi1>, vector<256x4096xf32>
    %reduce_max3A_223 = arith.constant dense<0xFF800000> : vector<256xf32>
    %reduce_max3A_224 = vector.multi_reduction <maximumf>, %select_n3A_222, %reduce_max3A_223 [1] : vector<256x4096xf32> to vector<256xf32>
    %broadcast_in_dim3A_225 = vector.shape_cast %reduce_max3A_224 : vector<256xf32> to vector<256x1xf32>
    %eq3A_226 = vector.broadcast %broadcast_in_dim3A_225 : vector<256x1xf32> to vector<256x4096xf32>
    %eq3A_227 = arith.cmpf oeq, %select_n3A_222, %eq3A_226 : vector<256x4096xf32>
    %jit3A_228 = arith.constant 4096 : i32
    %broadcast_in_dim3A_229 = vector.broadcast %jit3A_228 : i32 to vector<256x4096xi32>
    %select_n3A_230 = arith.select %eq3A_227, %iota3A, %broadcast_in_dim3A_229 : vector<256x4096xi1>, vector<256x4096xi32>
    %reduce_min3A_231 = arith.constant dense<2147483647> : vector<256xi32>
    %reduce_min3A_232 = vector.multi_reduction <minsi>, %select_n3A_230, %reduce_min3A_231 [1] : vector<256x4096xi32> to vector<256xi32>
    %broadcast_in_dim3A_233 = vector.shape_cast %reduce_min3A_232 : vector<256xi32> to vector<256x1xi32>
    %swap3A_234 = arith.constant 0 : index
    %swap3A_235 = arith.constant 11 : index
    %swap3A_236 = vector.load %arg4[%swap3A_234, %swap3A_235] : memref<256x32xi32, #tpu.memory_space<vmem>>, vector<256x1xi32>
    tpu.vector_store %arg4[%swap3A_234, %swap3A_235], %broadcast_in_dim3A_233 {strides = array<i32>} : memref<256x32xi32, #tpu.memory_space<vmem>>, vector<256x1xi32>,
    %eq3A_237 = vector.broadcast %broadcast_in_dim3A_233 : vector<256x1xi32> to vector<256x4096xi32>
    %eq3A_238 = arith.cmpi eq, %iota3A, %eq3A_237 : vector<256x4096xi32>
    %jit3A_239 = arith.constant 0xFF800000 : f32
    %broadcast_in_dim3A_240 = vector.broadcast %jit3A_239 : f32 to vector<256x4096xf32>
    %select_n3A_241 = arith.select %eq3A_238, %broadcast_in_dim3A_240, %select_n3A_222 : vector<256x4096xi1>, vector<256x4096xf32>
    %reduce_max3A_242 = arith.constant dense<0xFF800000> : vector<256xf32>
    %reduce_max3A_243 = vector.multi_reduction <maximumf>, %select_n3A_241, %reduce_max3A_242 [1] : vector<256x4096xf32> to vector<256xf32>
    %broadcast_in_dim3A_244 = vector.shape_cast %reduce_max3A_243 : vector<256xf32> to vector<256x1xf32>
    %eq3A_245 = vector.broadcast %broadcast_in_dim3A_244 : vector<256x1xf32> to vector<256x4096xf32>
    %eq3A_246 = arith.cmpf oeq, %select_n3A_241, %eq3A_245 : vector<256x4096xf32>
    %jit3A_247 = arith.constant 4096 : i32
    %broadcast_in_dim3A_248 = vector.broadcast %jit3A_247 : i32 to vector<256x4096xi32>
    %select_n3A_249 = arith.select %eq3A_246, %iota3A, %broadcast_in_dim3A_248 : vector<256x4096xi1>, vector<256x4096xi32>
    %reduce_min3A_250 = arith.constant dense<2147483647> : vector<256xi32>
    %reduce_min3A_251 = vector.multi_reduction <minsi>, %select_n3A_249, %reduce_min3A_250 [1] : vector<256x4096xi32> to vector<256xi32>
    %broadcast_in_dim3A_252 = vector.shape_cast %reduce_min3A_251 : vector<256xi32> to vector<256x1xi32>
    %swap3A_253 = arith.constant 0 : index
    %swap3A_254 = arith.constant 12 : index
    %swap3A_255 = vector.load %arg4[%swap3A_253, %swap3A_254] : memref<256x32xi32, #tpu.memory_space<vmem>>, vector<256x1xi32>
    tpu.vector_store %arg4[%swap3A_253, %swap3A_254], %broadcast_in_dim3A_252 {strides = array<i32>} : memref<256x32xi32, #tpu.memory_space<vmem>>, vector<256x1xi32>,
    %eq3A_256 = vector.broadcast %broadcast_in_dim3A_252 : vector<256x1xi32> to vector<256x4096xi32>
    %eq3A_257 = arith.cmpi eq, %iota3A, %eq3A_256 : vector<256x4096xi32>
    %jit3A_258 = arith.constant 0xFF800000 : f32
    %broadcast_in_dim3A_259 = vector.broadcast %jit3A_258 : f32 to vector<256x4096xf32>
    %select_n3A_260 = arith.select %eq3A_257, %broadcast_in_dim3A_259, %select_n3A_241 : vector<256x4096xi1>, vector<256x4096xf32>
    %reduce_max3A_261 = arith.constant dense<0xFF800000> : vector<256xf32>
    %reduce_max3A_262 = vector.multi_reduction <maximumf>, %select_n3A_260, %reduce_max3A_261 [1] : vector<256x4096xf32> to vector<256xf32>
    %broadcast_in_dim3A_263 = vector.shape_cast %reduce_max3A_262 : vector<256xf32> to vector<256x1xf32>
    %eq3A_264 = vector.broadcast %broadcast_in_dim3A_263 : vector<256x1xf32> to vector<256x4096xf32>
    %eq3A_265 = arith.cmpf oeq, %select_n3A_260, %eq3A_264 : vector<256x4096xf32>
    %jit3A_266 = arith.constant 4096 : i32
    %broadcast_in_dim3A_267 = vector.broadcast %jit3A_266 : i32 to vector<256x4096xi32>
    %select_n3A_268 = arith.select %eq3A_265, %iota3A, %broadcast_in_dim3A_267 : vector<256x4096xi1>, vector<256x4096xi32>
    %reduce_min3A_269 = arith.constant dense<2147483647> : vector<256xi32>
    %reduce_min3A_270 = vector.multi_reduction <minsi>, %select_n3A_268, %reduce_min3A_269 [1] : vector<256x4096xi32> to vector<256xi32>
    %broadcast_in_dim3A_271 = vector.shape_cast %reduce_min3A_270 : vector<256xi32> to vector<256x1xi32>
    %swap3A_272 = arith.constant 0 : index
    %swap3A_273 = arith.constant 13 : index
    %swap3A_274 = vector.load %arg4[%swap3A_272, %swap3A_273] : memref<256x32xi32, #tpu.memory_space<vmem>>, vector<256x1xi32>
    tpu.vector_store %arg4[%swap3A_272, %swap3A_273], %broadcast_in_dim3A_271 {strides = array<i32>} : memref<256x32xi32, #tpu.memory_space<vmem>>, vector<256x1xi32>,
    %eq3A_275 = vector.broadcast %broadcast_in_dim3A_271 : vector<256x1xi32> to vector<256x4096xi32>
    %eq3A_276 = arith.cmpi eq, %iota3A, %eq3A_275 : vector<256x4096xi32>
    %jit3A_277 = arith.constant 0xFF800000 : f32
    %broadcast_in_dim3A_278 = vector.broadcast %jit3A_277 : f32 to vector<256x4096xf32>
    %select_n3A_279 = arith.select %eq3A_276, %broadcast_in_dim3A_278, %select_n3A_260 : vector<256x4096xi1>, vector<256x4096xf32>
    %reduce_max3A_280 = arith.constant dense<0xFF800000> : vector<256xf32>
    %reduce_max3A_281 = vector.multi_reduction <maximumf>, %select_n3A_279, %reduce_max3A_280 [1] : vector<256x4096xf32> to vector<256xf32>
    %broadcast_in_dim3A_282 = vector.shape_cast %reduce_max3A_281 : vector<256xf32> to vector<256x1xf32>
    %eq3A_283 = vector.broadcast %broadcast_in_dim3A_282 : vector<256x1xf32> to vector<256x4096xf32>
    %eq3A_284 = arith.cmpf oeq, %select_n3A_279, %eq3A_283 : vector<256x4096xf32>
    %jit3A_285 = arith.constant 4096 : i32
    %broadcast_in_dim3A_286 = vector.broadcast %jit3A_285 : i32 to vector<256x4096xi32>
    %select_n3A_287 = arith.select %eq3A_284, %iota3A, %broadcast_in_dim3A_286 : vector<256x4096xi1>, vector<256x4096xi32>
    %reduce_min3A_288 = arith.constant dense<2147483647> : vector<256xi32>
    %reduce_min3A_289 = vector.multi_reduction <minsi>, %select_n3A_287, %reduce_min3A_288 [1] : vector<256x4096xi32> to vector<256xi32>
    %broadcast_in_dim3A_290 = vector.shape_cast %reduce_min3A_289 : vector<256xi32> to vector<256x1xi32>
    %swap3A_291 = arith.constant 0 : index
    %swap3A_292 = arith.constant 14 : index
    %swap3A_293 = vector.load %arg4[%swap3A_291, %swap3A_292] : memref<256x32xi32, #tpu.memory_space<vmem>>, vector<256x1xi32>
    tpu.vector_store %arg4[%swap3A_291, %swap3A_292], %broadcast_in_dim3A_290 {strides = array<i32>} : memref<256x32xi32, #tpu.memory_space<vmem>>, vector<256x1xi32>,
    %eq3A_294 = vector.broadcast %broadcast_in_dim3A_290 : vector<256x1xi32> to vector<256x4096xi32>
    %eq3A_295 = arith.cmpi eq, %iota3A, %eq3A_294 : vector<256x4096xi32>
    %jit3A_296 = arith.constant 0xFF800000 : f32
    %broadcast_in_dim3A_297 = vector.broadcast %jit3A_296 : f32 to vector<256x4096xf32>
    %select_n3A_298 = arith.select %eq3A_295, %broadcast_in_dim3A_297, %select_n3A_279 : vector<256x4096xi1>, vector<256x4096xf32>
    %reduce_max3A_299 = arith.constant dense<0xFF800000> : vector<256xf32>
    %reduce_max3A_300 = vector.multi_reduction <maximumf>, %select_n3A_298, %reduce_max3A_299 [1] : vector<256x4096xf32> to vector<256xf32>
    %broadcast_in_dim3A_301 = vector.shape_cast %reduce_max3A_300 : vector<256xf32> to vector<256x1xf32>
    %eq3A_302 = vector.broadcast %broadcast_in_dim3A_301 : vector<256x1xf32> to vector<256x4096xf32>
    %eq3A_303 = arith.cmpf oeq, %select_n3A_298, %eq3A_302 : vector<256x4096xf32>
    %jit3A_304 = arith.constant 4096 : i32
    %broadcast_in_dim3A_305 = vector.broadcast %jit3A_304 : i32 to vector<256x4096xi32>
    %select_n3A_306 = arith.select %eq3A_303, %iota3A, %broadcast_in_dim3A_305 : vector<256x4096xi1>, vector<256x4096xi32>
    %reduce_min3A_307 = arith.constant dense<2147483647> : vector<256xi32>
    %reduce_min3A_308 = vector.multi_reduction <minsi>, %select_n3A_306, %reduce_min3A_307 [1] : vector<256x4096xi32> to vector<256xi32>
    %broadcast_in_dim3A_309 = vector.shape_cast %reduce_min3A_308 : vector<256xi32> to vector<256x1xi32>
    %swap3A_310 = arith.constant 0 : index
    %swap3A_311 = arith.constant 15 : index
    %swap3A_312 = vector.load %arg4[%swap3A_310, %swap3A_311] : memref<256x32xi32, #tpu.memory_space<vmem>>, vector<256x1xi32>
    tpu.vector_store %arg4[%swap3A_310, %swap3A_311], %broadcast_in_dim3A_309 {strides = array<i32>} : memref<256x32xi32, #tpu.memory_space<vmem>>, vector<256x1xi32>,
    %eq3A_313 = vector.broadcast %broadcast_in_dim3A_309 : vector<256x1xi32> to vector<256x4096xi32>
    %eq3A_314 = arith.cmpi eq, %iota3A, %eq3A_313 : vector<256x4096xi32>
    %jit3A_315 = arith.constant 0xFF800000 : f32
    %broadcast_in_dim3A_316 = vector.broadcast %jit3A_315 : f32 to vector<256x4096xf32>
    %select_n3A_317 = arith.select %eq3A_314, %broadcast_in_dim3A_316, %select_n3A_298 : vector<256x4096xi1>, vector<256x4096xf32>
    %reduce_max3A_318 = arith.constant dense<0xFF800000> : vector<256xf32>
    %reduce_max3A_319 = vector.multi_reduction <maximumf>, %select_n3A_317, %reduce_max3A_318 [1] : vector<256x4096xf32> to vector<256xf32>
    %broadcast_in_dim3A_320 = vector.shape_cast %reduce_max3A_319 : vector<256xf32> to vector<256x1xf32>
    %eq3A_321 = vector.broadcast %broadcast_in_dim3A_320 : vector<256x1xf32> to vector<256x4096xf32>
    %eq3A_322 = arith.cmpf oeq, %select_n3A_317, %eq3A_321 : vector<256x4096xf32>
    %jit3A_323 = arith.constant 4096 : i32
    %broadcast_in_dim3A_324 = vector.broadcast %jit3A_323 : i32 to vector<256x4096xi32>
    %select_n3A_325 = arith.select %eq3A_322, %iota3A, %broadcast_in_dim3A_324 : vector<256x4096xi1>, vector<256x4096xi32>
    %reduce_min3A_326 = arith.constant dense<2147483647> : vector<256xi32>
    %reduce_min3A_327 = vector.multi_reduction <minsi>, %select_n3A_325, %reduce_min3A_326 [1] : vector<256x4096xi32> to vector<256xi32>
    %broadcast_in_dim3A_328 = vector.shape_cast %reduce_min3A_327 : vector<256xi32> to vector<256x1xi32>
    %swap3A_329 = arith.constant 0 : index
    %swap3A_330 = arith.constant 16 : index
    %swap3A_331 = vector.load %arg4[%swap3A_329, %swap3A_330] : memref<256x32xi32, #tpu.memory_space<vmem>>, vector<256x1xi32>
    tpu.vector_store %arg4[%swap3A_329, %swap3A_330], %broadcast_in_dim3A_328 {strides = array<i32>} : memref<256x32xi32, #tpu.memory_space<vmem>>, vector<256x1xi32>,
    %eq3A_332 = vector.broadcast %broadcast_in_dim3A_328 : vector<256x1xi32> to vector<256x4096xi32>
    %eq3A_333 = arith.cmpi eq, %iota3A, %eq3A_332 : vector<256x4096xi32>
    %jit3A_334 = arith.constant 0xFF800000 : f32
    %broadcast_in_dim3A_335 = vector.broadcast %jit3A_334 : f32 to vector<256x4096xf32>
    %select_n3A_336 = arith.select %eq3A_333, %broadcast_in_dim3A_335, %select_n3A_317 : vector<256x4096xi1>, vector<256x4096xf32>
    %reduce_max3A_337 = arith.constant dense<0xFF800000> : vector<256xf32>
    %reduce_max3A_338 = vector.multi_reduction <maximumf>, %select_n3A_336, %reduce_max3A_337 [1] : vector<256x4096xf32> to vector<256xf32>
    %broadcast_in_dim3A_339 = vector.shape_cast %reduce_max3A_338 : vector<256xf32> to vector<256x1xf32>
    %eq3A_340 = vector.broadcast %broadcast_in_dim3A_339 : vector<256x1xf32> to vector<256x4096xf32>
    %eq3A_341 = arith.cmpf oeq, %select_n3A_336, %eq3A_340 : vector<256x4096xf32>
    %jit3A_342 = arith.constant 4096 : i32
    %broadcast_in_dim3A_343 = vector.broadcast %jit3A_342 : i32 to vector<256x4096xi32>
    %select_n3A_344 = arith.select %eq3A_341, %iota3A, %broadcast_in_dim3A_343 : vector<256x4096xi1>, vector<256x4096xi32>
    %reduce_min3A_345 = arith.constant dense<2147483647> : vector<256xi32>
    %reduce_min3A_346 = vector.multi_reduction <minsi>, %select_n3A_344, %reduce_min3A_345 [1] : vector<256x4096xi32> to vector<256xi32>
    %broadcast_in_dim3A_347 = vector.shape_cast %reduce_min3A_346 : vector<256xi32> to vector<256x1xi32>
    %swap3A_348 = arith.constant 0 : index
    %swap3A_349 = arith.constant 17 : index
    %swap3A_350 = vector.load %arg4[%swap3A_348, %swap3A_349] : memref<256x32xi32, #tpu.memory_space<vmem>>, vector<256x1xi32>
    tpu.vector_store %arg4[%swap3A_348, %swap3A_349], %broadcast_in_dim3A_347 {strides = array<i32>} : memref<256x32xi32, #tpu.memory_space<vmem>>, vector<256x1xi32>,
    %eq3A_351 = vector.broadcast %broadcast_in_dim3A_347 : vector<256x1xi32> to vector<256x4096xi32>
    %eq3A_352 = arith.cmpi eq, %iota3A, %eq3A_351 : vector<256x4096xi32>
    %jit3A_353 = arith.constant 0xFF800000 : f32
    %broadcast_in_dim3A_354 = vector.broadcast %jit3A_353 : f32 to vector<256x4096xf32>
    %select_n3A_355 = arith.select %eq3A_352, %broadcast_in_dim3A_354, %select_n3A_336 : vector<256x4096xi1>, vector<256x4096xf32>
    %reduce_max3A_356 = arith.constant dense<0xFF800000> : vector<256xf32>
    %reduce_max3A_357 = vector.multi_reduction <maximumf>, %select_n3A_355, %reduce_max3A_356 [1] : vector<256x4096xf32> to vector<256xf32>
    %broadcast_in_dim3A_358 = vector.shape_cast %reduce_max3A_357 : vector<256xf32> to vector<256x1xf32>
    %eq3A_359 = vector.broadcast %broadcast_in_dim3A_358 : vector<256x1xf32> to vector<256x4096xf32>
    %eq3A_360 = arith.cmpf oeq, %select_n3A_355, %eq3A_359 : vector<256x4096xf32>
    %jit3A_361 = arith.constant 4096 : i32
    %broadcast_in_dim3A_362 = vector.broadcast %jit3A_361 : i32 to vector<256x4096xi32>
    %select_n3A_363 = arith.select %eq3A_360, %iota3A, %broadcast_in_dim3A_362 : vector<256x4096xi1>, vector<256x4096xi32>
    %reduce_min3A_364 = arith.constant dense<2147483647> : vector<256xi32>
    %reduce_min3A_365 = vector.multi_reduction <minsi>, %select_n3A_363, %reduce_min3A_364 [1] : vector<256x4096xi32> to vector<256xi32>
    %broadcast_in_dim3A_366 = vector.shape_cast %reduce_min3A_365 : vector<256xi32> to vector<256x1xi32>
    %swap3A_367 = arith.constant 0 : index
    %swap3A_368 = arith.constant 18 : index
    %swap3A_369 = vector.load %arg4[%swap3A_367, %swap3A_368] : memref<256x32xi32, #tpu.memory_space<vmem>>, vector<256x1xi32>
    tpu.vector_store %arg4[%swap3A_367, %swap3A_368], %broadcast_in_dim3A_366 {strides = array<i32>} : memref<256x32xi32, #tpu.memory_space<vmem>>, vector<256x1xi32>,
    %eq3A_370 = vector.broadcast %broadcast_in_dim3A_366 : vector<256x1xi32> to vector<256x4096xi32>
    %eq3A_371 = arith.cmpi eq, %iota3A, %eq3A_370 : vector<256x4096xi32>
    %jit3A_372 = arith.constant 0xFF800000 : f32
    %broadcast_in_dim3A_373 = vector.broadcast %jit3A_372 : f32 to vector<256x4096xf32>
    %select_n3A_374 = arith.select %eq3A_371, %broadcast_in_dim3A_373, %select_n3A_355 : vector<256x4096xi1>, vector<256x4096xf32>
    %reduce_max3A_375 = arith.constant dense<0xFF800000> : vector<256xf32>
    %reduce_max3A_376 = vector.multi_reduction <maximumf>, %select_n3A_374, %reduce_max3A_375 [1] : vector<256x4096xf32> to vector<256xf32>
    %broadcast_in_dim3A_377 = vector.shape_cast %reduce_max3A_376 : vector<256xf32> to vector<256x1xf32>
    %eq3A_378 = vector.broadcast %broadcast_in_dim3A_377 : vector<256x1xf32> to vector<256x4096xf32>
    %eq3A_379 = arith.cmpf oeq, %select_n3A_374, %eq3A_378 : vector<256x4096xf32>
    %jit3A_380 = arith.constant 4096 : i32
    %broadcast_in_dim3A_381 = vector.broadcast %jit3A_380 : i32 to vector<256x4096xi32>
    %select_n3A_382 = arith.select %eq3A_379, %iota3A, %broadcast_in_dim3A_381 : vector<256x4096xi1>, vector<256x4096xi32>
    %reduce_min3A_383 = arith.constant dense<2147483647> : vector<256xi32>
    %reduce_min3A_384 = vector.multi_reduction <minsi>, %select_n3A_382, %reduce_min3A_383 [1] : vector<256x4096xi32> to vector<256xi32>
    %broadcast_in_dim3A_385 = vector.shape_cast %reduce_min3A_384 : vector<256xi32> to vector<256x1xi32>
    %swap3A_386 = arith.constant 0 : index
    %swap3A_387 = arith.constant 19 : index
    %swap3A_388 = vector.load %arg4[%swap3A_386, %swap3A_387] : memref<256x32xi32, #tpu.memory_space<vmem>>, vector<256x1xi32>
    tpu.vector_store %arg4[%swap3A_386, %swap3A_387], %broadcast_in_dim3A_385 {strides = array<i32>} : memref<256x32xi32, #tpu.memory_space<vmem>>, vector<256x1xi32>,
    return
  }
  func.func @transform_0(%arg0: i32) -> (i32, i32) {
    %c0_i32 = arith.constant 0 : i32
    %c0_i32_0 = arith.constant 0 : i32
    return %arg0, %c0_i32 : i32, i32
  }
  func.func @transform_1(%arg0: i32) -> (i32, i32) {
    %c0_i32 = arith.constant 0 : i32
    %c0_i32_0 = arith.constant 0 : i32
    %c0_i32_1 = arith.constant 0 : i32
    return %c0_i32, %c0_i32_0 : i32, i32
  }
  func.func @transform_2(%arg0: i32) -> (i32, i32) {
    %c0_i32 = arith.constant 0 : i32
    %c0_i32_0 = arith.constant 0 : i32
    %c0_i32_1 = arith.constant 0 : i32
    return %c0_i32, %c0_i32_0 : i32, i32
  }
  func.func @transform_3(%arg0: i32) -> (i32, i32) {
    %c0_i32 = arith.constant 0 : i32
    %c0_i32_0 = arith.constant 0 : i32
    return %arg0, %c0_i32 : i32, i32
  }
}

module attributes {stable_mosaic.version = 14 : i64} {
  func.func @_edge_body(%arg0: i32, %arg1: memref<2560x128xf32, #tpu.memory_space<vmem>>, %arg2: memref<128x64xf32, #tpu.memory_space<vmem>>, %arg3: memref<128x64xf32, #tpu.memory_space<vmem>>, %arg4: memref<128x64xf32, #tpu.memory_space<vmem>>, %arg5: memref<128x64xf32, #tpu.memory_space<vmem>>, %arg6: memref<8x64xf32, #tpu.memory_space<vmem>>) attributes {dimension_semantics = [#tpu.dimension_semantics<arbitrary>], iteration_bounds = array<i64: 32>, scalar_prefetch = 0 : i64, scratch_operands = 0 : i64, tpu.core_type = #tpu.core_type<tc>, window_params = [{transform_indices = @transform_0, window_bounds = array<i64: 2560, 128>}, {transform_indices = @transform_1, window_bounds = array<i64: 128, 64>}, {pipeline_mode = #tpu.pipeline_mode<synchronous>, transform_indices = @transform_2, window_bounds = array<i64: 128, 64>}, {transform_indices = @transform_3, window_bounds = array<i64: 128, 64>}, {transform_indices = @transform_4, window_bounds = array<i64: 128, 64>}, {pipeline_mode = #tpu.pipeline_mode<synchronous>, transform_indices = @transform_5, window_bounds = array<i64: 8, 64>}]} {
    %get3A = arith.constant 0 : index
    %get3A_0 = arith.constant 0 : index
    %get3A_1 = vector.load %arg2[%get3A, %get3A_0] : memref<128x64xf32, #tpu.memory_space<vmem>>, vector<128x64xf32>
    %get3A_2 = arith.constant 0 : index
    %get3A_3 = arith.constant 0 : index
    %get3A_4 = vector.load %arg1[%get3A_2, %get3A_3] : memref<2560x128xf32, #tpu.memory_space<vmem>>, vector<2560x128xf32>
    %slice3A = vector.extract_strided_slice %get3A_4 {offsets = [0, 0], sizes = [2560, 64], strides = [1, 1]} : vector<2560x128xf32> to vector<2560x64xf32>
    %reshape3A = vector.shape_cast %slice3A : vector<2560x64xf32> to vector<128x20x64xf32>
    %broadcast_in_dim3A = vector.shape_cast %get3A_1 : vector<128x64xf32> to vector<128x1x64xf32>
    %sub3A = vector.broadcast %broadcast_in_dim3A : vector<128x1x64xf32> to vector<128x20x64xf32>
    %sub3A_5 = arith.subf %reshape3A, %sub3A : vector<128x20x64xf32>
    %reshape3A_6 = vector.shape_cast %sub3A_5 : vector<128x20x64xf32> to vector<2560x64xf32>
    %broadcast_in_dim3A_7 = vector.shape_cast %get3A_1 : vector<128x64xf32> to vector<128x1x64xf32>
    %broadcast_in_dim3A_8 = vector.shape_cast %broadcast_in_dim3A_7 : vector<128x1x64xf32> to vector<128x1x64xf32>
    %broadcast_in_dim3A_9 = vector.broadcast %broadcast_in_dim3A_8 : vector<128x1x64xf32> to vector<128x20x64xf32>
    %reshape3A_10 = vector.shape_cast %broadcast_in_dim3A_9 : vector<128x20x64xf32> to vector<2560x64xf32>
    %concatenate3A = tpu.concatenate %reshape3A_6, %reshape3A_10 in 1 : vector<2560x64xf32>, vector<2560x64xf32> -> vector<2560x128xf32>
    %get3A_11 = arith.constant 0 : index
    %get3A_12 = arith.constant 0 : index
    %get3A_13 = vector.load %arg3[%get3A_11, %get3A_12] : memref<128x64xf32, #tpu.memory_space<vmem>>, vector<128x64xf32>
    %dot_general3A = arith.constant dense<0.000000e+00> : vector<2560x64xf32>
    %dot_general3A_14 = tpu.matmul %concatenate3A, %get3A_13, %dot_general3A {dimension_numbers = #tpu.dot_dimension_numbers<[1], [0], [0], [1], [0, 0, 1, 1], [], []>, transpose_lhs_hint = false} : vector<2560x128xf32>, vector<128x64xf32>, vector<2560x64xf32> -> vector<2560x64xf32>
    %reshape3A_15 = vector.shape_cast %dot_general3A_14 : vector<2560x64xf32> to vector<128x20x64xf32>
    %reduce_max3A = arith.constant dense<0xFF800000> : vector<128x64xf32>
    %reduce_max3A_16 = vector.multi_reduction <maximumf>, %reshape3A_15, %reduce_max3A [1] : vector<128x20x64xf32> to vector<128x64xf32>
    %swap3A = arith.constant 0 : index
    %swap3A_17 = arith.constant 0 : index
    %swap3A_18 = vector.load %arg4[%swap3A, %swap3A_17] : memref<128x64xf32, #tpu.memory_space<vmem>>, vector<128x64xf32>
    tpu.vector_store %arg4[%swap3A, %swap3A_17], %reduce_max3A_16 {strides = array<i32>} : memref<128x64xf32, #tpu.memory_space<vmem>>, vector<128x64xf32>,
    %reduce_min3A = arith.constant dense<0x7F800000> : vector<128x64xf32>
    %reduce_min3A_19 = vector.multi_reduction <minimumf>, %reshape3A_15, %reduce_min3A [1] : vector<128x20x64xf32> to vector<128x64xf32>
    %swap3A_20 = arith.constant 0 : index
    %swap3A_21 = arith.constant 0 : index
    %swap3A_22 = vector.load %arg5[%swap3A_20, %swap3A_21] : memref<128x64xf32, #tpu.memory_space<vmem>>, vector<128x64xf32>
    tpu.vector_store %arg5[%swap3A_20, %swap3A_21], %reduce_min3A_19 {strides = array<i32>} : memref<128x64xf32, #tpu.memory_space<vmem>>, vector<128x64xf32>,
    %reduce_sum3A = arith.constant dense<0.000000e+00> : vector<64xf32>
    %reduce_sum3A_23 = vector.multi_reduction <add>, %dot_general3A_14, %reduce_sum3A [0] : vector<2560x64xf32> to vector<64xf32>
    %broadcast_in_dim3A_24 = vector.shape_cast %reduce_sum3A_23 : vector<64xf32> to vector<1x64xf32>
    %mul3A = arith.mulf %dot_general3A_14, %dot_general3A_14 : vector<2560x64xf32>
    %reduce_sum3A_25 = arith.constant dense<0.000000e+00> : vector<64xf32>
    %reduce_sum3A_26 = vector.multi_reduction <add>, %mul3A, %reduce_sum3A_25 [0] : vector<2560x64xf32> to vector<64xf32>
    %broadcast_in_dim3A_27 = vector.shape_cast %reduce_sum3A_26 : vector<64xf32> to vector<1x64xf32>
    %broadcast_in_dim3A_28 = arith.constant 0.000000e+00 : f32
    %broadcast_in_dim3A_29 = vector.broadcast %broadcast_in_dim3A_28 : f32 to vector<6x64xf32>
    %concatenate3A_30 = tpu.concatenate %broadcast_in_dim3A_24, %broadcast_in_dim3A_27, %broadcast_in_dim3A_29 in 0 : vector<1x64xf32>, vector<1x64xf32>, vector<6x64xf32> -> vector<8x64xf32>
    %eq3A = arith.constant 0 : i32
    %eq3A_31 = arith.cmpi eq, %arg0, %eq3A : i32
    %convert_element_type3A = arith.extui %eq3A_31 : i1 to i32
    %cond3A = arith.constant 0 : i32
    %cond3A_32 = arith.cmpi ne, %convert_element_type3A, %cond3A : i32
    scf.if %cond3A_32 {
      %broadcast_in_dim3A_39 = arith.constant 0.000000e+00 : f32
      %broadcast_in_dim3A_40 = vector.broadcast %broadcast_in_dim3A_39 : f32 to vector<8x64xf32>
      %swap3A_41 = arith.constant 0 : index
      %swap3A_42 = arith.constant 0 : index
      %swap3A_43 = vector.load %arg6[%swap3A_41, %swap3A_42] : memref<8x64xf32, #tpu.memory_space<vmem>>, vector<8x64xf32>
      tpu.vector_store %arg6[%swap3A_41, %swap3A_42], %broadcast_in_dim3A_40 {strides = array<i32>} : memref<8x64xf32, #tpu.memory_space<vmem>>, vector<8x64xf32>,
    } else {
    }
    %get3A_33 = arith.constant 0 : index
    %get3A_34 = arith.constant 0 : index
    %get3A_35 = vector.load %arg6[%get3A_33, %get3A_34] : memref<8x64xf32, #tpu.memory_space<vmem>>, vector<8x64xf32>
    %add3A = arith.addf %get3A_35, %concatenate3A_30 : vector<8x64xf32>
    %swap3A_36 = arith.constant 0 : index
    %swap3A_37 = arith.constant 0 : index
    %swap3A_38 = vector.load %arg6[%swap3A_36, %swap3A_37] : memref<8x64xf32, #tpu.memory_space<vmem>>, vector<8x64xf32>
    tpu.vector_store %arg6[%swap3A_36, %swap3A_37], %add3A {strides = array<i32>} : memref<8x64xf32, #tpu.memory_space<vmem>>, vector<8x64xf32>,
    return
  }
  func.func @transform_0(%arg0: i32) -> (i32, i32) {
    %c0_i32 = arith.constant 0 : i32
    %c0_i32_0 = arith.constant 0 : i32
    return %arg0, %c0_i32 : i32, i32
  }
  func.func @transform_1(%arg0: i32) -> (i32, i32) {
    %c0_i32 = arith.constant 0 : i32
    %c0_i32_0 = arith.constant 0 : i32
    return %arg0, %c0_i32 : i32, i32
  }
  func.func @transform_2(%arg0: i32) -> (i32, i32) {
    %c0_i32 = arith.constant 0 : i32
    %c0_i32_0 = arith.constant 0 : i32
    %c0_i32_1 = arith.constant 0 : i32
    return %c0_i32, %c0_i32_0 : i32, i32
  }
  func.func @transform_3(%arg0: i32) -> (i32, i32) {
    %c0_i32 = arith.constant 0 : i32
    %c0_i32_0 = arith.constant 0 : i32
    return %arg0, %c0_i32 : i32, i32
  }
  func.func @transform_4(%arg0: i32) -> (i32, i32) {
    %c0_i32 = arith.constant 0 : i32
    %c0_i32_0 = arith.constant 0 : i32
    return %arg0, %c0_i32 : i32, i32
  }
  func.func @transform_5(%arg0: i32) -> (i32, i32) {
    %c0_i32 = arith.constant 0 : i32
    %c0_i32_0 = arith.constant 0 : i32
    %c0_i32_1 = arith.constant 0 : i32
    return %c0_i32, %c0_i32_0 : i32, i32
  }
}

module attributes {stable_mosaic.version = 14 : i64} {
  func.func @_edge_body(%arg0: i32, %arg1: memref<2560x128xf32, #tpu.memory_space<vmem>>, %arg2: memref<128x64xf32, #tpu.memory_space<vmem>>, %arg3: memref<128x128xf32, #tpu.memory_space<vmem>>, %arg4: memref<128x128xf32, #tpu.memory_space<vmem>>, %arg5: memref<128x128xf32, #tpu.memory_space<vmem>>, %arg6: memref<8x128xf32, #tpu.memory_space<vmem>>) attributes {dimension_semantics = [#tpu.dimension_semantics<arbitrary>], iteration_bounds = array<i64: 32>, scalar_prefetch = 0 : i64, scratch_operands = 0 : i64, tpu.core_type = #tpu.core_type<tc>, window_params = [{transform_indices = @transform_0, window_bounds = array<i64: 2560, 128>}, {transform_indices = @transform_1, window_bounds = array<i64: 128, 64>}, {pipeline_mode = #tpu.pipeline_mode<synchronous>, transform_indices = @transform_2, window_bounds = array<i64: 128, 128>}, {transform_indices = @transform_3, window_bounds = array<i64: 128, 128>}, {transform_indices = @transform_4, window_bounds = array<i64: 128, 128>}, {pipeline_mode = #tpu.pipeline_mode<synchronous>, transform_indices = @transform_5, window_bounds = array<i64: 8, 128>}]} {
    %get3A = arith.constant 0 : index
    %get3A_0 = arith.constant 0 : index
    %get3A_1 = vector.load %arg2[%get3A, %get3A_0] : memref<128x64xf32, #tpu.memory_space<vmem>>, vector<128x64xf32>
    %get3A_2 = arith.constant 0 : index
    %get3A_3 = arith.constant 0 : index
    %get3A_4 = vector.load %arg1[%get3A_2, %get3A_3] : memref<2560x128xf32, #tpu.memory_space<vmem>>, vector<2560x128xf32>
    %slice3A = vector.extract_strided_slice %get3A_4 {offsets = [0, 0], sizes = [2560, 64], strides = [1, 1]} : vector<2560x128xf32> to vector<2560x64xf32>
    %reshape3A = vector.shape_cast %slice3A : vector<2560x64xf32> to vector<128x20x64xf32>
    %broadcast_in_dim3A = vector.shape_cast %get3A_1 : vector<128x64xf32> to vector<128x1x64xf32>
    %sub3A = vector.broadcast %broadcast_in_dim3A : vector<128x1x64xf32> to vector<128x20x64xf32>
    %sub3A_5 = arith.subf %reshape3A, %sub3A : vector<128x20x64xf32>
    %reshape3A_6 = vector.shape_cast %sub3A_5 : vector<128x20x64xf32> to vector<2560x64xf32>
    %broadcast_in_dim3A_7 = vector.shape_cast %get3A_1 : vector<128x64xf32> to vector<128x1x64xf32>
    %broadcast_in_dim3A_8 = vector.shape_cast %broadcast_in_dim3A_7 : vector<128x1x64xf32> to vector<128x1x64xf32>
    %broadcast_in_dim3A_9 = vector.broadcast %broadcast_in_dim3A_8 : vector<128x1x64xf32> to vector<128x20x64xf32>
    %reshape3A_10 = vector.shape_cast %broadcast_in_dim3A_9 : vector<128x20x64xf32> to vector<2560x64xf32>
    %concatenate3A = tpu.concatenate %reshape3A_6, %reshape3A_10 in 1 : vector<2560x64xf32>, vector<2560x64xf32> -> vector<2560x128xf32>
    %get3A_11 = arith.constant 0 : index
    %get3A_12 = arith.constant 0 : index
    %get3A_13 = vector.load %arg3[%get3A_11, %get3A_12] : memref<128x128xf32, #tpu.memory_space<vmem>>, vector<128x128xf32>
    %dot_general3A = arith.constant dense<0.000000e+00> : vector<2560x128xf32>
    %dot_general3A_14 = tpu.matmul %concatenate3A, %get3A_13, %dot_general3A {dimension_numbers = #tpu.dot_dimension_numbers<[1], [0], [0], [1], [0, 0, 1, 1], [], []>, transpose_lhs_hint = false} : vector<2560x128xf32>, vector<128x128xf32>, vector<2560x128xf32> -> vector<2560x128xf32>
    %reshape3A_15 = vector.shape_cast %dot_general3A_14 : vector<2560x128xf32> to vector<128x20x128xf32>
    %reduce_max3A = arith.constant dense<0xFF800000> : vector<128x128xf32>
    %reduce_max3A_16 = vector.multi_reduction <maximumf>, %reshape3A_15, %reduce_max3A [1] : vector<128x20x128xf32> to vector<128x128xf32>
    %swap3A = arith.constant 0 : index
    %swap3A_17 = arith.constant 0 : index
    %swap3A_18 = vector.load %arg4[%swap3A, %swap3A_17] : memref<128x128xf32, #tpu.memory_space<vmem>>, vector<128x128xf32>
    tpu.vector_store %arg4[%swap3A, %swap3A_17], %reduce_max3A_16 {strides = array<i32>} : memref<128x128xf32, #tpu.memory_space<vmem>>, vector<128x128xf32>,
    %reduce_min3A = arith.constant dense<0x7F800000> : vector<128x128xf32>
    %reduce_min3A_19 = vector.multi_reduction <minimumf>, %reshape3A_15, %reduce_min3A [1] : vector<128x20x128xf32> to vector<128x128xf32>
    %swap3A_20 = arith.constant 0 : index
    %swap3A_21 = arith.constant 0 : index
    %swap3A_22 = vector.load %arg5[%swap3A_20, %swap3A_21] : memref<128x128xf32, #tpu.memory_space<vmem>>, vector<128x128xf32>
    tpu.vector_store %arg5[%swap3A_20, %swap3A_21], %reduce_min3A_19 {strides = array<i32>} : memref<128x128xf32, #tpu.memory_space<vmem>>, vector<128x128xf32>,
    %reduce_sum3A = arith.constant dense<0.000000e+00> : vector<128xf32>
    %reduce_sum3A_23 = vector.multi_reduction <add>, %dot_general3A_14, %reduce_sum3A [0] : vector<2560x128xf32> to vector<128xf32>
    %broadcast_in_dim3A_24 = vector.shape_cast %reduce_sum3A_23 : vector<128xf32> to vector<1x128xf32>
    %mul3A = arith.mulf %dot_general3A_14, %dot_general3A_14 : vector<2560x128xf32>
    %reduce_sum3A_25 = arith.constant dense<0.000000e+00> : vector<128xf32>
    %reduce_sum3A_26 = vector.multi_reduction <add>, %mul3A, %reduce_sum3A_25 [0] : vector<2560x128xf32> to vector<128xf32>
    %broadcast_in_dim3A_27 = vector.shape_cast %reduce_sum3A_26 : vector<128xf32> to vector<1x128xf32>
    %broadcast_in_dim3A_28 = arith.constant 0.000000e+00 : f32
    %broadcast_in_dim3A_29 = vector.broadcast %broadcast_in_dim3A_28 : f32 to vector<6x128xf32>
    %concatenate3A_30 = tpu.concatenate %broadcast_in_dim3A_24, %broadcast_in_dim3A_27, %broadcast_in_dim3A_29 in 0 : vector<1x128xf32>, vector<1x128xf32>, vector<6x128xf32> -> vector<8x128xf32>
    %eq3A = arith.constant 0 : i32
    %eq3A_31 = arith.cmpi eq, %arg0, %eq3A : i32
    %convert_element_type3A = arith.extui %eq3A_31 : i1 to i32
    %cond3A = arith.constant 0 : i32
    %cond3A_32 = arith.cmpi ne, %convert_element_type3A, %cond3A : i32
    scf.if %cond3A_32 {
      %broadcast_in_dim3A_39 = arith.constant 0.000000e+00 : f32
      %broadcast_in_dim3A_40 = vector.broadcast %broadcast_in_dim3A_39 : f32 to vector<8x128xf32>
      %swap3A_41 = arith.constant 0 : index
      %swap3A_42 = arith.constant 0 : index
      %swap3A_43 = vector.load %arg6[%swap3A_41, %swap3A_42] : memref<8x128xf32, #tpu.memory_space<vmem>>, vector<8x128xf32>
      tpu.vector_store %arg6[%swap3A_41, %swap3A_42], %broadcast_in_dim3A_40 {strides = array<i32>} : memref<8x128xf32, #tpu.memory_space<vmem>>, vector<8x128xf32>,
    } else {
    }
    %get3A_33 = arith.constant 0 : index
    %get3A_34 = arith.constant 0 : index
    %get3A_35 = vector.load %arg6[%get3A_33, %get3A_34] : memref<8x128xf32, #tpu.memory_space<vmem>>, vector<8x128xf32>
    %add3A = arith.addf %get3A_35, %concatenate3A_30 : vector<8x128xf32>
    %swap3A_36 = arith.constant 0 : index
    %swap3A_37 = arith.constant 0 : index
    %swap3A_38 = vector.load %arg6[%swap3A_36, %swap3A_37] : memref<8x128xf32, #tpu.memory_space<vmem>>, vector<8x128xf32>
    tpu.vector_store %arg6[%swap3A_36, %swap3A_37], %add3A {strides = array<i32>} : memref<8x128xf32, #tpu.memory_space<vmem>>, vector<8x128xf32>,
    return
  }
  func.func @transform_0(%arg0: i32) -> (i32, i32) {
    %c0_i32 = arith.constant 0 : i32
    %c0_i32_0 = arith.constant 0 : i32
    return %arg0, %c0_i32 : i32, i32
  }
  func.func @transform_1(%arg0: i32) -> (i32, i32) {
    %c0_i32 = arith.constant 0 : i32
    %c0_i32_0 = arith.constant 0 : i32
    return %arg0, %c0_i32 : i32, i32
  }
  func.func @transform_2(%arg0: i32) -> (i32, i32) {
    %c0_i32 = arith.constant 0 : i32
    %c0_i32_0 = arith.constant 0 : i32
    %c0_i32_1 = arith.constant 0 : i32
    return %c0_i32, %c0_i32_0 : i32, i32
  }
  func.func @transform_3(%arg0: i32) -> (i32, i32) {
    %c0_i32 = arith.constant 0 : i32
    %c0_i32_0 = arith.constant 0 : i32
    return %arg0, %c0_i32 : i32, i32
  }
  func.func @transform_4(%arg0: i32) -> (i32, i32) {
    %c0_i32 = arith.constant 0 : i32
    %c0_i32_0 = arith.constant 0 : i32
    return %arg0, %c0_i32 : i32, i32
  }
  func.func @transform_5(%arg0: i32) -> (i32, i32) {
    %c0_i32 = arith.constant 0 : i32
    %c0_i32_0 = arith.constant 0 : i32
    %c0_i32_1 = arith.constant 0 : i32
    return %c0_i32, %c0_i32_0 : i32, i32
  }
}

module attributes {stable_mosaic.version = 14 : i64} {
  func.func @_fin_body(%arg0: i32, %arg1: memref<8x128xf32, #tpu.memory_space<vmem>>, %arg2: memref<8x128xf32, #tpu.memory_space<vmem>>, %arg3: memref<256x128xf32, #tpu.memory_space<vmem>>, %arg4: memref<256x128xf32, #tpu.memory_space<vmem>>, %arg5: memref<256x128xf32, #tpu.memory_space<vmem>>) attributes {dimension_semantics = [#tpu.dimension_semantics<arbitrary>], iteration_bounds = array<i64: 16>, scalar_prefetch = 0 : i64, scratch_operands = 0 : i64, tpu.core_type = #tpu.core_type<tc>, window_params = [{pipeline_mode = #tpu.pipeline_mode<synchronous>, transform_indices = @transform_0, window_bounds = array<i64: 8, 128>}, {pipeline_mode = #tpu.pipeline_mode<synchronous>, transform_indices = @transform_1, window_bounds = array<i64: 8, 128>}, {transform_indices = @transform_2, window_bounds = array<i64: 256, 128>}, {transform_indices = @transform_3, window_bounds = array<i64: 256, 128>}, {transform_indices = @transform_4, window_bounds = array<i64: 256, 128>}]} {
    %get3A = arith.constant 0 : index
    %get3A_0 = arith.constant 0 : index
    %get3A_1 = vector.load %arg1[%get3A, %get3A_0] : memref<8x128xf32, #tpu.memory_space<vmem>>, vector<8x128xf32>
    %slice3A = vector.extract_strided_slice %get3A_1 {offsets = [0, 0], sizes = [1, 128], strides = [1, 1]} : vector<8x128xf32> to vector<1x128xf32>
    %mul3A = arith.constant 1.22070314E-5 : f32
    %mul3A_2 = vector.broadcast %mul3A : f32 to vector<1x128xf32>
    %mul3A_3 = arith.mulf %slice3A, %mul3A_2 : vector<1x128xf32>
    %slice3A_4 = vector.extract_strided_slice %get3A_1 {offsets = [1, 0], sizes = [1, 128], strides = [1, 1]} : vector<8x128xf32> to vector<1x128xf32>
    %mul3A_5 = arith.constant 1.22070314E-5 : f32
    %mul3A_6 = vector.broadcast %mul3A_5 : f32 to vector<1x128xf32>
    %mul3A_7 = arith.mulf %slice3A_4, %mul3A_6 : vector<1x128xf32>
    %mul3A_8 = arith.mulf %mul3A_3, %mul3A_3 : vector<1x128xf32>
    %sub3A = arith.subf %mul3A_7, %mul3A_8 : vector<1x128xf32>
    %get3A_9 = arith.constant 0 : index
    %get3A_10 = arith.constant 0 : index
    %get3A_11 = vector.load %arg2[%get3A_9, %get3A_10] : memref<8x128xf32, #tpu.memory_space<vmem>>, vector<1x128xf32>
    %add3A = arith.constant 9.99999974E-6 : f32
    %add3A_12 = vector.broadcast %add3A : f32 to vector<1x128xf32>
    %add3A_13 = arith.addf %sub3A, %add3A_12 : vector<1x128xf32>
    %rsqrt3A = math.rsqrt %add3A_13 : vector<1x128xf32>
    %mul3A_14 = arith.mulf %get3A_11, %rsqrt3A : vector<1x128xf32>
    %get3A_15 = arith.constant 1 : index
    %get3A_16 = arith.constant 0 : index
    %get3A_17 = vector.load %arg2[%get3A_15, %get3A_16] : memref<8x128xf32, #tpu.memory_space<vmem>>, vector<1x128xf32>
    %mul3A_18 = arith.mulf %mul3A_14, %mul3A_3 : vector<1x128xf32>
    %sub3A_19 = arith.subf %get3A_17, %mul3A_18 : vector<1x128xf32>
    %ge3A = arith.constant 0.000000e+00 : f32
    %ge3A_20 = vector.broadcast %ge3A : f32 to vector<1x128xf32>
    %ge3A_21 = arith.cmpf oge, %mul3A_14, %ge3A_20 : vector<1x128xf32>
    %get3A_22 = arith.constant 0 : index
    %get3A_23 = arith.constant 0 : index
    %get3A_24 = vector.load %arg3[%get3A_22, %get3A_23] : memref<256x128xf32, #tpu.memory_space<vmem>>, vector<256x128xf32>
    %get3A_25 = arith.constant 0 : index
    %get3A_26 = arith.constant 0 : index
    %get3A_27 = vector.load %arg4[%get3A_25, %get3A_26] : memref<256x128xf32, #tpu.memory_space<vmem>>, vector<256x128xf32>
    %broadcast_in_dim3A = vector.shape_cast %ge3A_21 : vector<1x128xi1> to vector<1x128xi1>
    %broadcast_in_dim3A_28 = vector.broadcast %broadcast_in_dim3A : vector<1x128xi1> to vector<256x128xi1>
    %select_n3A = arith.select %broadcast_in_dim3A_28, %get3A_24, %get3A_27 : vector<256x128xi1>, vector<256x128xf32>
    %mul3A_29 = vector.broadcast %mul3A_14 : vector<1x128xf32> to vector<256x128xf32>
    %mul3A_30 = arith.mulf %mul3A_29, %select_n3A : vector<256x128xf32>
    %add3A_31 = vector.broadcast %sub3A_19 : vector<1x128xf32> to vector<256x128xf32>
    %add3A_32 = arith.addf %mul3A_30, %add3A_31 : vector<256x128xf32>
    %ge3A_33 = arith.constant 0.000000e+00 : f32
    %ge3A_34 = vector.broadcast %ge3A_33 : f32 to vector<256x128xf32>
    %ge3A_35 = arith.cmpf oge, %add3A_32, %ge3A_34 : vector<256x128xf32>
    %mul3A_36 = arith.constant 2.000000e-01 : f32
    %mul3A_37 = vector.broadcast %mul3A_36 : f32 to vector<256x128xf32>
    %mul3A_38 = arith.mulf %mul3A_37, %add3A_32 : vector<256x128xf32>
    %select_n3A_39 = arith.select %ge3A_35, %add3A_32, %mul3A_38 : vector<256x128xi1>, vector<256x128xf32>
    %swap3A = arith.constant 0 : index
    %swap3A_40 = arith.constant 0 : index
    %swap3A_41 = vector.load %arg5[%swap3A, %swap3A_40] : memref<256x128xf32, #tpu.memory_space<vmem>>, vector<256x128xf32>
    tpu.vector_store %arg5[%swap3A, %swap3A_40], %select_n3A_39 {strides = array<i32>} : memref<256x128xf32, #tpu.memory_space<vmem>>, vector<256x128xf32>,
    return
  }
  func.func @transform_0(%arg0: i32) -> (i32, i32) {
    %c0_i32 = arith.constant 0 : i32
    %c0_i32_0 = arith.constant 0 : i32
    %c0_i32_1 = arith.constant 0 : i32
    return %c0_i32, %c0_i32_0 : i32, i32
  }
  func.func @transform_1(%arg0: i32) -> (i32, i32) {
    %c0_i32 = arith.constant 0 : i32
    %c0_i32_0 = arith.constant 0 : i32
    %c0_i32_1 = arith.constant 0 : i32
    return %c0_i32, %c0_i32_0 : i32, i32
  }
  func.func @transform_2(%arg0: i32) -> (i32, i32) {
    %c0_i32 = arith.constant 0 : i32
    %c0_i32_0 = arith.constant 0 : i32
    return %arg0, %c0_i32 : i32, i32
  }
  func.func @transform_3(%arg0: i32) -> (i32, i32) {
    %c0_i32 = arith.constant 0 : i32
    %c0_i32_0 = arith.constant 0 : i32
    return %arg0, %c0_i32 : i32, i32
  }
  func.func @transform_4(%arg0: i32) -> (i32, i32) {
    %c0_i32 = arith.constant 0 : i32
    %c0_i32_0 = arith.constant 0 : i32
    return %arg0, %c0_i32 : i32, i32
  }
}

module attributes {stable_mosaic.version = 14 : i64} {
  func.func @_topk_body(%arg0: i32, %arg1: memref<256x128xf32, #tpu.memory_space<vmem>>, %arg2: memref<4096x128xf32, #tpu.memory_space<vmem>>, %arg3: memref<128x4096xf32, #tpu.memory_space<vmem>>, %arg4: memref<256x32xi32, #tpu.memory_space<vmem>>) attributes {dimension_semantics = [#tpu.dimension_semantics<arbitrary>], iteration_bounds = array<i64: 16>, scalar_prefetch = 0 : i64, scratch_operands = 0 : i64, tpu.core_type = #tpu.core_type<tc>, window_params = [{transform_indices = @transform_0, window_bounds = array<i64: 256, 128>}, {pipeline_mode = #tpu.pipeline_mode<synchronous>, transform_indices = @transform_1, window_bounds = array<i64: 4096, 128>}, {pipeline_mode = #tpu.pipeline_mode<synchronous>, transform_indices = @transform_2, window_bounds = array<i64: 128, 4096>}, {transform_indices = @transform_3, window_bounds = array<i64: 256, 32>}]} {
    %get3A = arith.constant 0 : index
    %get3A_0 = arith.constant 0 : index
    %get3A_1 = vector.load %arg1[%get3A, %get3A_0] : memref<256x128xf32, #tpu.memory_space<vmem>>, vector<256x128xf32>
    %get3A_2 = arith.constant 0 : index
    %get3A_3 = arith.constant 0 : index
    %get3A_4 = vector.load %arg3[%get3A_2, %get3A_3] : memref<128x4096xf32, #tpu.memory_space<vmem>>, vector<128x4096xf32>
    %get3A_5 = arith.constant 0 : index
    %get3A_6 = arith.constant 0 : index
    %get3A_7 = vector.load %arg2[%get3A_5, %get3A_6] : memref<4096x128xf32, #tpu.memory_space<vmem>>, vector<4096x128xf32>
    %dot_general3A = arith.constant dense<0.000000e+00> : vector<256x4096xf32>
    %dot_general3A_8 = tpu.matmul %get3A_1, %get3A_7, %dot_general3A {dimension_numbers = #tpu.dot_dimension_numbers<[1], [1], [0], [0], [0, 0, 1, 0], [], []>, transpose_lhs_hint = false} : vector<256x128xf32>, vector<4096x128xf32>, vector<256x4096xf32> -> vector<256x4096xf32>
    %mul3A = arith.mulf %get3A_4, %get3A_4 : vector<128x4096xf32>
    %reduce_sum3A = arith.constant dense<0.000000e+00> : vector<4096xf32>
    %reduce_sum3A_9 = vector.multi_reduction <add>, %mul3A, %reduce_sum3A [0] : vector<128x4096xf32> to vector<4096xf32>
    %broadcast_in_dim3A = vector.shape_cast %reduce_sum3A_9 : vector<4096xf32> to vector<1x4096xf32>
    %mul3A_10 = arith.mulf %get3A_1, %get3A_1 : vector<256x128xf32>
    %reduce_sum3A_11 = arith.constant dense<0.000000e+00> : vector<256xf32>
    %reduce_sum3A_12 = vector.multi_reduction <add>, %mul3A_10, %reduce_sum3A_11 [1] : vector<256x128xf32> to vector<256xf32>
    %broadcast_in_dim3A_13 = vector.shape_cast %reduce_sum3A_12 : vector<256xf32> to vector<256x1xf32>
    %mul3A_14 = arith.constant 2.000000e+00 : f32
    %mul3A_15 = vector.broadcast %mul3A_14 : f32 to vector<256x4096xf32>
    %mul3A_16 = arith.mulf %mul3A_15, %dot_general3A_8 : vector<256x4096xf32>
    %sub3A = vector.broadcast %broadcast_in_dim3A_13 : vector<256x1xf32> to vector<256x4096xf32>
    %sub3A_17 = arith.subf %mul3A_16, %sub3A : vector<256x4096xf32>
    %sub3A_18 = vector.broadcast %broadcast_in_dim3A : vector<1x4096xf32> to vector<256x4096xf32>
    %sub3A_19 = arith.subf %sub3A_17, %sub3A_18 : vector<256x4096xf32>
    %iota3A = tpu.iota {dimensions = array<i32: 1>} : vector<256x4096xi32>
    %reduce_max3A = arith.constant dense<0xFF800000> : vector<256xf32>
    %reduce_max3A_20 = vector.multi_reduction <maximumf>, %sub3A_19, %reduce_max3A [1] : vector<256x4096xf32> to vector<256xf32>
    %broadcast_in_dim3A_21 = vector.shape_cast %reduce_max3A_20 : vector<256xf32> to vector<256x1xf32>
    %eq3A = vector.broadcast %broadcast_in_dim3A_21 : vector<256x1xf32> to vector<256x4096xf32>
    %eq3A_22 = arith.cmpf oeq, %sub3A_19, %eq3A : vector<256x4096xf32>
    %jit3A = arith.constant 4096 : i32
    %broadcast_in_dim3A_23 = vector.broadcast %jit3A : i32 to vector<256x4096xi32>
    %select_n3A = arith.select %eq3A_22, %iota3A, %broadcast_in_dim3A_23 : vector<256x4096xi1>, vector<256x4096xi32>
    %reduce_min3A = arith.constant dense<2147483647> : vector<256xi32>
    %reduce_min3A_24 = vector.multi_reduction <minsi>, %select_n3A, %reduce_min3A [1] : vector<256x4096xi32> to vector<256xi32>
    %broadcast_in_dim3A_25 = vector.shape_cast %reduce_min3A_24 : vector<256xi32> to vector<256x1xi32>
    %swap3A = arith.constant 0 : index
    %swap3A_26 = arith.constant 0 : index
    %swap3A_27 = vector.load %arg4[%swap3A, %swap3A_26] : memref<256x32xi32, #tpu.memory_space<vmem>>, vector<256x1xi32>
    tpu.vector_store %arg4[%swap3A, %swap3A_26], %broadcast_in_dim3A_25 {strides = array<i32>} : memref<256x32xi32, #tpu.memory_space<vmem>>, vector<256x1xi32>,
    %eq3A_28 = vector.broadcast %broadcast_in_dim3A_25 : vector<256x1xi32> to vector<256x4096xi32>
    %eq3A_29 = arith.cmpi eq, %iota3A, %eq3A_28 : vector<256x4096xi32>
    %jit3A_30 = arith.constant 0xFF800000 : f32
    %broadcast_in_dim3A_31 = vector.broadcast %jit3A_30 : f32 to vector<256x4096xf32>
    %select_n3A_32 = arith.select %eq3A_29, %broadcast_in_dim3A_31, %sub3A_19 : vector<256x4096xi1>, vector<256x4096xf32>
    %reduce_max3A_33 = arith.constant dense<0xFF800000> : vector<256xf32>
    %reduce_max3A_34 = vector.multi_reduction <maximumf>, %select_n3A_32, %reduce_max3A_33 [1] : vector<256x4096xf32> to vector<256xf32>
    %broadcast_in_dim3A_35 = vector.shape_cast %reduce_max3A_34 : vector<256xf32> to vector<256x1xf32>
    %eq3A_36 = vector.broadcast %broadcast_in_dim3A_35 : vector<256x1xf32> to vector<256x4096xf32>
    %eq3A_37 = arith.cmpf oeq, %select_n3A_32, %eq3A_36 : vector<256x4096xf32>
    %jit3A_38 = arith.constant 4096 : i32
    %broadcast_in_dim3A_39 = vector.broadcast %jit3A_38 : i32 to vector<256x4096xi32>
    %select_n3A_40 = arith.select %eq3A_37, %iota3A, %broadcast_in_dim3A_39 : vector<256x4096xi1>, vector<256x4096xi32>
    %reduce_min3A_41 = arith.constant dense<2147483647> : vector<256xi32>
    %reduce_min3A_42 = vector.multi_reduction <minsi>, %select_n3A_40, %reduce_min3A_41 [1] : vector<256x4096xi32> to vector<256xi32>
    %broadcast_in_dim3A_43 = vector.shape_cast %reduce_min3A_42 : vector<256xi32> to vector<256x1xi32>
    %swap3A_44 = arith.constant 0 : index
    %swap3A_45 = arith.constant 1 : index
    %swap3A_46 = vector.load %arg4[%swap3A_44, %swap3A_45] : memref<256x32xi32, #tpu.memory_space<vmem>>, vector<256x1xi32>
    tpu.vector_store %arg4[%swap3A_44, %swap3A_45], %broadcast_in_dim3A_43 {strides = array<i32>} : memref<256x32xi32, #tpu.memory_space<vmem>>, vector<256x1xi32>,
    %eq3A_47 = vector.broadcast %broadcast_in_dim3A_43 : vector<256x1xi32> to vector<256x4096xi32>
    %eq3A_48 = arith.cmpi eq, %iota3A, %eq3A_47 : vector<256x4096xi32>
    %jit3A_49 = arith.constant 0xFF800000 : f32
    %broadcast_in_dim3A_50 = vector.broadcast %jit3A_49 : f32 to vector<256x4096xf32>
    %select_n3A_51 = arith.select %eq3A_48, %broadcast_in_dim3A_50, %select_n3A_32 : vector<256x4096xi1>, vector<256x4096xf32>
    %reduce_max3A_52 = arith.constant dense<0xFF800000> : vector<256xf32>
    %reduce_max3A_53 = vector.multi_reduction <maximumf>, %select_n3A_51, %reduce_max3A_52 [1] : vector<256x4096xf32> to vector<256xf32>
    %broadcast_in_dim3A_54 = vector.shape_cast %reduce_max3A_53 : vector<256xf32> to vector<256x1xf32>
    %eq3A_55 = vector.broadcast %broadcast_in_dim3A_54 : vector<256x1xf32> to vector<256x4096xf32>
    %eq3A_56 = arith.cmpf oeq, %select_n3A_51, %eq3A_55 : vector<256x4096xf32>
    %jit3A_57 = arith.constant 4096 : i32
    %broadcast_in_dim3A_58 = vector.broadcast %jit3A_57 : i32 to vector<256x4096xi32>
    %select_n3A_59 = arith.select %eq3A_56, %iota3A, %broadcast_in_dim3A_58 : vector<256x4096xi1>, vector<256x4096xi32>
    %reduce_min3A_60 = arith.constant dense<2147483647> : vector<256xi32>
    %reduce_min3A_61 = vector.multi_reduction <minsi>, %select_n3A_59, %reduce_min3A_60 [1] : vector<256x4096xi32> to vector<256xi32>
    %broadcast_in_dim3A_62 = vector.shape_cast %reduce_min3A_61 : vector<256xi32> to vector<256x1xi32>
    %swap3A_63 = arith.constant 0 : index
    %swap3A_64 = arith.constant 2 : index
    %swap3A_65 = vector.load %arg4[%swap3A_63, %swap3A_64] : memref<256x32xi32, #tpu.memory_space<vmem>>, vector<256x1xi32>
    tpu.vector_store %arg4[%swap3A_63, %swap3A_64], %broadcast_in_dim3A_62 {strides = array<i32>} : memref<256x32xi32, #tpu.memory_space<vmem>>, vector<256x1xi32>,
    %eq3A_66 = vector.broadcast %broadcast_in_dim3A_62 : vector<256x1xi32> to vector<256x4096xi32>
    %eq3A_67 = arith.cmpi eq, %iota3A, %eq3A_66 : vector<256x4096xi32>
    %jit3A_68 = arith.constant 0xFF800000 : f32
    %broadcast_in_dim3A_69 = vector.broadcast %jit3A_68 : f32 to vector<256x4096xf32>
    %select_n3A_70 = arith.select %eq3A_67, %broadcast_in_dim3A_69, %select_n3A_51 : vector<256x4096xi1>, vector<256x4096xf32>
    %reduce_max3A_71 = arith.constant dense<0xFF800000> : vector<256xf32>
    %reduce_max3A_72 = vector.multi_reduction <maximumf>, %select_n3A_70, %reduce_max3A_71 [1] : vector<256x4096xf32> to vector<256xf32>
    %broadcast_in_dim3A_73 = vector.shape_cast %reduce_max3A_72 : vector<256xf32> to vector<256x1xf32>
    %eq3A_74 = vector.broadcast %broadcast_in_dim3A_73 : vector<256x1xf32> to vector<256x4096xf32>
    %eq3A_75 = arith.cmpf oeq, %select_n3A_70, %eq3A_74 : vector<256x4096xf32>
    %jit3A_76 = arith.constant 4096 : i32
    %broadcast_in_dim3A_77 = vector.broadcast %jit3A_76 : i32 to vector<256x4096xi32>
    %select_n3A_78 = arith.select %eq3A_75, %iota3A, %broadcast_in_dim3A_77 : vector<256x4096xi1>, vector<256x4096xi32>
    %reduce_min3A_79 = arith.constant dense<2147483647> : vector<256xi32>
    %reduce_min3A_80 = vector.multi_reduction <minsi>, %select_n3A_78, %reduce_min3A_79 [1] : vector<256x4096xi32> to vector<256xi32>
    %broadcast_in_dim3A_81 = vector.shape_cast %reduce_min3A_80 : vector<256xi32> to vector<256x1xi32>
    %swap3A_82 = arith.constant 0 : index
    %swap3A_83 = arith.constant 3 : index
    %swap3A_84 = vector.load %arg4[%swap3A_82, %swap3A_83] : memref<256x32xi32, #tpu.memory_space<vmem>>, vector<256x1xi32>
    tpu.vector_store %arg4[%swap3A_82, %swap3A_83], %broadcast_in_dim3A_81 {strides = array<i32>} : memref<256x32xi32, #tpu.memory_space<vmem>>, vector<256x1xi32>,
    %eq3A_85 = vector.broadcast %broadcast_in_dim3A_81 : vector<256x1xi32> to vector<256x4096xi32>
    %eq3A_86 = arith.cmpi eq, %iota3A, %eq3A_85 : vector<256x4096xi32>
    %jit3A_87 = arith.constant 0xFF800000 : f32
    %broadcast_in_dim3A_88 = vector.broadcast %jit3A_87 : f32 to vector<256x4096xf32>
    %select_n3A_89 = arith.select %eq3A_86, %broadcast_in_dim3A_88, %select_n3A_70 : vector<256x4096xi1>, vector<256x4096xf32>
    %reduce_max3A_90 = arith.constant dense<0xFF800000> : vector<256xf32>
    %reduce_max3A_91 = vector.multi_reduction <maximumf>, %select_n3A_89, %reduce_max3A_90 [1] : vector<256x4096xf32> to vector<256xf32>
    %broadcast_in_dim3A_92 = vector.shape_cast %reduce_max3A_91 : vector<256xf32> to vector<256x1xf32>
    %eq3A_93 = vector.broadcast %broadcast_in_dim3A_92 : vector<256x1xf32> to vector<256x4096xf32>
    %eq3A_94 = arith.cmpf oeq, %select_n3A_89, %eq3A_93 : vector<256x4096xf32>
    %jit3A_95 = arith.constant 4096 : i32
    %broadcast_in_dim3A_96 = vector.broadcast %jit3A_95 : i32 to vector<256x4096xi32>
    %select_n3A_97 = arith.select %eq3A_94, %iota3A, %broadcast_in_dim3A_96 : vector<256x4096xi1>, vector<256x4096xi32>
    %reduce_min3A_98 = arith.constant dense<2147483647> : vector<256xi32>
    %reduce_min3A_99 = vector.multi_reduction <minsi>, %select_n3A_97, %reduce_min3A_98 [1] : vector<256x4096xi32> to vector<256xi32>
    %broadcast_in_dim3A_100 = vector.shape_cast %reduce_min3A_99 : vector<256xi32> to vector<256x1xi32>
    %swap3A_101 = arith.constant 0 : index
    %swap3A_102 = arith.constant 4 : index
    %swap3A_103 = vector.load %arg4[%swap3A_101, %swap3A_102] : memref<256x32xi32, #tpu.memory_space<vmem>>, vector<256x1xi32>
    tpu.vector_store %arg4[%swap3A_101, %swap3A_102], %broadcast_in_dim3A_100 {strides = array<i32>} : memref<256x32xi32, #tpu.memory_space<vmem>>, vector<256x1xi32>,
    %eq3A_104 = vector.broadcast %broadcast_in_dim3A_100 : vector<256x1xi32> to vector<256x4096xi32>
    %eq3A_105 = arith.cmpi eq, %iota3A, %eq3A_104 : vector<256x4096xi32>
    %jit3A_106 = arith.constant 0xFF800000 : f32
    %broadcast_in_dim3A_107 = vector.broadcast %jit3A_106 : f32 to vector<256x4096xf32>
    %select_n3A_108 = arith.select %eq3A_105, %broadcast_in_dim3A_107, %select_n3A_89 : vector<256x4096xi1>, vector<256x4096xf32>
    %reduce_max3A_109 = arith.constant dense<0xFF800000> : vector<256xf32>
    %reduce_max3A_110 = vector.multi_reduction <maximumf>, %select_n3A_108, %reduce_max3A_109 [1] : vector<256x4096xf32> to vector<256xf32>
    %broadcast_in_dim3A_111 = vector.shape_cast %reduce_max3A_110 : vector<256xf32> to vector<256x1xf32>
    %eq3A_112 = vector.broadcast %broadcast_in_dim3A_111 : vector<256x1xf32> to vector<256x4096xf32>
    %eq3A_113 = arith.cmpf oeq, %select_n3A_108, %eq3A_112 : vector<256x4096xf32>
    %jit3A_114 = arith.constant 4096 : i32
    %broadcast_in_dim3A_115 = vector.broadcast %jit3A_114 : i32 to vector<256x4096xi32>
    %select_n3A_116 = arith.select %eq3A_113, %iota3A, %broadcast_in_dim3A_115 : vector<256x4096xi1>, vector<256x4096xi32>
    %reduce_min3A_117 = arith.constant dense<2147483647> : vector<256xi32>
    %reduce_min3A_118 = vector.multi_reduction <minsi>, %select_n3A_116, %reduce_min3A_117 [1] : vector<256x4096xi32> to vector<256xi32>
    %broadcast_in_dim3A_119 = vector.shape_cast %reduce_min3A_118 : vector<256xi32> to vector<256x1xi32>
    %swap3A_120 = arith.constant 0 : index
    %swap3A_121 = arith.constant 5 : index
    %swap3A_122 = vector.load %arg4[%swap3A_120, %swap3A_121] : memref<256x32xi32, #tpu.memory_space<vmem>>, vector<256x1xi32>
    tpu.vector_store %arg4[%swap3A_120, %swap3A_121], %broadcast_in_dim3A_119 {strides = array<i32>} : memref<256x32xi32, #tpu.memory_space<vmem>>, vector<256x1xi32>,
    %eq3A_123 = vector.broadcast %broadcast_in_dim3A_119 : vector<256x1xi32> to vector<256x4096xi32>
    %eq3A_124 = arith.cmpi eq, %iota3A, %eq3A_123 : vector<256x4096xi32>
    %jit3A_125 = arith.constant 0xFF800000 : f32
    %broadcast_in_dim3A_126 = vector.broadcast %jit3A_125 : f32 to vector<256x4096xf32>
    %select_n3A_127 = arith.select %eq3A_124, %broadcast_in_dim3A_126, %select_n3A_108 : vector<256x4096xi1>, vector<256x4096xf32>
    %reduce_max3A_128 = arith.constant dense<0xFF800000> : vector<256xf32>
    %reduce_max3A_129 = vector.multi_reduction <maximumf>, %select_n3A_127, %reduce_max3A_128 [1] : vector<256x4096xf32> to vector<256xf32>
    %broadcast_in_dim3A_130 = vector.shape_cast %reduce_max3A_129 : vector<256xf32> to vector<256x1xf32>
    %eq3A_131 = vector.broadcast %broadcast_in_dim3A_130 : vector<256x1xf32> to vector<256x4096xf32>
    %eq3A_132 = arith.cmpf oeq, %select_n3A_127, %eq3A_131 : vector<256x4096xf32>
    %jit3A_133 = arith.constant 4096 : i32
    %broadcast_in_dim3A_134 = vector.broadcast %jit3A_133 : i32 to vector<256x4096xi32>
    %select_n3A_135 = arith.select %eq3A_132, %iota3A, %broadcast_in_dim3A_134 : vector<256x4096xi1>, vector<256x4096xi32>
    %reduce_min3A_136 = arith.constant dense<2147483647> : vector<256xi32>
    %reduce_min3A_137 = vector.multi_reduction <minsi>, %select_n3A_135, %reduce_min3A_136 [1] : vector<256x4096xi32> to vector<256xi32>
    %broadcast_in_dim3A_138 = vector.shape_cast %reduce_min3A_137 : vector<256xi32> to vector<256x1xi32>
    %swap3A_139 = arith.constant 0 : index
    %swap3A_140 = arith.constant 6 : index
    %swap3A_141 = vector.load %arg4[%swap3A_139, %swap3A_140] : memref<256x32xi32, #tpu.memory_space<vmem>>, vector<256x1xi32>
    tpu.vector_store %arg4[%swap3A_139, %swap3A_140], %broadcast_in_dim3A_138 {strides = array<i32>} : memref<256x32xi32, #tpu.memory_space<vmem>>, vector<256x1xi32>,
    %eq3A_142 = vector.broadcast %broadcast_in_dim3A_138 : vector<256x1xi32> to vector<256x4096xi32>
    %eq3A_143 = arith.cmpi eq, %iota3A, %eq3A_142 : vector<256x4096xi32>
    %jit3A_144 = arith.constant 0xFF800000 : f32
    %broadcast_in_dim3A_145 = vector.broadcast %jit3A_144 : f32 to vector<256x4096xf32>
    %select_n3A_146 = arith.select %eq3A_143, %broadcast_in_dim3A_145, %select_n3A_127 : vector<256x4096xi1>, vector<256x4096xf32>
    %reduce_max3A_147 = arith.constant dense<0xFF800000> : vector<256xf32>
    %reduce_max3A_148 = vector.multi_reduction <maximumf>, %select_n3A_146, %reduce_max3A_147 [1] : vector<256x4096xf32> to vector<256xf32>
    %broadcast_in_dim3A_149 = vector.shape_cast %reduce_max3A_148 : vector<256xf32> to vector<256x1xf32>
    %eq3A_150 = vector.broadcast %broadcast_in_dim3A_149 : vector<256x1xf32> to vector<256x4096xf32>
    %eq3A_151 = arith.cmpf oeq, %select_n3A_146, %eq3A_150 : vector<256x4096xf32>
    %jit3A_152 = arith.constant 4096 : i32
    %broadcast_in_dim3A_153 = vector.broadcast %jit3A_152 : i32 to vector<256x4096xi32>
    %select_n3A_154 = arith.select %eq3A_151, %iota3A, %broadcast_in_dim3A_153 : vector<256x4096xi1>, vector<256x4096xi32>
    %reduce_min3A_155 = arith.constant dense<2147483647> : vector<256xi32>
    %reduce_min3A_156 = vector.multi_reduction <minsi>, %select_n3A_154, %reduce_min3A_155 [1] : vector<256x4096xi32> to vector<256xi32>
    %broadcast_in_dim3A_157 = vector.shape_cast %reduce_min3A_156 : vector<256xi32> to vector<256x1xi32>
    %swap3A_158 = arith.constant 0 : index
    %swap3A_159 = arith.constant 7 : index
    %swap3A_160 = vector.load %arg4[%swap3A_158, %swap3A_159] : memref<256x32xi32, #tpu.memory_space<vmem>>, vector<256x1xi32>
    tpu.vector_store %arg4[%swap3A_158, %swap3A_159], %broadcast_in_dim3A_157 {strides = array<i32>} : memref<256x32xi32, #tpu.memory_space<vmem>>, vector<256x1xi32>,
    %eq3A_161 = vector.broadcast %broadcast_in_dim3A_157 : vector<256x1xi32> to vector<256x4096xi32>
    %eq3A_162 = arith.cmpi eq, %iota3A, %eq3A_161 : vector<256x4096xi32>
    %jit3A_163 = arith.constant 0xFF800000 : f32
    %broadcast_in_dim3A_164 = vector.broadcast %jit3A_163 : f32 to vector<256x4096xf32>
    %select_n3A_165 = arith.select %eq3A_162, %broadcast_in_dim3A_164, %select_n3A_146 : vector<256x4096xi1>, vector<256x4096xf32>
    %reduce_max3A_166 = arith.constant dense<0xFF800000> : vector<256xf32>
    %reduce_max3A_167 = vector.multi_reduction <maximumf>, %select_n3A_165, %reduce_max3A_166 [1] : vector<256x4096xf32> to vector<256xf32>
    %broadcast_in_dim3A_168 = vector.shape_cast %reduce_max3A_167 : vector<256xf32> to vector<256x1xf32>
    %eq3A_169 = vector.broadcast %broadcast_in_dim3A_168 : vector<256x1xf32> to vector<256x4096xf32>
    %eq3A_170 = arith.cmpf oeq, %select_n3A_165, %eq3A_169 : vector<256x4096xf32>
    %jit3A_171 = arith.constant 4096 : i32
    %broadcast_in_dim3A_172 = vector.broadcast %jit3A_171 : i32 to vector<256x4096xi32>
    %select_n3A_173 = arith.select %eq3A_170, %iota3A, %broadcast_in_dim3A_172 : vector<256x4096xi1>, vector<256x4096xi32>
    %reduce_min3A_174 = arith.constant dense<2147483647> : vector<256xi32>
    %reduce_min3A_175 = vector.multi_reduction <minsi>, %select_n3A_173, %reduce_min3A_174 [1] : vector<256x4096xi32> to vector<256xi32>
    %broadcast_in_dim3A_176 = vector.shape_cast %reduce_min3A_175 : vector<256xi32> to vector<256x1xi32>
    %swap3A_177 = arith.constant 0 : index
    %swap3A_178 = arith.constant 8 : index
    %swap3A_179 = vector.load %arg4[%swap3A_177, %swap3A_178] : memref<256x32xi32, #tpu.memory_space<vmem>>, vector<256x1xi32>
    tpu.vector_store %arg4[%swap3A_177, %swap3A_178], %broadcast_in_dim3A_176 {strides = array<i32>} : memref<256x32xi32, #tpu.memory_space<vmem>>, vector<256x1xi32>,
    %eq3A_180 = vector.broadcast %broadcast_in_dim3A_176 : vector<256x1xi32> to vector<256x4096xi32>
    %eq3A_181 = arith.cmpi eq, %iota3A, %eq3A_180 : vector<256x4096xi32>
    %jit3A_182 = arith.constant 0xFF800000 : f32
    %broadcast_in_dim3A_183 = vector.broadcast %jit3A_182 : f32 to vector<256x4096xf32>
    %select_n3A_184 = arith.select %eq3A_181, %broadcast_in_dim3A_183, %select_n3A_165 : vector<256x4096xi1>, vector<256x4096xf32>
    %reduce_max3A_185 = arith.constant dense<0xFF800000> : vector<256xf32>
    %reduce_max3A_186 = vector.multi_reduction <maximumf>, %select_n3A_184, %reduce_max3A_185 [1] : vector<256x4096xf32> to vector<256xf32>
    %broadcast_in_dim3A_187 = vector.shape_cast %reduce_max3A_186 : vector<256xf32> to vector<256x1xf32>
    %eq3A_188 = vector.broadcast %broadcast_in_dim3A_187 : vector<256x1xf32> to vector<256x4096xf32>
    %eq3A_189 = arith.cmpf oeq, %select_n3A_184, %eq3A_188 : vector<256x4096xf32>
    %jit3A_190 = arith.constant 4096 : i32
    %broadcast_in_dim3A_191 = vector.broadcast %jit3A_190 : i32 to vector<256x4096xi32>
    %select_n3A_192 = arith.select %eq3A_189, %iota3A, %broadcast_in_dim3A_191 : vector<256x4096xi1>, vector<256x4096xi32>
    %reduce_min3A_193 = arith.constant dense<2147483647> : vector<256xi32>
    %reduce_min3A_194 = vector.multi_reduction <minsi>, %select_n3A_192, %reduce_min3A_193 [1] : vector<256x4096xi32> to vector<256xi32>
    %broadcast_in_dim3A_195 = vector.shape_cast %reduce_min3A_194 : vector<256xi32> to vector<256x1xi32>
    %swap3A_196 = arith.constant 0 : index
    %swap3A_197 = arith.constant 9 : index
    %swap3A_198 = vector.load %arg4[%swap3A_196, %swap3A_197] : memref<256x32xi32, #tpu.memory_space<vmem>>, vector<256x1xi32>
    tpu.vector_store %arg4[%swap3A_196, %swap3A_197], %broadcast_in_dim3A_195 {strides = array<i32>} : memref<256x32xi32, #tpu.memory_space<vmem>>, vector<256x1xi32>,
    %eq3A_199 = vector.broadcast %broadcast_in_dim3A_195 : vector<256x1xi32> to vector<256x4096xi32>
    %eq3A_200 = arith.cmpi eq, %iota3A, %eq3A_199 : vector<256x4096xi32>
    %jit3A_201 = arith.constant 0xFF800000 : f32
    %broadcast_in_dim3A_202 = vector.broadcast %jit3A_201 : f32 to vector<256x4096xf32>
    %select_n3A_203 = arith.select %eq3A_200, %broadcast_in_dim3A_202, %select_n3A_184 : vector<256x4096xi1>, vector<256x4096xf32>
    %reduce_max3A_204 = arith.constant dense<0xFF800000> : vector<256xf32>
    %reduce_max3A_205 = vector.multi_reduction <maximumf>, %select_n3A_203, %reduce_max3A_204 [1] : vector<256x4096xf32> to vector<256xf32>
    %broadcast_in_dim3A_206 = vector.shape_cast %reduce_max3A_205 : vector<256xf32> to vector<256x1xf32>
    %eq3A_207 = vector.broadcast %broadcast_in_dim3A_206 : vector<256x1xf32> to vector<256x4096xf32>
    %eq3A_208 = arith.cmpf oeq, %select_n3A_203, %eq3A_207 : vector<256x4096xf32>
    %jit3A_209 = arith.constant 4096 : i32
    %broadcast_in_dim3A_210 = vector.broadcast %jit3A_209 : i32 to vector<256x4096xi32>
    %select_n3A_211 = arith.select %eq3A_208, %iota3A, %broadcast_in_dim3A_210 : vector<256x4096xi1>, vector<256x4096xi32>
    %reduce_min3A_212 = arith.constant dense<2147483647> : vector<256xi32>
    %reduce_min3A_213 = vector.multi_reduction <minsi>, %select_n3A_211, %reduce_min3A_212 [1] : vector<256x4096xi32> to vector<256xi32>
    %broadcast_in_dim3A_214 = vector.shape_cast %reduce_min3A_213 : vector<256xi32> to vector<256x1xi32>
    %swap3A_215 = arith.constant 0 : index
    %swap3A_216 = arith.constant 10 : index
    %swap3A_217 = vector.load %arg4[%swap3A_215, %swap3A_216] : memref<256x32xi32, #tpu.memory_space<vmem>>, vector<256x1xi32>
    tpu.vector_store %arg4[%swap3A_215, %swap3A_216], %broadcast_in_dim3A_214 {strides = array<i32>} : memref<256x32xi32, #tpu.memory_space<vmem>>, vector<256x1xi32>,
    %eq3A_218 = vector.broadcast %broadcast_in_dim3A_214 : vector<256x1xi32> to vector<256x4096xi32>
    %eq3A_219 = arith.cmpi eq, %iota3A, %eq3A_218 : vector<256x4096xi32>
    %jit3A_220 = arith.constant 0xFF800000 : f32
    %broadcast_in_dim3A_221 = vector.broadcast %jit3A_220 : f32 to vector<256x4096xf32>
    %select_n3A_222 = arith.select %eq3A_219, %broadcast_in_dim3A_221, %select_n3A_203 : vector<256x4096xi1>, vector<256x4096xf32>
    %reduce_max3A_223 = arith.constant dense<0xFF800000> : vector<256xf32>
    %reduce_max3A_224 = vector.multi_reduction <maximumf>, %select_n3A_222, %reduce_max3A_223 [1] : vector<256x4096xf32> to vector<256xf32>
    %broadcast_in_dim3A_225 = vector.shape_cast %reduce_max3A_224 : vector<256xf32> to vector<256x1xf32>
    %eq3A_226 = vector.broadcast %broadcast_in_dim3A_225 : vector<256x1xf32> to vector<256x4096xf32>
    %eq3A_227 = arith.cmpf oeq, %select_n3A_222, %eq3A_226 : vector<256x4096xf32>
    %jit3A_228 = arith.constant 4096 : i32
    %broadcast_in_dim3A_229 = vector.broadcast %jit3A_228 : i32 to vector<256x4096xi32>
    %select_n3A_230 = arith.select %eq3A_227, %iota3A, %broadcast_in_dim3A_229 : vector<256x4096xi1>, vector<256x4096xi32>
    %reduce_min3A_231 = arith.constant dense<2147483647> : vector<256xi32>
    %reduce_min3A_232 = vector.multi_reduction <minsi>, %select_n3A_230, %reduce_min3A_231 [1] : vector<256x4096xi32> to vector<256xi32>
    %broadcast_in_dim3A_233 = vector.shape_cast %reduce_min3A_232 : vector<256xi32> to vector<256x1xi32>
    %swap3A_234 = arith.constant 0 : index
    %swap3A_235 = arith.constant 11 : index
    %swap3A_236 = vector.load %arg4[%swap3A_234, %swap3A_235] : memref<256x32xi32, #tpu.memory_space<vmem>>, vector<256x1xi32>
    tpu.vector_store %arg4[%swap3A_234, %swap3A_235], %broadcast_in_dim3A_233 {strides = array<i32>} : memref<256x32xi32, #tpu.memory_space<vmem>>, vector<256x1xi32>,
    %eq3A_237 = vector.broadcast %broadcast_in_dim3A_233 : vector<256x1xi32> to vector<256x4096xi32>
    %eq3A_238 = arith.cmpi eq, %iota3A, %eq3A_237 : vector<256x4096xi32>
    %jit3A_239 = arith.constant 0xFF800000 : f32
    %broadcast_in_dim3A_240 = vector.broadcast %jit3A_239 : f32 to vector<256x4096xf32>
    %select_n3A_241 = arith.select %eq3A_238, %broadcast_in_dim3A_240, %select_n3A_222 : vector<256x4096xi1>, vector<256x4096xf32>
    %reduce_max3A_242 = arith.constant dense<0xFF800000> : vector<256xf32>
    %reduce_max3A_243 = vector.multi_reduction <maximumf>, %select_n3A_241, %reduce_max3A_242 [1] : vector<256x4096xf32> to vector<256xf32>
    %broadcast_in_dim3A_244 = vector.shape_cast %reduce_max3A_243 : vector<256xf32> to vector<256x1xf32>
    %eq3A_245 = vector.broadcast %broadcast_in_dim3A_244 : vector<256x1xf32> to vector<256x4096xf32>
    %eq3A_246 = arith.cmpf oeq, %select_n3A_241, %eq3A_245 : vector<256x4096xf32>
    %jit3A_247 = arith.constant 4096 : i32
    %broadcast_in_dim3A_248 = vector.broadcast %jit3A_247 : i32 to vector<256x4096xi32>
    %select_n3A_249 = arith.select %eq3A_246, %iota3A, %broadcast_in_dim3A_248 : vector<256x4096xi1>, vector<256x4096xi32>
    %reduce_min3A_250 = arith.constant dense<2147483647> : vector<256xi32>
    %reduce_min3A_251 = vector.multi_reduction <minsi>, %select_n3A_249, %reduce_min3A_250 [1] : vector<256x4096xi32> to vector<256xi32>
    %broadcast_in_dim3A_252 = vector.shape_cast %reduce_min3A_251 : vector<256xi32> to vector<256x1xi32>
    %swap3A_253 = arith.constant 0 : index
    %swap3A_254 = arith.constant 12 : index
    %swap3A_255 = vector.load %arg4[%swap3A_253, %swap3A_254] : memref<256x32xi32, #tpu.memory_space<vmem>>, vector<256x1xi32>
    tpu.vector_store %arg4[%swap3A_253, %swap3A_254], %broadcast_in_dim3A_252 {strides = array<i32>} : memref<256x32xi32, #tpu.memory_space<vmem>>, vector<256x1xi32>,
    %eq3A_256 = vector.broadcast %broadcast_in_dim3A_252 : vector<256x1xi32> to vector<256x4096xi32>
    %eq3A_257 = arith.cmpi eq, %iota3A, %eq3A_256 : vector<256x4096xi32>
    %jit3A_258 = arith.constant 0xFF800000 : f32
    %broadcast_in_dim3A_259 = vector.broadcast %jit3A_258 : f32 to vector<256x4096xf32>
    %select_n3A_260 = arith.select %eq3A_257, %broadcast_in_dim3A_259, %select_n3A_241 : vector<256x4096xi1>, vector<256x4096xf32>
    %reduce_max3A_261 = arith.constant dense<0xFF800000> : vector<256xf32>
    %reduce_max3A_262 = vector.multi_reduction <maximumf>, %select_n3A_260, %reduce_max3A_261 [1] : vector<256x4096xf32> to vector<256xf32>
    %broadcast_in_dim3A_263 = vector.shape_cast %reduce_max3A_262 : vector<256xf32> to vector<256x1xf32>
    %eq3A_264 = vector.broadcast %broadcast_in_dim3A_263 : vector<256x1xf32> to vector<256x4096xf32>
    %eq3A_265 = arith.cmpf oeq, %select_n3A_260, %eq3A_264 : vector<256x4096xf32>
    %jit3A_266 = arith.constant 4096 : i32
    %broadcast_in_dim3A_267 = vector.broadcast %jit3A_266 : i32 to vector<256x4096xi32>
    %select_n3A_268 = arith.select %eq3A_265, %iota3A, %broadcast_in_dim3A_267 : vector<256x4096xi1>, vector<256x4096xi32>
    %reduce_min3A_269 = arith.constant dense<2147483647> : vector<256xi32>
    %reduce_min3A_270 = vector.multi_reduction <minsi>, %select_n3A_268, %reduce_min3A_269 [1] : vector<256x4096xi32> to vector<256xi32>
    %broadcast_in_dim3A_271 = vector.shape_cast %reduce_min3A_270 : vector<256xi32> to vector<256x1xi32>
    %swap3A_272 = arith.constant 0 : index
    %swap3A_273 = arith.constant 13 : index
    %swap3A_274 = vector.load %arg4[%swap3A_272, %swap3A_273] : memref<256x32xi32, #tpu.memory_space<vmem>>, vector<256x1xi32>
    tpu.vector_store %arg4[%swap3A_272, %swap3A_273], %broadcast_in_dim3A_271 {strides = array<i32>} : memref<256x32xi32, #tpu.memory_space<vmem>>, vector<256x1xi32>,
    %eq3A_275 = vector.broadcast %broadcast_in_dim3A_271 : vector<256x1xi32> to vector<256x4096xi32>
    %eq3A_276 = arith.cmpi eq, %iota3A, %eq3A_275 : vector<256x4096xi32>
    %jit3A_277 = arith.constant 0xFF800000 : f32
    %broadcast_in_dim3A_278 = vector.broadcast %jit3A_277 : f32 to vector<256x4096xf32>
    %select_n3A_279 = arith.select %eq3A_276, %broadcast_in_dim3A_278, %select_n3A_260 : vector<256x4096xi1>, vector<256x4096xf32>
    %reduce_max3A_280 = arith.constant dense<0xFF800000> : vector<256xf32>
    %reduce_max3A_281 = vector.multi_reduction <maximumf>, %select_n3A_279, %reduce_max3A_280 [1] : vector<256x4096xf32> to vector<256xf32>
    %broadcast_in_dim3A_282 = vector.shape_cast %reduce_max3A_281 : vector<256xf32> to vector<256x1xf32>
    %eq3A_283 = vector.broadcast %broadcast_in_dim3A_282 : vector<256x1xf32> to vector<256x4096xf32>
    %eq3A_284 = arith.cmpf oeq, %select_n3A_279, %eq3A_283 : vector<256x4096xf32>
    %jit3A_285 = arith.constant 4096 : i32
    %broadcast_in_dim3A_286 = vector.broadcast %jit3A_285 : i32 to vector<256x4096xi32>
    %select_n3A_287 = arith.select %eq3A_284, %iota3A, %broadcast_in_dim3A_286 : vector<256x4096xi1>, vector<256x4096xi32>
    %reduce_min3A_288 = arith.constant dense<2147483647> : vector<256xi32>
    %reduce_min3A_289 = vector.multi_reduction <minsi>, %select_n3A_287, %reduce_min3A_288 [1] : vector<256x4096xi32> to vector<256xi32>
    %broadcast_in_dim3A_290 = vector.shape_cast %reduce_min3A_289 : vector<256xi32> to vector<256x1xi32>
    %swap3A_291 = arith.constant 0 : index
    %swap3A_292 = arith.constant 14 : index
    %swap3A_293 = vector.load %arg4[%swap3A_291, %swap3A_292] : memref<256x32xi32, #tpu.memory_space<vmem>>, vector<256x1xi32>
    tpu.vector_store %arg4[%swap3A_291, %swap3A_292], %broadcast_in_dim3A_290 {strides = array<i32>} : memref<256x32xi32, #tpu.memory_space<vmem>>, vector<256x1xi32>,
    %eq3A_294 = vector.broadcast %broadcast_in_dim3A_290 : vector<256x1xi32> to vector<256x4096xi32>
    %eq3A_295 = arith.cmpi eq, %iota3A, %eq3A_294 : vector<256x4096xi32>
    %jit3A_296 = arith.constant 0xFF800000 : f32
    %broadcast_in_dim3A_297 = vector.broadcast %jit3A_296 : f32 to vector<256x4096xf32>
    %select_n3A_298 = arith.select %eq3A_295, %broadcast_in_dim3A_297, %select_n3A_279 : vector<256x4096xi1>, vector<256x4096xf32>
    %reduce_max3A_299 = arith.constant dense<0xFF800000> : vector<256xf32>
    %reduce_max3A_300 = vector.multi_reduction <maximumf>, %select_n3A_298, %reduce_max3A_299 [1] : vector<256x4096xf32> to vector<256xf32>
    %broadcast_in_dim3A_301 = vector.shape_cast %reduce_max3A_300 : vector<256xf32> to vector<256x1xf32>
    %eq3A_302 = vector.broadcast %broadcast_in_dim3A_301 : vector<256x1xf32> to vector<256x4096xf32>
    %eq3A_303 = arith.cmpf oeq, %select_n3A_298, %eq3A_302 : vector<256x4096xf32>
    %jit3A_304 = arith.constant 4096 : i32
    %broadcast_in_dim3A_305 = vector.broadcast %jit3A_304 : i32 to vector<256x4096xi32>
    %select_n3A_306 = arith.select %eq3A_303, %iota3A, %broadcast_in_dim3A_305 : vector<256x4096xi1>, vector<256x4096xi32>
    %reduce_min3A_307 = arith.constant dense<2147483647> : vector<256xi32>
    %reduce_min3A_308 = vector.multi_reduction <minsi>, %select_n3A_306, %reduce_min3A_307 [1] : vector<256x4096xi32> to vector<256xi32>
    %broadcast_in_dim3A_309 = vector.shape_cast %reduce_min3A_308 : vector<256xi32> to vector<256x1xi32>
    %swap3A_310 = arith.constant 0 : index
    %swap3A_311 = arith.constant 15 : index
    %swap3A_312 = vector.load %arg4[%swap3A_310, %swap3A_311] : memref<256x32xi32, #tpu.memory_space<vmem>>, vector<256x1xi32>
    tpu.vector_store %arg4[%swap3A_310, %swap3A_311], %broadcast_in_dim3A_309 {strides = array<i32>} : memref<256x32xi32, #tpu.memory_space<vmem>>, vector<256x1xi32>,
    %eq3A_313 = vector.broadcast %broadcast_in_dim3A_309 : vector<256x1xi32> to vector<256x4096xi32>
    %eq3A_314 = arith.cmpi eq, %iota3A, %eq3A_313 : vector<256x4096xi32>
    %jit3A_315 = arith.constant 0xFF800000 : f32
    %broadcast_in_dim3A_316 = vector.broadcast %jit3A_315 : f32 to vector<256x4096xf32>
    %select_n3A_317 = arith.select %eq3A_314, %broadcast_in_dim3A_316, %select_n3A_298 : vector<256x4096xi1>, vector<256x4096xf32>
    %reduce_max3A_318 = arith.constant dense<0xFF800000> : vector<256xf32>
    %reduce_max3A_319 = vector.multi_reduction <maximumf>, %select_n3A_317, %reduce_max3A_318 [1] : vector<256x4096xf32> to vector<256xf32>
    %broadcast_in_dim3A_320 = vector.shape_cast %reduce_max3A_319 : vector<256xf32> to vector<256x1xf32>
    %eq3A_321 = vector.broadcast %broadcast_in_dim3A_320 : vector<256x1xf32> to vector<256x4096xf32>
    %eq3A_322 = arith.cmpf oeq, %select_n3A_317, %eq3A_321 : vector<256x4096xf32>
    %jit3A_323 = arith.constant 4096 : i32
    %broadcast_in_dim3A_324 = vector.broadcast %jit3A_323 : i32 to vector<256x4096xi32>
    %select_n3A_325 = arith.select %eq3A_322, %iota3A, %broadcast_in_dim3A_324 : vector<256x4096xi1>, vector<256x4096xi32>
    %reduce_min3A_326 = arith.constant dense<2147483647> : vector<256xi32>
    %reduce_min3A_327 = vector.multi_reduction <minsi>, %select_n3A_325, %reduce_min3A_326 [1] : vector<256x4096xi32> to vector<256xi32>
    %broadcast_in_dim3A_328 = vector.shape_cast %reduce_min3A_327 : vector<256xi32> to vector<256x1xi32>
    %swap3A_329 = arith.constant 0 : index
    %swap3A_330 = arith.constant 16 : index
    %swap3A_331 = vector.load %arg4[%swap3A_329, %swap3A_330] : memref<256x32xi32, #tpu.memory_space<vmem>>, vector<256x1xi32>
    tpu.vector_store %arg4[%swap3A_329, %swap3A_330], %broadcast_in_dim3A_328 {strides = array<i32>} : memref<256x32xi32, #tpu.memory_space<vmem>>, vector<256x1xi32>,
    %eq3A_332 = vector.broadcast %broadcast_in_dim3A_328 : vector<256x1xi32> to vector<256x4096xi32>
    %eq3A_333 = arith.cmpi eq, %iota3A, %eq3A_332 : vector<256x4096xi32>
    %jit3A_334 = arith.constant 0xFF800000 : f32
    %broadcast_in_dim3A_335 = vector.broadcast %jit3A_334 : f32 to vector<256x4096xf32>
    %select_n3A_336 = arith.select %eq3A_333, %broadcast_in_dim3A_335, %select_n3A_317 : vector<256x4096xi1>, vector<256x4096xf32>
    %reduce_max3A_337 = arith.constant dense<0xFF800000> : vector<256xf32>
    %reduce_max3A_338 = vector.multi_reduction <maximumf>, %select_n3A_336, %reduce_max3A_337 [1] : vector<256x4096xf32> to vector<256xf32>
    %broadcast_in_dim3A_339 = vector.shape_cast %reduce_max3A_338 : vector<256xf32> to vector<256x1xf32>
    %eq3A_340 = vector.broadcast %broadcast_in_dim3A_339 : vector<256x1xf32> to vector<256x4096xf32>
    %eq3A_341 = arith.cmpf oeq, %select_n3A_336, %eq3A_340 : vector<256x4096xf32>
    %jit3A_342 = arith.constant 4096 : i32
    %broadcast_in_dim3A_343 = vector.broadcast %jit3A_342 : i32 to vector<256x4096xi32>
    %select_n3A_344 = arith.select %eq3A_341, %iota3A, %broadcast_in_dim3A_343 : vector<256x4096xi1>, vector<256x4096xi32>
    %reduce_min3A_345 = arith.constant dense<2147483647> : vector<256xi32>
    %reduce_min3A_346 = vector.multi_reduction <minsi>, %select_n3A_344, %reduce_min3A_345 [1] : vector<256x4096xi32> to vector<256xi32>
    %broadcast_in_dim3A_347 = vector.shape_cast %reduce_min3A_346 : vector<256xi32> to vector<256x1xi32>
    %swap3A_348 = arith.constant 0 : index
    %swap3A_349 = arith.constant 17 : index
    %swap3A_350 = vector.load %arg4[%swap3A_348, %swap3A_349] : memref<256x32xi32, #tpu.memory_space<vmem>>, vector<256x1xi32>
    tpu.vector_store %arg4[%swap3A_348, %swap3A_349], %broadcast_in_dim3A_347 {strides = array<i32>} : memref<256x32xi32, #tpu.memory_space<vmem>>, vector<256x1xi32>,
    %eq3A_351 = vector.broadcast %broadcast_in_dim3A_347 : vector<256x1xi32> to vector<256x4096xi32>
    %eq3A_352 = arith.cmpi eq, %iota3A, %eq3A_351 : vector<256x4096xi32>
    %jit3A_353 = arith.constant 0xFF800000 : f32
    %broadcast_in_dim3A_354 = vector.broadcast %jit3A_353 : f32 to vector<256x4096xf32>
    %select_n3A_355 = arith.select %eq3A_352, %broadcast_in_dim3A_354, %select_n3A_336 : vector<256x4096xi1>, vector<256x4096xf32>
    %reduce_max3A_356 = arith.constant dense<0xFF800000> : vector<256xf32>
    %reduce_max3A_357 = vector.multi_reduction <maximumf>, %select_n3A_355, %reduce_max3A_356 [1] : vector<256x4096xf32> to vector<256xf32>
    %broadcast_in_dim3A_358 = vector.shape_cast %reduce_max3A_357 : vector<256xf32> to vector<256x1xf32>
    %eq3A_359 = vector.broadcast %broadcast_in_dim3A_358 : vector<256x1xf32> to vector<256x4096xf32>
    %eq3A_360 = arith.cmpf oeq, %select_n3A_355, %eq3A_359 : vector<256x4096xf32>
    %jit3A_361 = arith.constant 4096 : i32
    %broadcast_in_dim3A_362 = vector.broadcast %jit3A_361 : i32 to vector<256x4096xi32>
    %select_n3A_363 = arith.select %eq3A_360, %iota3A, %broadcast_in_dim3A_362 : vector<256x4096xi1>, vector<256x4096xi32>
    %reduce_min3A_364 = arith.constant dense<2147483647> : vector<256xi32>
    %reduce_min3A_365 = vector.multi_reduction <minsi>, %select_n3A_363, %reduce_min3A_364 [1] : vector<256x4096xi32> to vector<256xi32>
    %broadcast_in_dim3A_366 = vector.shape_cast %reduce_min3A_365 : vector<256xi32> to vector<256x1xi32>
    %swap3A_367 = arith.constant 0 : index
    %swap3A_368 = arith.constant 18 : index
    %swap3A_369 = vector.load %arg4[%swap3A_367, %swap3A_368] : memref<256x32xi32, #tpu.memory_space<vmem>>, vector<256x1xi32>
    tpu.vector_store %arg4[%swap3A_367, %swap3A_368], %broadcast_in_dim3A_366 {strides = array<i32>} : memref<256x32xi32, #tpu.memory_space<vmem>>, vector<256x1xi32>,
    %eq3A_370 = vector.broadcast %broadcast_in_dim3A_366 : vector<256x1xi32> to vector<256x4096xi32>
    %eq3A_371 = arith.cmpi eq, %iota3A, %eq3A_370 : vector<256x4096xi32>
    %jit3A_372 = arith.constant 0xFF800000 : f32
    %broadcast_in_dim3A_373 = vector.broadcast %jit3A_372 : f32 to vector<256x4096xf32>
    %select_n3A_374 = arith.select %eq3A_371, %broadcast_in_dim3A_373, %select_n3A_355 : vector<256x4096xi1>, vector<256x4096xf32>
    %reduce_max3A_375 = arith.constant dense<0xFF800000> : vector<256xf32>
    %reduce_max3A_376 = vector.multi_reduction <maximumf>, %select_n3A_374, %reduce_max3A_375 [1] : vector<256x4096xf32> to vector<256xf32>
    %broadcast_in_dim3A_377 = vector.shape_cast %reduce_max3A_376 : vector<256xf32> to vector<256x1xf32>
    %eq3A_378 = vector.broadcast %broadcast_in_dim3A_377 : vector<256x1xf32> to vector<256x4096xf32>
    %eq3A_379 = arith.cmpf oeq, %select_n3A_374, %eq3A_378 : vector<256x4096xf32>
    %jit3A_380 = arith.constant 4096 : i32
    %broadcast_in_dim3A_381 = vector.broadcast %jit3A_380 : i32 to vector<256x4096xi32>
    %select_n3A_382 = arith.select %eq3A_379, %iota3A, %broadcast_in_dim3A_381 : vector<256x4096xi1>, vector<256x4096xi32>
    %reduce_min3A_383 = arith.constant dense<2147483647> : vector<256xi32>
    %reduce_min3A_384 = vector.multi_reduction <minsi>, %select_n3A_382, %reduce_min3A_383 [1] : vector<256x4096xi32> to vector<256xi32>
    %broadcast_in_dim3A_385 = vector.shape_cast %reduce_min3A_384 : vector<256xi32> to vector<256x1xi32>
    %swap3A_386 = arith.constant 0 : index
    %swap3A_387 = arith.constant 19 : index
    %swap3A_388 = vector.load %arg4[%swap3A_386, %swap3A_387] : memref<256x32xi32, #tpu.memory_space<vmem>>, vector<256x1xi32>
    tpu.vector_store %arg4[%swap3A_386, %swap3A_387], %broadcast_in_dim3A_385 {strides = array<i32>} : memref<256x32xi32, #tpu.memory_space<vmem>>, vector<256x1xi32>,
    return
  }
  func.func @transform_0(%arg0: i32) -> (i32, i32) {
    %c0_i32 = arith.constant 0 : i32
    %c0_i32_0 = arith.constant 0 : i32
    return %arg0, %c0_i32 : i32, i32
  }
  func.func @transform_1(%arg0: i32) -> (i32, i32) {
    %c0_i32 = arith.constant 0 : i32
    %c0_i32_0 = arith.constant 0 : i32
    %c0_i32_1 = arith.constant 0 : i32
    return %c0_i32, %c0_i32_0 : i32, i32
  }
  func.func @transform_2(%arg0: i32) -> (i32, i32) {
    %c0_i32 = arith.constant 0 : i32
    %c0_i32_0 = arith.constant 0 : i32
    %c0_i32_1 = arith.constant 0 : i32
    return %c0_i32, %c0_i32_0 : i32, i32
  }
  func.func @transform_3(%arg0: i32) -> (i32, i32) {
    %c0_i32 = arith.constant 0 : i32
    %c0_i32_0 = arith.constant 0 : i32
    return %arg0, %c0_i32 : i32, i32
  }
}

module attributes {stable_mosaic.version = 14 : i64} {
  func.func @_edge_body(%arg0: i32, %arg1: memref<2560x128xf32, #tpu.memory_space<vmem>>, %arg2: memref<128x128xf32, #tpu.memory_space<vmem>>, %arg3: memref<256x256xf32, #tpu.memory_space<vmem>>, %arg4: memref<128x256xf32, #tpu.memory_space<vmem>>, %arg5: memref<128x256xf32, #tpu.memory_space<vmem>>, %arg6: memref<8x256xf32, #tpu.memory_space<vmem>>) attributes {dimension_semantics = [#tpu.dimension_semantics<arbitrary>], iteration_bounds = array<i64: 32>, scalar_prefetch = 0 : i64, scratch_operands = 0 : i64, tpu.core_type = #tpu.core_type<tc>, window_params = [{transform_indices = @transform_0, window_bounds = array<i64: 2560, 128>}, {transform_indices = @transform_1, window_bounds = array<i64: 128, 128>}, {pipeline_mode = #tpu.pipeline_mode<synchronous>, transform_indices = @transform_2, window_bounds = array<i64: 256, 256>}, {transform_indices = @transform_3, window_bounds = array<i64: 128, 256>}, {transform_indices = @transform_4, window_bounds = array<i64: 128, 256>}, {pipeline_mode = #tpu.pipeline_mode<synchronous>, transform_indices = @transform_5, window_bounds = array<i64: 8, 256>}]} {
    %get3A = arith.constant 0 : index
    %get3A_0 = arith.constant 0 : index
    %get3A_1 = vector.load %arg2[%get3A, %get3A_0] : memref<128x128xf32, #tpu.memory_space<vmem>>, vector<128x128xf32>
    %get3A_2 = arith.constant 0 : index
    %get3A_3 = arith.constant 0 : index
    %get3A_4 = vector.load %arg1[%get3A_2, %get3A_3] : memref<2560x128xf32, #tpu.memory_space<vmem>>, vector<2560x128xf32>
    %reshape3A = vector.shape_cast %get3A_4 : vector<2560x128xf32> to vector<128x20x128xf32>
    %broadcast_in_dim3A = vector.shape_cast %get3A_1 : vector<128x128xf32> to vector<128x1x128xf32>
    %sub3A = vector.broadcast %broadcast_in_dim3A : vector<128x1x128xf32> to vector<128x20x128xf32>
    %sub3A_5 = arith.subf %reshape3A, %sub3A : vector<128x20x128xf32>
    %reshape3A_6 = vector.shape_cast %sub3A_5 : vector<128x20x128xf32> to vector<2560x128xf32>
    %broadcast_in_dim3A_7 = vector.shape_cast %get3A_1 : vector<128x128xf32> to vector<128x1x128xf32>
    %broadcast_in_dim3A_8 = vector.shape_cast %broadcast_in_dim3A_7 : vector<128x1x128xf32> to vector<128x1x128xf32>
    %broadcast_in_dim3A_9 = vector.broadcast %broadcast_in_dim3A_8 : vector<128x1x128xf32> to vector<128x20x128xf32>
    %reshape3A_10 = vector.shape_cast %broadcast_in_dim3A_9 : vector<128x20x128xf32> to vector<2560x128xf32>
    %concatenate3A = tpu.concatenate %reshape3A_6, %reshape3A_10 in 1 : vector<2560x128xf32>, vector<2560x128xf32> -> vector<2560x256xf32>
    %get3A_11 = arith.constant 0 : index
    %get3A_12 = arith.constant 0 : index
    %get3A_13 = vector.load %arg3[%get3A_11, %get3A_12] : memref<256x256xf32, #tpu.memory_space<vmem>>, vector<256x256xf32>
    %dot_general3A = arith.constant dense<0.000000e+00> : vector<2560x256xf32>
    %dot_general3A_14 = tpu.matmul %concatenate3A, %get3A_13, %dot_general3A {dimension_numbers = #tpu.dot_dimension_numbers<[1], [0], [0], [1], [0, 0, 1, 1], [], []>, transpose_lhs_hint = false} : vector<2560x256xf32>, vector<256x256xf32>, vector<2560x256xf32> -> vector<2560x256xf32>
    %reshape3A_15 = vector.shape_cast %dot_general3A_14 : vector<2560x256xf32> to vector<128x20x256xf32>
    %reduce_max3A = arith.constant dense<0xFF800000> : vector<128x256xf32>
    %reduce_max3A_16 = vector.multi_reduction <maximumf>, %reshape3A_15, %reduce_max3A [1] : vector<128x20x256xf32> to vector<128x256xf32>
    %swap3A = arith.constant 0 : index
    %swap3A_17 = arith.constant 0 : index
    %swap3A_18 = vector.load %arg4[%swap3A, %swap3A_17] : memref<128x256xf32, #tpu.memory_space<vmem>>, vector<128x256xf32>
    tpu.vector_store %arg4[%swap3A, %swap3A_17], %reduce_max3A_16 {strides = array<i32>} : memref<128x256xf32, #tpu.memory_space<vmem>>, vector<128x256xf32>,
    %reduce_min3A = arith.constant dense<0x7F800000> : vector<128x256xf32>
    %reduce_min3A_19 = vector.multi_reduction <minimumf>, %reshape3A_15, %reduce_min3A [1] : vector<128x20x256xf32> to vector<128x256xf32>
    %swap3A_20 = arith.constant 0 : index
    %swap3A_21 = arith.constant 0 : index
    %swap3A_22 = vector.load %arg5[%swap3A_20, %swap3A_21] : memref<128x256xf32, #tpu.memory_space<vmem>>, vector<128x256xf32>
    tpu.vector_store %arg5[%swap3A_20, %swap3A_21], %reduce_min3A_19 {strides = array<i32>} : memref<128x256xf32, #tpu.memory_space<vmem>>, vector<128x256xf32>,
    %reduce_sum3A = arith.constant dense<0.000000e+00> : vector<256xf32>
    %reduce_sum3A_23 = vector.multi_reduction <add>, %dot_general3A_14, %reduce_sum3A [0] : vector<2560x256xf32> to vector<256xf32>
    %broadcast_in_dim3A_24 = vector.shape_cast %reduce_sum3A_23 : vector<256xf32> to vector<1x256xf32>
    %mul3A = arith.mulf %dot_general3A_14, %dot_general3A_14 : vector<2560x256xf32>
    %reduce_sum3A_25 = arith.constant dense<0.000000e+00> : vector<256xf32>
    %reduce_sum3A_26 = vector.multi_reduction <add>, %mul3A, %reduce_sum3A_25 [0] : vector<2560x256xf32> to vector<256xf32>
    %broadcast_in_dim3A_27 = vector.shape_cast %reduce_sum3A_26 : vector<256xf32> to vector<1x256xf32>
    %broadcast_in_dim3A_28 = arith.constant 0.000000e+00 : f32
    %broadcast_in_dim3A_29 = vector.broadcast %broadcast_in_dim3A_28 : f32 to vector<6x256xf32>
    %concatenate3A_30 = tpu.concatenate %broadcast_in_dim3A_24, %broadcast_in_dim3A_27, %broadcast_in_dim3A_29 in 0 : vector<1x256xf32>, vector<1x256xf32>, vector<6x256xf32> -> vector<8x256xf32>
    %eq3A = arith.constant 0 : i32
    %eq3A_31 = arith.cmpi eq, %arg0, %eq3A : i32
    %convert_element_type3A = arith.extui %eq3A_31 : i1 to i32
    %cond3A = arith.constant 0 : i32
    %cond3A_32 = arith.cmpi ne, %convert_element_type3A, %cond3A : i32
    scf.if %cond3A_32 {
      %broadcast_in_dim3A_39 = arith.constant 0.000000e+00 : f32
      %broadcast_in_dim3A_40 = vector.broadcast %broadcast_in_dim3A_39 : f32 to vector<8x256xf32>
      %swap3A_41 = arith.constant 0 : index
      %swap3A_42 = arith.constant 0 : index
      %swap3A_43 = vector.load %arg6[%swap3A_41, %swap3A_42] : memref<8x256xf32, #tpu.memory_space<vmem>>, vector<8x256xf32>
      tpu.vector_store %arg6[%swap3A_41, %swap3A_42], %broadcast_in_dim3A_40 {strides = array<i32>} : memref<8x256xf32, #tpu.memory_space<vmem>>, vector<8x256xf32>,
    } else {
    }
    %get3A_33 = arith.constant 0 : index
    %get3A_34 = arith.constant 0 : index
    %get3A_35 = vector.load %arg6[%get3A_33, %get3A_34] : memref<8x256xf32, #tpu.memory_space<vmem>>, vector<8x256xf32>
    %add3A = arith.addf %get3A_35, %concatenate3A_30 : vector<8x256xf32>
    %swap3A_36 = arith.constant 0 : index
    %swap3A_37 = arith.constant 0 : index
    %swap3A_38 = vector.load %arg6[%swap3A_36, %swap3A_37] : memref<8x256xf32, #tpu.memory_space<vmem>>, vector<8x256xf32>
    tpu.vector_store %arg6[%swap3A_36, %swap3A_37], %add3A {strides = array<i32>} : memref<8x256xf32, #tpu.memory_space<vmem>>, vector<8x256xf32>,
    return
  }
  func.func @transform_0(%arg0: i32) -> (i32, i32) {
    %c0_i32 = arith.constant 0 : i32
    %c0_i32_0 = arith.constant 0 : i32
    return %arg0, %c0_i32 : i32, i32
  }
  func.func @transform_1(%arg0: i32) -> (i32, i32) {
    %c0_i32 = arith.constant 0 : i32
    %c0_i32_0 = arith.constant 0 : i32
    return %arg0, %c0_i32 : i32, i32
  }
  func.func @transform_2(%arg0: i32) -> (i32, i32) {
    %c0_i32 = arith.constant 0 : i32
    %c0_i32_0 = arith.constant 0 : i32
    %c0_i32_1 = arith.constant 0 : i32
    return %c0_i32, %c0_i32_0 : i32, i32
  }
  func.func @transform_3(%arg0: i32) -> (i32, i32) {
    %c0_i32 = arith.constant 0 : i32
    %c0_i32_0 = arith.constant 0 : i32
    return %arg0, %c0_i32 : i32, i32
  }
  func.func @transform_4(%arg0: i32) -> (i32, i32) {
    %c0_i32 = arith.constant 0 : i32
    %c0_i32_0 = arith.constant 0 : i32
    return %arg0, %c0_i32 : i32, i32
  }
  func.func @transform_5(%arg0: i32) -> (i32, i32) {
    %c0_i32 = arith.constant 0 : i32
    %c0_i32_0 = arith.constant 0 : i32
    %c0_i32_1 = arith.constant 0 : i32
    return %c0_i32, %c0_i32_0 : i32, i32
  }
}

module attributes {stable_mosaic.version = 14 : i64} {
  func.func @_fin_body(%arg0: i32, %arg1: memref<8x256xf32, #tpu.memory_space<vmem>>, %arg2: memref<8x256xf32, #tpu.memory_space<vmem>>, %arg3: memref<256x256xf32, #tpu.memory_space<vmem>>, %arg4: memref<256x256xf32, #tpu.memory_space<vmem>>, %arg5: memref<256x256xf32, #tpu.memory_space<vmem>>) attributes {dimension_semantics = [#tpu.dimension_semantics<arbitrary>], iteration_bounds = array<i64: 16>, scalar_prefetch = 0 : i64, scratch_operands = 0 : i64, tpu.core_type = #tpu.core_type<tc>, window_params = [{pipeline_mode = #tpu.pipeline_mode<synchronous>, transform_indices = @transform_0, window_bounds = array<i64: 8, 256>}, {pipeline_mode = #tpu.pipeline_mode<synchronous>, transform_indices = @transform_1, window_bounds = array<i64: 8, 256>}, {transform_indices = @transform_2, window_bounds = array<i64: 256, 256>}, {transform_indices = @transform_3, window_bounds = array<i64: 256, 256>}, {transform_indices = @transform_4, window_bounds = array<i64: 256, 256>}]} {
    %get3A = arith.constant 0 : index
    %get3A_0 = arith.constant 0 : index
    %get3A_1 = vector.load %arg1[%get3A, %get3A_0] : memref<8x256xf32, #tpu.memory_space<vmem>>, vector<8x256xf32>
    %slice3A = vector.extract_strided_slice %get3A_1 {offsets = [0, 0], sizes = [1, 256], strides = [1, 1]} : vector<8x256xf32> to vector<1x256xf32>
    %mul3A = arith.constant 1.22070314E-5 : f32
    %mul3A_2 = vector.broadcast %mul3A : f32 to vector<1x256xf32>
    %mul3A_3 = arith.mulf %slice3A, %mul3A_2 : vector<1x256xf32>
    %slice3A_4 = vector.extract_strided_slice %get3A_1 {offsets = [1, 0], sizes = [1, 256], strides = [1, 1]} : vector<8x256xf32> to vector<1x256xf32>
    %mul3A_5 = arith.constant 1.22070314E-5 : f32
    %mul3A_6 = vector.broadcast %mul3A_5 : f32 to vector<1x256xf32>
    %mul3A_7 = arith.mulf %slice3A_4, %mul3A_6 : vector<1x256xf32>
    %mul3A_8 = arith.mulf %mul3A_3, %mul3A_3 : vector<1x256xf32>
    %sub3A = arith.subf %mul3A_7, %mul3A_8 : vector<1x256xf32>
    %get3A_9 = arith.constant 0 : index
    %get3A_10 = arith.constant 0 : index
    %get3A_11 = vector.load %arg2[%get3A_9, %get3A_10] : memref<8x256xf32, #tpu.memory_space<vmem>>, vector<1x256xf32>
    %add3A = arith.constant 9.99999974E-6 : f32
    %add3A_12 = vector.broadcast %add3A : f32 to vector<1x256xf32>
    %add3A_13 = arith.addf %sub3A, %add3A_12 : vector<1x256xf32>
    %rsqrt3A = math.rsqrt %add3A_13 : vector<1x256xf32>
    %mul3A_14 = arith.mulf %get3A_11, %rsqrt3A : vector<1x256xf32>
    %get3A_15 = arith.constant 1 : index
    %get3A_16 = arith.constant 0 : index
    %get3A_17 = vector.load %arg2[%get3A_15, %get3A_16] : memref<8x256xf32, #tpu.memory_space<vmem>>, vector<1x256xf32>
    %mul3A_18 = arith.mulf %mul3A_14, %mul3A_3 : vector<1x256xf32>
    %sub3A_19 = arith.subf %get3A_17, %mul3A_18 : vector<1x256xf32>
    %ge3A = arith.constant 0.000000e+00 : f32
    %ge3A_20 = vector.broadcast %ge3A : f32 to vector<1x256xf32>
    %ge3A_21 = arith.cmpf oge, %mul3A_14, %ge3A_20 : vector<1x256xf32>
    %get3A_22 = arith.constant 0 : index
    %get3A_23 = arith.constant 0 : index
    %get3A_24 = vector.load %arg3[%get3A_22, %get3A_23] : memref<256x256xf32, #tpu.memory_space<vmem>>, vector<256x256xf32>
    %get3A_25 = arith.constant 0 : index
    %get3A_26 = arith.constant 0 : index
    %get3A_27 = vector.load %arg4[%get3A_25, %get3A_26] : memref<256x256xf32, #tpu.memory_space<vmem>>, vector<256x256xf32>
    %broadcast_in_dim3A = vector.shape_cast %ge3A_21 : vector<1x256xi1> to vector<1x256xi1>
    %broadcast_in_dim3A_28 = vector.broadcast %broadcast_in_dim3A : vector<1x256xi1> to vector<256x256xi1>
    %select_n3A = arith.select %broadcast_in_dim3A_28, %get3A_24, %get3A_27 : vector<256x256xi1>, vector<256x256xf32>
    %mul3A_29 = vector.broadcast %mul3A_14 : vector<1x256xf32> to vector<256x256xf32>
    %mul3A_30 = arith.mulf %mul3A_29, %select_n3A : vector<256x256xf32>
    %add3A_31 = vector.broadcast %sub3A_19 : vector<1x256xf32> to vector<256x256xf32>
    %add3A_32 = arith.addf %mul3A_30, %add3A_31 : vector<256x256xf32>
    %ge3A_33 = arith.constant 0.000000e+00 : f32
    %ge3A_34 = vector.broadcast %ge3A_33 : f32 to vector<256x256xf32>
    %ge3A_35 = arith.cmpf oge, %add3A_32, %ge3A_34 : vector<256x256xf32>
    %mul3A_36 = arith.constant 2.000000e-01 : f32
    %mul3A_37 = vector.broadcast %mul3A_36 : f32 to vector<256x256xf32>
    %mul3A_38 = arith.mulf %mul3A_37, %add3A_32 : vector<256x256xf32>
    %select_n3A_39 = arith.select %ge3A_35, %add3A_32, %mul3A_38 : vector<256x256xi1>, vector<256x256xf32>
    %swap3A = arith.constant 0 : index
    %swap3A_40 = arith.constant 0 : index
    %swap3A_41 = vector.load %arg5[%swap3A, %swap3A_40] : memref<256x256xf32, #tpu.memory_space<vmem>>, vector<256x256xf32>
    tpu.vector_store %arg5[%swap3A, %swap3A_40], %select_n3A_39 {strides = array<i32>} : memref<256x256xf32, #tpu.memory_space<vmem>>, vector<256x256xf32>,
    return
  }
  func.func @transform_0(%arg0: i32) -> (i32, i32) {
    %c0_i32 = arith.constant 0 : i32
    %c0_i32_0 = arith.constant 0 : i32
    %c0_i32_1 = arith.constant 0 : i32
    return %c0_i32, %c0_i32_0 : i32, i32
  }
  func.func @transform_1(%arg0: i32) -> (i32, i32) {
    %c0_i32 = arith.constant 0 : i32
    %c0_i32_0 = arith.constant 0 : i32
    %c0_i32_1 = arith.constant 0 : i32
    return %c0_i32, %c0_i32_0 : i32, i32
  }
  func.func @transform_2(%arg0: i32) -> (i32, i32) {
    %c0_i32 = arith.constant 0 : i32
    %c0_i32_0 = arith.constant 0 : i32
    return %arg0, %c0_i32 : i32, i32
  }
  func.func @transform_3(%arg0: i32) -> (i32, i32) {
    %c0_i32 = arith.constant 0 : i32
    %c0_i32_0 = arith.constant 0 : i32
    return %arg0, %c0_i32 : i32, i32
  }
  func.func @transform_4(%arg0: i32) -> (i32, i32) {
    %c0_i32 = arith.constant 0 : i32
    %c0_i32_0 = arith.constant 0 : i32
    return %arg0, %c0_i32 : i32, i32
  }
}

module attributes {stable_mosaic.version = 14 : i64} {
  func.func @_h1_body(%arg0: i32, %arg1: memref<256x64xf32, #tpu.memory_space<vmem>>, %arg2: memref<256x64xf32, #tpu.memory_space<vmem>>, %arg3: memref<256x128xf32, #tpu.memory_space<vmem>>, %arg4: memref<256x256xf32, #tpu.memory_space<vmem>>, %arg5: memref<512x512xf32, #tpu.memory_space<vmem>>, %arg6: memref<256x512xf32, #tpu.memory_space<vmem>>, %arg7: memref<8x512xf32, #tpu.memory_space<vmem>>) attributes {dimension_semantics = [#tpu.dimension_semantics<arbitrary>], iteration_bounds = array<i64: 16>, scalar_prefetch = 0 : i64, scratch_operands = 0 : i64, tpu.core_type = #tpu.core_type<tc>, window_params = [{transform_indices = @transform_0, window_bounds = array<i64: 256, 64>}, {transform_indices = @transform_1, window_bounds = array<i64: 256, 64>}, {transform_indices = @transform_2, window_bounds = array<i64: 256, 128>}, {transform_indices = @transform_3, window_bounds = array<i64: 256, 256>}, {pipeline_mode = #tpu.pipeline_mode<synchronous>, transform_indices = @transform_4, window_bounds = array<i64: 512, 512>}, {transform_indices = @transform_5, window_bounds = array<i64: 256, 512>}, {pipeline_mode = #tpu.pipeline_mode<synchronous>, transform_indices = @transform_6, window_bounds = array<i64: 8, 512>}]} {
    %get3A = arith.constant 0 : index
    %get3A_0 = arith.constant 0 : index
    %get3A_1 = vector.load %arg1[%get3A, %get3A_0] : memref<256x64xf32, #tpu.memory_space<vmem>>, vector<256x64xf32>
    %get3A_2 = arith.constant 0 : index
    %get3A_3 = arith.constant 0 : index
    %get3A_4 = vector.load %arg5[%get3A_2, %get3A_3] : memref<512x512xf32, #tpu.memory_space<vmem>>, vector<64x512xf32>
    %dot_general3A = arith.constant dense<0.000000e+00> : vector<256x512xf32>
    %dot_general3A_5 = tpu.matmul %get3A_1, %get3A_4, %dot_general3A {dimension_numbers = #tpu.dot_dimension_numbers<[1], [0], [0], [1], [0, 0, 1, 1], [], []>, transpose_lhs_hint = false} : vector<256x64xf32>, vector<64x512xf32>, vector<256x512xf32> -> vector<256x512xf32>
    %get3A_6 = arith.constant 0 : index
    %get3A_7 = arith.constant 0 : index
    %get3A_8 = vector.load %arg2[%get3A_6, %get3A_7] : memref<256x64xf32, #tpu.memory_space<vmem>>, vector<256x64xf32>
    %get3A_9 = arith.constant 64 : index
    %get3A_10 = arith.constant 0 : index
    %get3A_11 = vector.load %arg5[%get3A_9, %get3A_10] : memref<512x512xf32, #tpu.memory_space<vmem>>, vector<64x512xf32>
    %dot_general3A_12 = arith.constant dense<0.000000e+00> : vector<256x512xf32>
    %dot_general3A_13 = tpu.matmul %get3A_8, %get3A_11, %dot_general3A_12 {dimension_numbers = #tpu.dot_dimension_numbers<[1], [0], [0], [1], [0, 0, 1, 1], [], []>, transpose_lhs_hint = false} : vector<256x64xf32>, vector<64x512xf32>, vector<256x512xf32> -> vector<256x512xf32>
    %add3A = arith.addf %dot_general3A_5, %dot_general3A_13 : vector<256x512xf32>
    %get3A_14 = arith.constant 0 : index
    %get3A_15 = arith.constant 0 : index
    %get3A_16 = vector.load %arg3[%get3A_14, %get3A_15] : memref<256x128xf32, #tpu.memory_space<vmem>>, vector<256x128xf32>
    %get3A_17 = arith.constant 128 : index
    %get3A_18 = arith.constant 0 : index
    %get3A_19 = vector.load %arg5[%get3A_17, %get3A_18] : memref<512x512xf32, #tpu.memory_space<vmem>>, vector<128x512xf32>
    %dot_general3A_20 = arith.constant dense<0.000000e+00> : vector<256x512xf32>
    %dot_general3A_21 = tpu.matmul %get3A_16, %get3A_19, %dot_general3A_20 {dimension_numbers = #tpu.dot_dimension_numbers<[1], [0], [0], [1], [0, 0, 1, 1], [], []>, transpose_lhs_hint = false} : vector<256x128xf32>, vector<128x512xf32>, vector<256x512xf32> -> vector<256x512xf32>
    %add3A_22 = arith.addf %add3A, %dot_general3A_21 : vector<256x512xf32>
    %get3A_23 = arith.constant 0 : index
    %get3A_24 = arith.constant 0 : index
    %get3A_25 = vector.load %arg4[%get3A_23, %get3A_24] : memref<256x256xf32, #tpu.memory_space<vmem>>, vector<256x256xf32>
    %get3A_26 = arith.constant 256 : index
    %get3A_27 = arith.constant 0 : index
    %get3A_28 = vector.load %arg5[%get3A_26, %get3A_27] : memref<512x512xf32, #tpu.memory_space<vmem>>, vector<256x512xf32>
    %dot_general3A_29 = arith.constant dense<0.000000e+00> : vector<256x512xf32>
    %dot_general3A_30 = tpu.matmul %get3A_25, %get3A_28, %dot_general3A_29 {dimension_numbers = #tpu.dot_dimension_numbers<[1], [0], [0], [1], [0, 0, 1, 1], [], []>, transpose_lhs_hint = false} : vector<256x256xf32>, vector<256x512xf32>, vector<256x512xf32> -> vector<256x512xf32>
    %add3A_31 = arith.addf %add3A_22, %dot_general3A_30 : vector<256x512xf32>
    %swap3A = arith.constant 0 : index
    %swap3A_32 = arith.constant 0 : index
    %swap3A_33 = vector.load %arg6[%swap3A, %swap3A_32] : memref<256x512xf32, #tpu.memory_space<vmem>>, vector<256x512xf32>
    tpu.vector_store %arg6[%swap3A, %swap3A_32], %add3A_31 {strides = array<i32>} : memref<256x512xf32, #tpu.memory_space<vmem>>, vector<256x512xf32>,
    %reduce_sum3A = arith.constant dense<0.000000e+00> : vector<512xf32>
    %reduce_sum3A_34 = vector.multi_reduction <add>, %add3A_31, %reduce_sum3A [0] : vector<256x512xf32> to vector<512xf32>
    %broadcast_in_dim3A = vector.shape_cast %reduce_sum3A_34 : vector<512xf32> to vector<1x512xf32>
    %mul3A = arith.mulf %add3A_31, %add3A_31 : vector<256x512xf32>
    %reduce_sum3A_35 = arith.constant dense<0.000000e+00> : vector<512xf32>
    %reduce_sum3A_36 = vector.multi_reduction <add>, %mul3A, %reduce_sum3A_35 [0] : vector<256x512xf32> to vector<512xf32>
    %broadcast_in_dim3A_37 = vector.shape_cast %reduce_sum3A_36 : vector<512xf32> to vector<1x512xf32>
    %broadcast_in_dim3A_38 = arith.constant 0.000000e+00 : f32
    %broadcast_in_dim3A_39 = vector.broadcast %broadcast_in_dim3A_38 : f32 to vector<6x512xf32>
    %concatenate3A = tpu.concatenate %broadcast_in_dim3A, %broadcast_in_dim3A_37, %broadcast_in_dim3A_39 in 0 : vector<1x512xf32>, vector<1x512xf32>, vector<6x512xf32> -> vector<8x512xf32>
    %eq3A = arith.constant 0 : i32
    %eq3A_40 = arith.cmpi eq, %arg0, %eq3A : i32
    %convert_element_type3A = arith.extui %eq3A_40 : i1 to i32
    %cond3A = arith.constant 0 : i32
    %cond3A_41 = arith.cmpi ne, %convert_element_type3A, %cond3A : i32
    scf.if %cond3A_41 {
      %broadcast_in_dim3A_49 = arith.constant 0.000000e+00 : f32
      %broadcast_in_dim3A_50 = vector.broadcast %broadcast_in_dim3A_49 : f32 to vector<8x512xf32>
      %swap3A_51 = arith.constant 0 : index
      %swap3A_52 = arith.constant 0 : index
      %swap3A_53 = vector.load %arg7[%swap3A_51, %swap3A_52] : memref<8x512xf32, #tpu.memory_space<vmem>>, vector<8x512xf32>
      tpu.vector_store %arg7[%swap3A_51, %swap3A_52], %broadcast_in_dim3A_50 {strides = array<i32>} : memref<8x512xf32, #tpu.memory_space<vmem>>, vector<8x512xf32>,
    } else {
    }
    %get3A_42 = arith.constant 0 : index
    %get3A_43 = arith.constant 0 : index
    %get3A_44 = vector.load %arg7[%get3A_42, %get3A_43] : memref<8x512xf32, #tpu.memory_space<vmem>>, vector<8x512xf32>
    %add3A_45 = arith.addf %get3A_44, %concatenate3A : vector<8x512xf32>
    %swap3A_46 = arith.constant 0 : index
    %swap3A_47 = arith.constant 0 : index
    %swap3A_48 = vector.load %arg7[%swap3A_46, %swap3A_47] : memref<8x512xf32, #tpu.memory_space<vmem>>, vector<8x512xf32>
    tpu.vector_store %arg7[%swap3A_46, %swap3A_47], %add3A_45 {strides = array<i32>} : memref<8x512xf32, #tpu.memory_space<vmem>>, vector<8x512xf32>,
    return
  }
  func.func @transform_0(%arg0: i32) -> (i32, i32) {
    %c0_i32 = arith.constant 0 : i32
    %c0_i32_0 = arith.constant 0 : i32
    return %arg0, %c0_i32 : i32, i32
  }
  func.func @transform_1(%arg0: i32) -> (i32, i32) {
    %c0_i32 = arith.constant 0 : i32
    %c0_i32_0 = arith.constant 0 : i32
    return %arg0, %c0_i32 : i32, i32
  }
  func.func @transform_2(%arg0: i32) -> (i32, i32) {
    %c0_i32 = arith.constant 0 : i32
    %c0_i32_0 = arith.constant 0 : i32
    return %arg0, %c0_i32 : i32, i32
  }
  func.func @transform_3(%arg0: i32) -> (i32, i32) {
    %c0_i32 = arith.constant 0 : i32
    %c0_i32_0 = arith.constant 0 : i32
    return %arg0, %c0_i32 : i32, i32
  }
  func.func @transform_4(%arg0: i32) -> (i32, i32) {
    %c0_i32 = arith.constant 0 : i32
    %c0_i32_0 = arith.constant 0 : i32
    %c0_i32_1 = arith.constant 0 : i32
    return %c0_i32, %c0_i32_0 : i32, i32
  }
  func.func @transform_5(%arg0: i32) -> (i32, i32) {
    %c0_i32 = arith.constant 0 : i32
    %c0_i32_0 = arith.constant 0 : i32
    return %arg0, %c0_i32 : i32, i32
  }
  func.func @transform_6(%arg0: i32) -> (i32, i32) {
    %c0_i32 = arith.constant 0 : i32
    %c0_i32_0 = arith.constant 0 : i32
    %c0_i32_1 = arith.constant 0 : i32
    return %c0_i32, %c0_i32_0 : i32, i32
  }
}

module attributes {stable_mosaic.version = 14 : i64} {
  func.func @_h2_body(%arg0: i32, %arg1: memref<256x512xf32, #tpu.memory_space<vmem>>, %arg2: memref<8x512xf32, #tpu.memory_space<vmem>>, %arg3: memref<8x512xf32, #tpu.memory_space<vmem>>, %arg4: memref<512x1024xf32, #tpu.memory_space<vmem>>, %arg5: memref<8x1024xf32, #tpu.memory_space<vmem>>, %arg6: memref<256x1024xf32, #tpu.memory_space<vmem>>, %arg7: memref<8x1024xf32, #tpu.memory_space<vmem>>) attributes {dimension_semantics = [#tpu.dimension_semantics<arbitrary>], iteration_bounds = array<i64: 16>, scalar_prefetch = 0 : i64, scratch_operands = 0 : i64, tpu.core_type = #tpu.core_type<tc>, window_params = [{transform_indices = @transform_0, window_bounds = array<i64: 256, 512>}, {pipeline_mode = #tpu.pipeline_mode<synchronous>, transform_indices = @transform_1, window_bounds = array<i64: 8, 512>}, {pipeline_mode = #tpu.pipeline_mode<synchronous>, transform_indices = @transform_2, window_bounds = array<i64: 8, 512>}, {pipeline_mode = #tpu.pipeline_mode<synchronous>, transform_indices = @transform_3, window_bounds = array<i64: 512, 1024>}, {pipeline_mode = #tpu.pipeline_mode<synchronous>, transform_indices = @transform_4, window_bounds = array<i64: 8, 1024>}, {transform_indices = @transform_5, window_bounds = array<i64: 256, 1024>}, {pipeline_mode = #tpu.pipeline_mode<synchronous>, transform_indices = @transform_6, window_bounds = array<i64: 8, 1024>}]} {
    %get3A = arith.constant 0 : index
    %get3A_0 = arith.constant 0 : index
    %get3A_1 = vector.load %arg2[%get3A, %get3A_0] : memref<8x512xf32, #tpu.memory_space<vmem>>, vector<8x512xf32>
    %slice3A = vector.extract_strided_slice %get3A_1 {offsets = [0, 0], sizes = [1, 512], strides = [1, 1]} : vector<8x512xf32> to vector<1x512xf32>
    %mul3A = arith.constant 2.44140625E-4 : f32
    %mul3A_2 = vector.broadcast %mul3A : f32 to vector<1x512xf32>
    %mul3A_3 = arith.mulf %slice3A, %mul3A_2 : vector<1x512xf32>
    %slice3A_4 = vector.extract_strided_slice %get3A_1 {offsets = [1, 0], sizes = [1, 512], strides = [1, 1]} : vector<8x512xf32> to vector<1x512xf32>
    %mul3A_5 = arith.constant 2.44140625E-4 : f32
    %mul3A_6 = vector.broadcast %mul3A_5 : f32 to vector<1x512xf32>
    %mul3A_7 = arith.mulf %slice3A_4, %mul3A_6 : vector<1x512xf32>
    %mul3A_8 = arith.mulf %mul3A_3, %mul3A_3 : vector<1x512xf32>
    %sub3A = arith.subf %mul3A_7, %mul3A_8 : vector<1x512xf32>
    %get3A_9 = arith.constant 0 : index
    %get3A_10 = arith.constant 0 : index
    %get3A_11 = vector.load %arg3[%get3A_9, %get3A_10] : memref<8x512xf32, #tpu.memory_space<vmem>>, vector<1x512xf32>
    %add3A = arith.constant 9.99999974E-6 : f32
    %add3A_12 = vector.broadcast %add3A : f32 to vector<1x512xf32>
    %add3A_13 = arith.addf %sub3A, %add3A_12 : vector<1x512xf32>
    %rsqrt3A = math.rsqrt %add3A_13 : vector<1x512xf32>
    %mul3A_14 = arith.mulf %get3A_11, %rsqrt3A : vector<1x512xf32>
    %get3A_15 = arith.constant 1 : index
    %get3A_16 = arith.constant 0 : index
    %get3A_17 = vector.load %arg3[%get3A_15, %get3A_16] : memref<8x512xf32, #tpu.memory_space<vmem>>, vector<1x512xf32>
    %mul3A_18 = arith.mulf %mul3A_14, %mul3A_3 : vector<1x512xf32>
    %sub3A_19 = arith.subf %get3A_17, %mul3A_18 : vector<1x512xf32>
    %get3A_20 = arith.constant 0 : index
    %get3A_21 = arith.constant 0 : index
    %get3A_22 = vector.load %arg1[%get3A_20, %get3A_21] : memref<256x512xf32, #tpu.memory_space<vmem>>, vector<256x512xf32>
    %mul3A_23 = vector.broadcast %mul3A_14 : vector<1x512xf32> to vector<256x512xf32>
    %mul3A_24 = arith.mulf %mul3A_23, %get3A_22 : vector<256x512xf32>
    %add3A_25 = vector.broadcast %sub3A_19 : vector<1x512xf32> to vector<256x512xf32>
    %add3A_26 = arith.addf %mul3A_24, %add3A_25 : vector<256x512xf32>
    %ge3A = arith.constant 0.000000e+00 : f32
    %ge3A_27 = vector.broadcast %ge3A : f32 to vector<256x512xf32>
    %ge3A_28 = arith.cmpf oge, %add3A_26, %ge3A_27 : vector<256x512xf32>
    %mul3A_29 = arith.constant 2.000000e-01 : f32
    %mul3A_30 = vector.broadcast %mul3A_29 : f32 to vector<256x512xf32>
    %mul3A_31 = arith.mulf %mul3A_30, %add3A_26 : vector<256x512xf32>
    %select_n3A = arith.select %ge3A_28, %add3A_26, %mul3A_31 : vector<256x512xi1>, vector<256x512xf32>
    %get3A_32 = arith.constant 0 : index
    %get3A_33 = arith.constant 0 : index
    %get3A_34 = vector.load %arg4[%get3A_32, %get3A_33] : memref<512x1024xf32, #tpu.memory_space<vmem>>, vector<512x1024xf32>
    %dot_general3A = arith.constant dense<0.000000e+00> : vector<256x1024xf32>
    %dot_general3A_35 = tpu.matmul %select_n3A, %get3A_34, %dot_general3A {dimension_numbers = #tpu.dot_dimension_numbers<[1], [0], [0], [1], [0, 0, 1, 1], [], []>, transpose_lhs_hint = false} : vector<256x512xf32>, vector<512x1024xf32>, vector<256x1024xf32> -> vector<256x1024xf32>
    %get3A_36 = arith.constant 0 : index
    %get3A_37 = arith.constant 0 : index
    %get3A_38 = vector.load %arg5[%get3A_36, %get3A_37] : memref<8x1024xf32, #tpu.memory_space<vmem>>, vector<1x1024xf32>
    %add3A_39 = vector.broadcast %get3A_38 : vector<1x1024xf32> to vector<256x1024xf32>
    %add3A_40 = arith.addf %dot_general3A_35, %add3A_39 : vector<256x1024xf32>
    %swap3A = arith.constant 0 : index
    %swap3A_41 = arith.constant 0 : index
    %swap3A_42 = vector.load %arg6[%swap3A, %swap3A_41] : memref<256x1024xf32, #tpu.memory_space<vmem>>, vector<256x1024xf32>
    tpu.vector_store %arg6[%swap3A, %swap3A_41], %add3A_40 {strides = array<i32>} : memref<256x1024xf32, #tpu.memory_space<vmem>>, vector<256x1024xf32>,
    %reduce_sum3A = arith.constant dense<0.000000e+00> : vector<1024xf32>
    %reduce_sum3A_43 = vector.multi_reduction <add>, %add3A_40, %reduce_sum3A [0] : vector<256x1024xf32> to vector<1024xf32>
    %broadcast_in_dim3A = vector.shape_cast %reduce_sum3A_43 : vector<1024xf32> to vector<1x1024xf32>
    %mul3A_44 = arith.mulf %add3A_40, %add3A_40 : vector<256x1024xf32>
    %reduce_sum3A_45 = arith.constant dense<0.000000e+00> : vector<1024xf32>
    %reduce_sum3A_46 = vector.multi_reduction <add>, %mul3A_44, %reduce_sum3A_45 [0] : vector<256x1024xf32> to vector<1024xf32>
    %broadcast_in_dim3A_47 = vector.shape_cast %reduce_sum3A_46 : vector<1024xf32> to vector<1x1024xf32>
    %broadcast_in_dim3A_48 = arith.constant 0.000000e+00 : f32
    %broadcast_in_dim3A_49 = vector.broadcast %broadcast_in_dim3A_48 : f32 to vector<6x1024xf32>
    %concatenate3A = tpu.concatenate %broadcast_in_dim3A, %broadcast_in_dim3A_47, %broadcast_in_dim3A_49 in 0 : vector<1x1024xf32>, vector<1x1024xf32>, vector<6x1024xf32> -> vector<8x1024xf32>
    %eq3A = arith.constant 0 : i32
    %eq3A_50 = arith.cmpi eq, %arg0, %eq3A : i32
    %convert_element_type3A = arith.extui %eq3A_50 : i1 to i32
    %cond3A = arith.constant 0 : i32
    %cond3A_51 = arith.cmpi ne, %convert_element_type3A, %cond3A : i32
    scf.if %cond3A_51 {
      %broadcast_in_dim3A_59 = arith.constant 0.000000e+00 : f32
      %broadcast_in_dim3A_60 = vector.broadcast %broadcast_in_dim3A_59 : f32 to vector<8x1024xf32>
      %swap3A_61 = arith.constant 0 : index
      %swap3A_62 = arith.constant 0 : index
      %swap3A_63 = vector.load %arg7[%swap3A_61, %swap3A_62] : memref<8x1024xf32, #tpu.memory_space<vmem>>, vector<8x1024xf32>
      tpu.vector_store %arg7[%swap3A_61, %swap3A_62], %broadcast_in_dim3A_60 {strides = array<i32>} : memref<8x1024xf32, #tpu.memory_space<vmem>>, vector<8x1024xf32>,
    } else {
    }
    %get3A_52 = arith.constant 0 : index
    %get3A_53 = arith.constant 0 : index
    %get3A_54 = vector.load %arg7[%get3A_52, %get3A_53] : memref<8x1024xf32, #tpu.memory_space<vmem>>, vector<8x1024xf32>
    %add3A_55 = arith.addf %get3A_54, %concatenate3A : vector<8x1024xf32>
    %swap3A_56 = arith.constant 0 : index
    %swap3A_57 = arith.constant 0 : index
    %swap3A_58 = vector.load %arg7[%swap3A_56, %swap3A_57] : memref<8x1024xf32, #tpu.memory_space<vmem>>, vector<8x1024xf32>
    tpu.vector_store %arg7[%swap3A_56, %swap3A_57], %add3A_55 {strides = array<i32>} : memref<8x1024xf32, #tpu.memory_space<vmem>>, vector<8x1024xf32>,
    return
  }
  func.func @transform_0(%arg0: i32) -> (i32, i32) {
    %c0_i32 = arith.constant 0 : i32
    %c0_i32_0 = arith.constant 0 : i32
    return %arg0, %c0_i32 : i32, i32
  }
  func.func @transform_1(%arg0: i32) -> (i32, i32) {
    %c0_i32 = arith.constant 0 : i32
    %c0_i32_0 = arith.constant 0 : i32
    %c0_i32_1 = arith.constant 0 : i32
    return %c0_i32, %c0_i32_0 : i32, i32
  }
  func.func @transform_2(%arg0: i32) -> (i32, i32) {
    %c0_i32 = arith.constant 0 : i32
    %c0_i32_0 = arith.constant 0 : i32
    %c0_i32_1 = arith.constant 0 : i32
    return %c0_i32, %c0_i32_0 : i32, i32
  }
  func.func @transform_3(%arg0: i32) -> (i32, i32) {
    %c0_i32 = arith.constant 0 : i32
    %c0_i32_0 = arith.constant 0 : i32
    %c0_i32_1 = arith.constant 0 : i32
    return %c0_i32, %c0_i32_0 : i32, i32
  }
  func.func @transform_4(%arg0: i32) -> (i32, i32) {
    %c0_i32 = arith.constant 0 : i32
    %c0_i32_0 = arith.constant 0 : i32
    %c0_i32_1 = arith.constant 0 : i32
    return %c0_i32, %c0_i32_0 : i32, i32
  }
  func.func @transform_5(%arg0: i32) -> (i32, i32) {
    %c0_i32 = arith.constant 0 : i32
    %c0_i32_0 = arith.constant 0 : i32
    return %arg0, %c0_i32 : i32, i32
  }
  func.func @transform_6(%arg0: i32) -> (i32, i32) {
    %c0_i32 = arith.constant 0 : i32
    %c0_i32_0 = arith.constant 0 : i32
    %c0_i32_1 = arith.constant 0 : i32
    return %c0_i32, %c0_i32_0 : i32, i32
  }
}

module attributes {stable_mosaic.version = 14 : i64} {
  func.func @_h3_body(%arg0: i32, %arg1: memref<256x1024xf32, #tpu.memory_space<vmem>>, %arg2: memref<8x1024xf32, #tpu.memory_space<vmem>>, %arg3: memref<8x1024xf32, #tpu.memory_space<vmem>>, %arg4: memref<256x32xf32, #tpu.memory_space<vmem>>, %arg5: memref<8x32xf32, #tpu.memory_space<vmem>>, %arg6: memref<256x1024xf32, #tpu.memory_space<vmem>>, %arg7: memref<256x32xf32, #tpu.memory_space<vmem>>) attributes {dimension_semantics = [#tpu.dimension_semantics<arbitrary>], iteration_bounds = array<i64: 16>, scalar_prefetch = 0 : i64, scratch_operands = 0 : i64, tpu.core_type = #tpu.core_type<tc>, window_params = [{transform_indices = @transform_0, window_bounds = array<i64: 256, 1024>}, {pipeline_mode = #tpu.pipeline_mode<synchronous>, transform_indices = @transform_1, window_bounds = array<i64: 8, 1024>}, {pipeline_mode = #tpu.pipeline_mode<synchronous>, transform_indices = @transform_2, window_bounds = array<i64: 8, 1024>}, {pipeline_mode = #tpu.pipeline_mode<synchronous>, transform_indices = @transform_3, window_bounds = array<i64: 256, 32>}, {pipeline_mode = #tpu.pipeline_mode<synchronous>, transform_indices = @transform_4, window_bounds = array<i64: 8, 32>}, {transform_indices = @transform_5, window_bounds = array<i64: 256, 1024>}, {transform_indices = @transform_6, window_bounds = array<i64: 256, 32>}]} {
    %get3A = arith.constant 0 : index
    %get3A_0 = arith.constant 0 : index
    %get3A_1 = vector.load %arg2[%get3A, %get3A_0] : memref<8x1024xf32, #tpu.memory_space<vmem>>, vector<8x1024xf32>
    %slice3A = vector.extract_strided_slice %get3A_1 {offsets = [0, 0], sizes = [1, 1024], strides = [1, 1]} : vector<8x1024xf32> to vector<1x1024xf32>
    %mul3A = arith.constant 2.44140625E-4 : f32
    %mul3A_2 = vector.broadcast %mul3A : f32 to vector<1x1024xf32>
    %mul3A_3 = arith.mulf %slice3A, %mul3A_2 : vector<1x1024xf32>
    %slice3A_4 = vector.extract_strided_slice %get3A_1 {offsets = [1, 0], sizes = [1, 1024], strides = [1, 1]} : vector<8x1024xf32> to vector<1x1024xf32>
    %mul3A_5 = arith.constant 2.44140625E-4 : f32
    %mul3A_6 = vector.broadcast %mul3A_5 : f32 to vector<1x1024xf32>
    %mul3A_7 = arith.mulf %slice3A_4, %mul3A_6 : vector<1x1024xf32>
    %mul3A_8 = arith.mulf %mul3A_3, %mul3A_3 : vector<1x1024xf32>
    %sub3A = arith.subf %mul3A_7, %mul3A_8 : vector<1x1024xf32>
    %get3A_9 = arith.constant 0 : index
    %get3A_10 = arith.constant 0 : index
    %get3A_11 = vector.load %arg3[%get3A_9, %get3A_10] : memref<8x1024xf32, #tpu.memory_space<vmem>>, vector<1x1024xf32>
    %add3A = arith.constant 9.99999974E-6 : f32
    %add3A_12 = vector.broadcast %add3A : f32 to vector<1x1024xf32>
    %add3A_13 = arith.addf %sub3A, %add3A_12 : vector<1x1024xf32>
    %rsqrt3A = math.rsqrt %add3A_13 : vector<1x1024xf32>
    %mul3A_14 = arith.mulf %get3A_11, %rsqrt3A : vector<1x1024xf32>
    %get3A_15 = arith.constant 1 : index
    %get3A_16 = arith.constant 0 : index
    %get3A_17 = vector.load %arg3[%get3A_15, %get3A_16] : memref<8x1024xf32, #tpu.memory_space<vmem>>, vector<1x1024xf32>
    %mul3A_18 = arith.mulf %mul3A_14, %mul3A_3 : vector<1x1024xf32>
    %sub3A_19 = arith.subf %get3A_17, %mul3A_18 : vector<1x1024xf32>
    %get3A_20 = arith.constant 0 : index
    %get3A_21 = arith.constant 0 : index
    %get3A_22 = vector.load %arg1[%get3A_20, %get3A_21] : memref<256x1024xf32, #tpu.memory_space<vmem>>, vector<256x1024xf32>
    %mul3A_23 = vector.broadcast %mul3A_14 : vector<1x1024xf32> to vector<256x1024xf32>
    %mul3A_24 = arith.mulf %mul3A_23, %get3A_22 : vector<256x1024xf32>
    %add3A_25 = vector.broadcast %sub3A_19 : vector<1x1024xf32> to vector<256x1024xf32>
    %add3A_26 = arith.addf %mul3A_24, %add3A_25 : vector<256x1024xf32>
    %swap3A = arith.constant 0 : index
    %swap3A_27 = arith.constant 0 : index
    %swap3A_28 = vector.load %arg6[%swap3A, %swap3A_27] : memref<256x1024xf32, #tpu.memory_space<vmem>>, vector<256x1024xf32>
    tpu.vector_store %arg6[%swap3A, %swap3A_27], %add3A_26 {strides = array<i32>} : memref<256x1024xf32, #tpu.memory_space<vmem>>, vector<256x1024xf32>,
    %slice3A_29 = vector.extract_strided_slice %add3A_26 {offsets = [0, 768], sizes = [256, 256], strides = [1, 1]} : vector<256x1024xf32> to vector<256x256xf32>
    %get3A_30 = arith.constant 0 : index
    %get3A_31 = arith.constant 0 : index
    %get3A_32 = vector.load %arg4[%get3A_30, %get3A_31] : memref<256x32xf32, #tpu.memory_space<vmem>>, vector<256x32xf32>
    %dot_general3A = arith.constant dense<0.000000e+00> : vector<256x32xf32>
    %dot_general3A_33 = tpu.matmul %slice3A_29, %get3A_32, %dot_general3A {dimension_numbers = #tpu.dot_dimension_numbers<[1], [0], [0], [1], [0, 0, 1, 1], [], []>, transpose_lhs_hint = false} : vector<256x256xf32>, vector<256x32xf32>, vector<256x32xf32> -> vector<256x32xf32>
    %get3A_34 = arith.constant 0 : index
    %get3A_35 = arith.constant 0 : index
    %get3A_36 = vector.load %arg5[%get3A_34, %get3A_35] : memref<8x32xf32, #tpu.memory_space<vmem>>, vector<1x32xf32>
    %add3A_37 = vector.broadcast %get3A_36 : vector<1x32xf32> to vector<256x32xf32>
    %add3A_38 = arith.addf %dot_general3A_33, %add3A_37 : vector<256x32xf32>
    %swap3A_39 = arith.constant 0 : index
    %swap3A_40 = arith.constant 0 : index
    %swap3A_41 = vector.load %arg7[%swap3A_39, %swap3A_40] : memref<256x32xf32, #tpu.memory_space<vmem>>, vector<256x32xf32>
    tpu.vector_store %arg7[%swap3A_39, %swap3A_40], %add3A_38 {strides = array<i32>} : memref<256x32xf32, #tpu.memory_space<vmem>>, vector<256x32xf32>,
    return
  }
  func.func @transform_0(%arg0: i32) -> (i32, i32) {
    %c0_i32 = arith.constant 0 : i32
    %c0_i32_0 = arith.constant 0 : i32
    return %arg0, %c0_i32 : i32, i32
  }
  func.func @transform_1(%arg0: i32) -> (i32, i32) {
    %c0_i32 = arith.constant 0 : i32
    %c0_i32_0 = arith.constant 0 : i32
    %c0_i32_1 = arith.constant 0 : i32
    return %c0_i32, %c0_i32_0 : i32, i32
  }
  func.func @transform_2(%arg0: i32) -> (i32, i32) {
    %c0_i32 = arith.constant 0 : i32
    %c0_i32_0 = arith.constant 0 : i32
    %c0_i32_1 = arith.constant 0 : i32
    return %c0_i32, %c0_i32_0 : i32, i32
  }
  func.func @transform_3(%arg0: i32) -> (i32, i32) {
    %c0_i32 = arith.constant 0 : i32
    %c0_i32_0 = arith.constant 0 : i32
    %c0_i32_1 = arith.constant 0 : i32
    return %c0_i32, %c0_i32_0 : i32, i32
  }
  func.func @transform_4(%arg0: i32) -> (i32, i32) {
    %c0_i32 = arith.constant 0 : i32
    %c0_i32_0 = arith.constant 0 : i32
    %c0_i32_1 = arith.constant 0 : i32
    return %c0_i32, %c0_i32_0 : i32, i32
  }
  func.func @transform_5(%arg0: i32) -> (i32, i32) {
    %c0_i32 = arith.constant 0 : i32
    %c0_i32_0 = arith.constant 0 : i32
    return %arg0, %c0_i32 : i32, i32
  }
  func.func @transform_6(%arg0: i32) -> (i32, i32) {
    %c0_i32 = arith.constant 0 : i32
    %c0_i32_0 = arith.constant 0 : i32
    return %arg0, %c0_i32 : i32, i32
  }
}

</mosaic_0001>

<sc_bundles>
// kernel: kernel.21.cloned.1.call-start
scs
__scs_entry_jumppad:
0x0: {  	(pc) =	sbr.rel $0x88, $3  }
0x1: {  	(tag) =	ssettag $0x0;
	lr =	simm.s32 $0x1  }
0x2: {  	[smem:$0x3F7E] =	sst lr;
	_ =	strace $0xD0000000  }
0x3: {  	_ = 	snop  }
0x4: {  	_ = 	snop  }
0x5: {  	_ = 	snop  }
0x6: {  	_ = 	snop  }
0x7: {  	_ = 	snop  }
__scs_overlays_trampoline_lowered:
0x8: {  	[smem:$0x3F8D] =	sst s0  }
0x9: {  	[smem:$0x3F8E] =	sst s1  }
0xa: {  	[smem:$0x3F8F] =	sst s2  }
0xb: {  	[smem:$0x3F90] =	sst s3  }
0xc: {  	[smem:$0x3F91] =	sst s4  }
0xd: {  	[smem:$0x3F92] =	sst s5  }
0xe: {  	[smem:$0x3F93] =	sst s6  }
0xf: {  	[smem:$0x3F94] =	sst s7  }
0x10: {  	[smem:$0x3F95] =	sst s8  }
0x11: {  	[smem:$0x3F96] =	sst s9;
	s0 =	simm.s32 @!p0 $0x0  }
0x12: {  	s1 =	sld [smem:$0x3F7C];
	s0 =	simm.s32 @p0 $0x1  }
0x13: {  	[smem:$0x3F97] =	sst s0;
	s0 =	simm.s32 @!p1 $0x0  }
0x14: {  	s2 =	sld [smem:$0x3F7B];
	s0 =	simm.s32 @p1 $0x1  }
0x15: {  	[smem:$0x3F98] =	sst s0;
	s0 =	simm.s32 @!p2 $0x0  }
0x16: {  	s3 =	sld [smem:$0x3FDB];
	s0 =	simm.s32 @p2 $0x1  }
0x17: {  	s4 =	simm.s32 $0x1BF5;
	[smem:$0x3F9A] =	sst s0  }
0x18: {  	s0 =	sld [smem:$0x3F7D];
	_ =	swait.ge [sflag:s4], $0x0  }
0x19: {  	s7 =	sld [smem:$0x3F7E]  }
0x1a: {  	s8 =	sadd.s32 $0xFFFFE003, lr  }
0x1b: {  	s9 =	sadd.s32 $0xFFFFFEF7, lr;
	s5 =	simm.s32 $0xFFFFFFFF;
	p2 =	slt.u32 s8, $0xFFFFF086  }
0x1c: {  	p1 =	slt.u32 s9, $0xF7A;
	s5 =	simm.s32 @!p2 $0x0  }
0x1d: {  	s5 =	simm.s32 @p1 $0x1;
	p0 =	seq.s32 s7, s2  }
0x1e: {  	s7 =	smul.u32 @!p0 $0xF7A, s2;
	p2 =	seq.s32 @!p0 s5, $0x0  }
0x1f: {  	s9 =	smul.u32 $0xF7A, s1;
	s8 =	simm.s32 @!p0 $0x1BF5;
	p2 =	por !p2, p0  }
0x20: {  	[sflag:s8] =	ssyncset.s32 @!p0 $0xFFFFF086;
	s6 =	sadd.s32 @!p0 s3, s7;
	s7 =	simm.s32 @!p0 $0x108  }
0x21: {  	s3 =	sadd.s32 s3, s9;
	s6 =	sadd.s32 @!p0 $0x88, s6;
	s7 =	simm.s32 @p2 $0x1082  }
0x22: {  	[simem:s7], [sflag:s8] =	dma.local @!p0 [hbm:s6], $0xF7A  }
0x23: {  	s9 =	sor.u32 $0xD0000000, s2;
	s6 =	simm.s32 $0x108;
	_ =	swait.ge @!p0 [sflag:s8], $0x0  }
0x24: {  	s3 =	sadd.s32 $0x88, s3;
	s6 =	simm.s32 @!p1 $0x1082;
	[sflag:s4] =	ssyncset.s32 $0xFFFFF086  }
0x25: {  	[simem:s6], [sflag:s4] =	dma.local [hbm:s3], $0xF7A  }
0x26: {  	[smem:$0x3F7E] =	sst s1;
	(tag) =	ssettag s2;
	_ =	strace s9  }
0x27: {  	s1 =	sld [smem:$0x3F8E]  }
0x28: {  	s2 =	sld [smem:$0x3F8F]  }
0x29: {  	s4 =	sld [smem:$0x3F91]  }
0x2a: {  	p0 =	seq.s32 s5, $0x0;
	s5 =	sld [smem:$0x3F92]  }
0x2b: {  	s6 =	sld [smem:$0x3F93]  }
0x2c: {  	s7 =	sld [smem:$0x3F94]  }
0x2d: {  	s3 =	simm.s32 $0x108;
	s8 =	sld [smem:$0x3F95]  }
0x2e: {  	s3 =	simm.s32 @!p0 $0x1082;
	s9 =	sld [smem:$0x3F96]  }
0x2f: {  	lr =	sadd.s32 s0, s3;
	s0 =	sld [smem:$0x3F8D]  }
0x30: {  	s3 =	sld [smem:$0x3F90]  }
0x31: {  	[smem:$0x3F99] =	sst s10  }
0x32: {  	s10 =	sld [smem:$0x3F97];
	_ =	sdelay $0x3  }
0x33: {  	p0 =	seq.s32 s10, $0x1;
	s10 =	sld [smem:$0x3F99];
	_ =	sdelay $0x3  }
0x34: {  	[smem:$0x3F99] =	sst s10  }
0x35: {  	s10 =	sld [smem:$0x3F98];
	_ =	sdelay $0x3  }
0x36: {  	p1 =	seq.s32 s10, $0x1;
	s10 =	sld [smem:$0x3F99];
	_ =	sdelay $0x3  }
0x37: {  	[smem:$0x3F99] =	sst s10  }
0x38: {  	s10 =	sld [smem:$0x3F9A]  }
0x39: {  	_ = 	snop;
	(pc) =	sbr.ind lr, $3  }
0x3a: {  	_ = 	snop  }
0x3b: {  	_ = 	snop  }
0x3c: {  	p2 =	seq.s32 s10, $0x1;
	s10 =	sld [smem:$0x3F99]  }
0x3d: {  	_ =	shalt  }
0x3e: {  	_ =	shalt  }
0x3f: {  	_ =	shalt  }
0x40: {  	_ =	shalt  }
0x41: {  	_ =	shalt  }
0x42: {  	_ =	shalt  }
0x43: {  	_ =	shalt  }
0x44: {  	_ =	shalt  }
0x45: {  	_ =	shalt  }
0x46: {  	_ =	shalt  }
0x47: {  	_ =	shalt  }
0x48: {  	_ =	shalt  }
0x49: {  	_ =	shalt  }
0x4a: {  	_ =	shalt  }
0x4b: {  	_ =	shalt  }
0x4c: {  	_ =	shalt  }
0x4d: {  	_ =	shalt  }
0x4e: {  	_ =	shalt  }
0x4f: {  	_ =	shalt  }
0x50: {  	_ =	shalt  }
0x51: {  	_ =	shalt  }
0x52: {  	_ =	shalt  }
0x53: {  	_ =	shalt  }
0x54: {  	_ =	shalt  }
0x55: {  	_ =	shalt  }
0x56: {  	_ =	shalt  }
0x57: {  	_ =	shalt  }
0x58: {  	_ =	shalt  }
0x59: {  	_ =	shalt  }
0x5a: {  	_ =	shalt  }
0x5b: {  	_ =	shalt  }
0x5c: {  	_ =	shalt  }
0x5d: {  	_ =	shalt  }
0x5e: {  	_ =	shalt  }
0x5f: {  	_ =	shalt  }
0x60: {  	_ =	shalt  }
0x61: {  	_ =	shalt  }
0x62: {  	_ =	shalt  }
0x63: {  	_ =	shalt  }
0x64: {  	_ =	shalt  }
0x65: {  	_ =	shalt  }
0x66: {  	_ =	shalt  }
0x67: {  	_ =	shalt  }
0x68: {  	_ =	shalt  }
0x69: {  	_ =	shalt  }
0x6a: {  	_ =	shalt  }
0x6b: {  	_ =	shalt  }
0x6c: {  	_ =	shalt  }
0x6d: {  	_ =	shalt  }
0x6e: {  	_ =	shalt  }
0x6f: {  	_ =	shalt  }
0x70: {  	_ =	shalt  }
0x71: {  	_ =	shalt  }
0x72: {  	_ =	shalt  }
0x73: {  	_ =	shalt  }
0x74: {  	_ =	shalt  }
0x75: {  	_ =	shalt  }
0x76: {  	_ =	shalt  }
0x77: {  	_ =	shalt  }
0x78: {  	_ =	shalt  }
0x79: {  	_ =	shalt  }
0x7a: {  	_ =	shalt  }
0x7b: {  	_ =	shalt  }
0x7c: {  	_ =	shalt  }
0x7d: {  	_ =	shalt  }
0x7e: {  	_ =	shalt  }
0x7f: {  	_ =	shalt  }
0x80: {  	_ =	shalt  }
0x81: {  	_ =	shalt  }
0x82: {  	_ =	shalt  }
0x83: {  	_ =	shalt  }
0x84: {  	_ =	shalt  }
0x85: {  	_ =	shalt  }
0x86: {  	_ =	shalt  }
0x87: {  	_ =	shalt  }
.Lfunc_end0:
.L_simem_size_0:
called_computation_lowered:
.L_overlay_start_0:
0x88: {  	s2 =	sld [smem:$0x3FD9]  }
0x89: {  	s3 =	sld [smem:$0x3FFE];
	_ =	sdelay $0x1  }
0x8a: {  	s1 =	srdreg.scid  }
0x8b: {  	s0 =	sand.u32 $0x1, s1  }
0x8c: {  	s14 =	sshll.u32 s0, $0xA;
	s2 =	sadd.s32 s3, s2  }
0x8d: {  	s2 =	sadd.s32 s2, s14  }
0x8e: {  	[smem:$0x3FA5] =	sst s2  }
0x8f: {  	_ = 	snop  }
0x90: {  	s2 =	sld [smem:$0x3FD0];
	_ =	sdelay $0x2  }
0x91: {  	s15 =	simm.s32 $0xA;
	s4 =	simm.s32 $0x10  }
0x92: {  	[smem:s4], [sflag:s15] =	dma.local [hbm:s2], $0x1  }
0x93: {  	_ =	swait.eq [sflag:s15], $0x1  }
0x94: {  	[sflag:s15] =	ssyncset.done $0x0  }
0x95: {  	s16 =	sld [smem:$0x10];
	[sflag:s15] =	ssyncadd.s32 $0xFFFFFFFF  }
0x96: {  	s17 =	sld [smem:$0x16];
	(tm) =	ssettm $0x1  }
0x97: {  	s18 =	sld [smem:$0x3FFB];
	_ =	sdelay $0x3  }
0x98: {  	_ =	strace s18  }
0x99: {  	s4 =	sld [smem:$0x3FFC];
	_ =	sdelay $0x3  }
0x9a: {  	_ =	strace s4  }
0x9b: {  	s4 =	sld [smem:$0x3FFD];
	_ =	sdelay $0x3  }
0x9c: {  	_ =	strace s4  }
0x9d: {  	_ =	strace $0x8FFFFFFF  }
0x9e: {  	s19 =	sld [smem:$0x3FDB];
	_ =	sdelay $0x1  }
0x9f: {  	s5 =	simm.s32 $_scs_section_size  }
0xa0: {  	s6 =	simm.s32 $_size__tile_overlayer_lowered;
	s7 =	simm.s32 $_tile_overlayer_lowered  }
0xa1: {  	s22 =	simm.s32 $0x1BFF;
	s21 =	sshll.u32 s7, $0x1;
	s4 =	sadd.s32 s5, s19  }
0xa2: {  	s8 =	simm.s32 $0x0;
	s20 =	sshll.u32 s6, $0x1;
	s6 =	sadd.s32 s21, s4  }
0xa3: {  	[timem:s8], [sflag:s22] =	dma.local [hbm:s6], s20  }
0xa4: {  	_ =	swait.ge [sflag:s22], s20  }
0xa5: {  	s5 =	ssub.s32 $0x0, s20;
	[sflag:s22] =	ssyncset.done $0x0  }
0xa6: {  	[sflag:s22] =	ssyncadd.s32 s5;
	_ =	sdelay $0x1  }
0xa7: {  	s23 =	simm.s32 $0x1B8B  }
0xa8: {  	_ =	swait.ge [sflag:s23], $0x1  }
0xa9: {  	[sflag:s23] =	ssyncset.done $0x0  }
0xaa: {  	s25 =	simm.s32 $0x1B8E;
	s24 =	sld [smem:$0x3FFE];
	[sflag:s23] =	ssyncadd.s32 $0xFFFFFFFF  }
0xab: {  	s26 =	simm.s32 $execute0_lowered;
	[smem:$0x3FD2] =	sst s25  }
0xac: {  	s6 =	sshll.u32 s26, $0x1;
	_ =	strace $0x80000046;
	[dreg:$0x1] =	wrdreg $0xFFFFFFFF  }
0xad: {  	s28 =	simm.s32 $_size_execute0_lowered;
	s4 =	sadd.s32 s4, s6;
	[dreg:$0x0] =	wrdreg $0x0  }
0xae: {  	s6 =	sshll.u32 s28, $0x1;
	[dreg:$0x2] =	wrdreg s4  }
0xaf: {  	[dreg:$0x3] =	wrdreg s6  }
0xb0: {  	[dreg:$0x4] =	wrdreg $0xC0  }
0xb1: {  	_ =	task [dreg:s8], $0x5FFFF  }
0xb2: {  	[dreg:$0x1] =	wrdreg $0xFFFFFFFF  }
0xb3: {  	[dreg:$0x0] =	wrdreg $0x60  }
0xb4: {  	[dreg:$0x2] =	wrdreg s17  }
0xb5: {  	[dreg:$0x3] =	wrdreg s16  }
0xb6: {  	[dreg:$0x4] =	wrdreg s24  }
0xb7: {  	[dreg:$0x5] =	wrdreg $0x9  }
0xb8: {  	_ =	task.clear_ibuf [dreg:s8], $0x6FFFF;
	_ =	strace $0x90000046  }
0xb9: {  	s29 =	simm.s32 $0x9;
	_ =	strace $0x80000048  }
0xba: {  	_ =	swait.ge [sflag:s29], $0x1  }
0xbb: {  	[sflag:s29] =	ssyncadd.s32 $0xFFFFFFFF  }
0xbc: {  	_ =	strace $0x90000048  }
0xbd: {  	_ =	sfence  }
0xbe: {  	s30 =	sld [smem:$0x0];
	_ =	sdelay $0x2  }
0xbf: {  	s31 =	sshll.u32 s1, $0xD;
	s1 =	sshrl.u32 s1, $0x2  }
0xc0: {  	s3 =	sand.u32 $0x4000, s31;
	s1 =	sadd.s32 s1, s30  }
0xc1: {  	s0 =	sor.u32 s3, s0;
	s1 =	sshll.u32 s1, $0x11  }
0xc2: {  	s0 =	sor.u32 s1, s0  }
0xc3: {  	s0 =	sadd.s32 $0x8F2B, s0  }
0xc4: {  	[sflag:s0] =	ssyncadd.remote.s32 $0x1  }
0xc5: {  	_ =	sfence.sel $0xFFFF  }
0xc6: {  	[dreg:$0x0] =	wrdreg $0xFFFFFFFF;
	(pc) =	sbr.abs _section_cstart, $3  }
0xc7: {  	[dreg:$0x1] =	wrdreg $0xFFFFFFFF  }
0xc8: {  	_ =	task.clear_ibuf [dreg:s8], $0x2FFFF;
	_ =	strace $0x9FFFFFFF  }
0xc9: {  	(tm) =	ssettm $0x7FFFFFFF  }
tec
execute0_lowered:
.L_overlay_start_1:
0x0: {  	(tag) =	ssettag $0x1  }
0x1: {  	s4 =	rddreg [dreg:$0x0]  }
0x2: {  	s2 =	rddreg [dreg:$0x1]  }
0x3: {  	s5 =	rddreg [dreg:$0x2]  }
0x4: {  	s1 =	stileid.u32;
	s3 =	srdreg.scid  }
0x5: {  	s0 =	rddreg [dreg:$0x3];
	s11 =	simm.s32 $0x0;
	s6 =	sand.u32 $0x1, s3  }
0x6: {  	s7 =	sshll.u32 s1, $0x1;
	s3 =	simm.s32 $0x0;
	s8 =	smul.u32 $0x14000, s1  }
0x7: {  	s7 =	sor.u32 s6, s7;
	s9 =	ssub.s32 $0x2, s6;
	s6 =	smul.u32 $0xA000, s6  }
0x8: {  	[smem:$0x7FF] =	sst s3;
	s7 =	smul.u32 $0xA00, s7;
	s10 =	sshrl.u32 s9, $0x1  }
0x9: {  	_ =	strace $0x80000047;
	s8 =	sadd.s32 s8, s5;
	s31 =	ssub.s32 s9, s10  }
0xa: {  	s6 =	sadd.s32 s6, s8;
	s8 =	simm.s32 $0x28;
	s9 =	simm.s32 $0xA00  }
0xb: {  	s10 =	simm.s32 $0x1;
	s7 =	sshrl.u32 s7, $0x3;
	s5 =	smax.u32 s31, $0x1  }
0xc: {  	s6 =	sadd.s32 $0x6A00, s6;
	s4 =	sadd.s32 s4, s7;
	s7 =	simm.s32 $0x2  }
.LBB2_1:
0xd: {  	[tilespmem:s3], [sflag:$0x2] =	stream.linear.gather [hbm4b:s4+s3], $0xA00, $0x38;
	[tilespmem:$0x1E00] =	vst v63  }
0xe: {  	_ =	swait.ge [sflag:s7], $0xA00  }
0xf: {  	[sflag:s7] =	ssyncset.done $0x0  }
0x10: {  	s12 =	simm.s32 $0x0;
	[sflag:s7] =	ssyncadd.s32 $0xFFFFF600  }
0x11: {  	[tilespmem:s9], [sflag:$0x1] =	stream.indirect.gather [hbm4b:s2+s8], $0x80, s12, s8, $0xb8;
	[tilespmem:$0x1E00] =	vst v63  }
0x12: {  	_ =	swait.ge [sflag:s10], $0x1400  }
0x13: {  	[sflag:s10] =	ssyncset.done $0x0  }
0x14: {  	[sflag:s10] =	ssyncadd.s32 $0xFFFFEC00  }
0x15: {  	[hbm4b:s6+s3] =	stream.linear.scatter [tilespmem:s9], [sflag:$0x2], $0x1400, $0x38;
	[tilespmem:$0x1E00] =	vst v63  }
0x16: {  	s13 =	simm.s32 $0xA0;
	_ =	swait.ge [sflag:s7], $0x1400  }
0x17: {  	s14 =	simm.s32 $0x140;
	s12 =	sadd.s32 $0x280, s6;
	[sflag:s7] =	ssyncset.done $0x0  }
.LBB2_2:
0x18: {  	s15 =	sshra.s32 s13, $0x2  }
0x19: {  	[sflag:s7] =	ssyncadd.s32 $0xFFFFEC00;
	s13 =	smov.u32 s14;
	s16 =	sadd.s32 $0xA0, s14  }
0x1a: {  	[tilespmem:s9], [sflag:$0x1] =	stream.indirect.gather [hbm4b:s2+s8], $0x80, s15, s8, $0xb8;
	[tilespmem:$0x1E00] =	vst v63  }
0x1b: {  	p0 =	sne.s32 s14, $0x2760;
	_ =	swait.ge [sflag:s10], $0x1400  }
.Ltmp0:
0x1c: {  	[sflag:s10] =	ssyncset.done $0x0;
	(pc) =	sbr.rel @p0 .LBB2_2-.Ltmp0, $4  }
0x1d: {  	[sflag:s10] =	ssyncadd.s32 $0xFFFFEC00  }
0x1e: {  	[hbm4b:s12+s3] =	stream.linear.scatter [tilespmem:s9], [sflag:$0x2], $0x1400, $0x38;
	[tilespmem:$0x1E00] =	vst v63  }
0x1f: {  	_ =	swait.ge [sflag:s7], $0x1400  }
0x20: {  	s14 =	smov.u32 s16;
	s12 =	sadd.s32 $0x280, s12;
	[sflag:s7] =	ssyncset.done $0x0  }
0x21: {  	s13 =	sshra.s32 s13, $0x2;
	[sflag:s7] =	ssyncadd.s32 $0xFFFFEC00  }
0x22: {  	[tilespmem:s9], [sflag:$0x1] =	stream.indirect.gather [hbm4b:s2+s8], $0x80, s13, s8, $0xb8;
	[tilespmem:$0x1E00] =	vst v63  }
0x23: {  	s11 =	sadd.s32 $0x1, s11;
	_ =	swait.ge [sflag:s10], $0x1400  }
0x24: {  	p0 =	sne.s32 s11, s5;
	[sflag:s10] =	ssyncset.done $0x0  }
.Ltmp1:
0x25: {  	[sflag:s10] =	ssyncadd.s32 $0xFFFFEC00;
	(pc) =	sbr.rel @p0 .LBB2_1-.Ltmp1, $4  }
0x26: {  	[hbm4b:s12+s3] =	stream.linear.scatter [tilespmem:s9], [sflag:$0x2], $0x1400, $0x38;
	[tilespmem:$0x1E00] =	vst v63  }
0x27: {  	_ =	swait.ge [sflag:s7], $0x1400  }
0x28: {  	[sflag:s7] =	ssyncset.done $0x0  }
0x29: {  	[sflag:s7] =	ssyncadd.s32 $0xFFFFEC00  }
0x2a: {  	_ =	sfence.sel $0x180000  }
0x2b: {  	[bflag:$0x0] =	sbarrier.arrive $0xFFFF  }
0x2c: {  	p0 =	sne.s32 s1, $0x0;
	_ =	strace $0x90000047  }
0x2d: {  	s0 =	sadd.s32 @!p0 $0x100000, s0;
	[bflag:$0x2] =	sbarrier.arrive $0xFFFF  }
0x2e: {  	[sflag:s0] =	ssyncadd.tile.s32 @!p0 $0x1;
	_ =	shalt  }
.Lfunc_end2:
_tile_overlayer_lowered:
.L_overlay_start_2:
0x2f: {  	(tag) =	ssettag $0x2  }
0x30: {  	s0 =	rddreg [dreg:$0x0];
	s2 =	stileid.u32  }
0x31: {  	s1 =	rddreg [dreg:$0x1];
	p0 =	sne.s32 s2, $0x0  }
0x32: {  	s3 =	rddreg [dreg:$0x2];
	[bflag:$0x3] =	sbarrier.arrive $0xFFFF;
	s2 =	simm.s32 @!p0 $0x1C02  }
0x33: {  	[timem:s3], [sflag:s2] =	dma.local @!p0 [hbm:s0], s1  }
0x34: {  	s0 =	simm.s32 @!p0 $0x2  }
0x35: {  	_ =	swait.ge @!p0 [sflag:s0], s1  }
0x36: {  	s1 =	ssub.s32 @!p0 $0x0, s1;
	[sflag:s0] =	ssyncset.done @!p0 $0x0  }
0x37: {  	[sflag:s0] =	ssyncadd.s32 @!p0 s1  }
0x38: {  	[bflag:$0x3] =	sbarrier.arrive $0xFFFF  }
0x39: {  	_ =	shalt  }

// kernel: kernel.24.cloned.1.call-start
scs
__scs_entry_jumppad:
0x0: {  	(pc) =	sbr.rel $0x88, $3  }
0x1: {  	(tag) =	ssettag $0x0;
	lr =	simm.s32 $0x1  }
0x2: {  	[smem:$0x3F7E] =	sst lr;
	_ =	strace $0xD0000000  }
0x3: {  	_ = 	snop  }
0x4: {  	_ = 	snop  }
0x5: {  	_ = 	snop  }
0x6: {  	_ = 	snop  }
0x7: {  	_ = 	snop  }
__scs_overlays_trampoline_lowered:
0x8: {  	[smem:$0x3F8D] =	sst s0  }
0x9: {  	[smem:$0x3F8E] =	sst s1  }
0xa: {  	[smem:$0x3F8F] =	sst s2  }
0xb: {  	[smem:$0x3F90] =	sst s3  }
0xc: {  	[smem:$0x3F91] =	sst s4  }
0xd: {  	[smem:$0x3F92] =	sst s5  }
0xe: {  	[smem:$0x3F93] =	sst s6  }
0xf: {  	[smem:$0x3F94] =	sst s7  }
0x10: {  	[smem:$0x3F95] =	sst s8  }
0x11: {  	[smem:$0x3F96] =	sst s9;
	s0 =	simm.s32 @!p0 $0x0  }
0x12: {  	s1 =	sld [smem:$0x3F7C];
	s0 =	simm.s32 @p0 $0x1  }
0x13: {  	[smem:$0x3F97] =	sst s0;
	s0 =	simm.s32 @!p1 $0x0  }
0x14: {  	s2 =	sld [smem:$0x3F7B];
	s0 =	simm.s32 @p1 $0x1  }
0x15: {  	[smem:$0x3F98] =	sst s0;
	s0 =	simm.s32 @!p2 $0x0  }
0x16: {  	s3 =	sld [smem:$0x3FDB];
	s0 =	simm.s32 @p2 $0x1  }
0x17: {  	s4 =	simm.s32 $0x1BF5;
	[smem:$0x3F9A] =	sst s0  }
0x18: {  	s0 =	sld [smem:$0x3F7D];
	_ =	swait.ge [sflag:s4], $0x0  }
0x19: {  	s7 =	sld [smem:$0x3F7E]  }
0x1a: {  	s8 =	sadd.s32 $0xFFFFE003, lr  }
0x1b: {  	s9 =	sadd.s32 $0xFFFFFEF7, lr;
	s5 =	simm.s32 $0xFFFFFFFF;
	p2 =	slt.u32 s8, $0xFFFFF086  }
0x1c: {  	p1 =	slt.u32 s9, $0xF7A;
	s5 =	simm.s32 @!p2 $0x0  }
0x1d: {  	s5 =	simm.s32 @p1 $0x1;
	p0 =	seq.s32 s7, s2  }
0x1e: {  	s7 =	smul.u32 @!p0 $0xF7A, s2;
	p2 =	seq.s32 @!p0 s5, $0x0  }
0x1f: {  	s9 =	smul.u32 $0xF7A, s1;
	s8 =	simm.s32 @!p0 $0x1BF5;
	p2 =	por !p2, p0  }
0x20: {  	[sflag:s8] =	ssyncset.s32 @!p0 $0xFFFFF086;
	s6 =	sadd.s32 @!p0 s3, s7;
	s7 =	simm.s32 @!p0 $0x108  }
0x21: {  	s3 =	sadd.s32 s3, s9;
	s6 =	sadd.s32 @!p0 $0x88, s6;
	s7 =	simm.s32 @p2 $0x1082  }
0x22: {  	[simem:s7], [sflag:s8] =	dma.local @!p0 [hbm:s6], $0xF7A  }
0x23: {  	s9 =	sor.u32 $0xD0000000, s2;
	s6 =	simm.s32 $0x108;
	_ =	swait.ge @!p0 [sflag:s8], $0x0  }
0x24: {  	s3 =	sadd.s32 $0x88, s3;
	s6 =	simm.s32 @!p1 $0x1082;
	[sflag:s4] =	ssyncset.s32 $0xFFFFF086  }
0x25: {  	[simem:s6], [sflag:s4] =	dma.local [hbm:s3], $0xF7A  }
0x26: {  	[smem:$0x3F7E] =	sst s1;
	(tag) =	ssettag s2;
	_ =	strace s9  }
0x27: {  	s1 =	sld [smem:$0x3F8E]  }
0x28: {  	s2 =	sld [smem:$0x3F8F]  }
0x29: {  	s4 =	sld [smem:$0x3F91]  }
0x2a: {  	p0 =	seq.s32 s5, $0x0;
	s5 =	sld [smem:$0x3F92]  }
0x2b: {  	s6 =	sld [smem:$0x3F93]  }
0x2c: {  	s7 =	sld [smem:$0x3F94]  }
0x2d: {  	s3 =	simm.s32 $0x108;
	s8 =	sld [smem:$0x3F95]  }
0x2e: {  	s3 =	simm.s32 @!p0 $0x1082;
	s9 =	sld [smem:$0x3F96]  }
0x2f: {  	lr =	sadd.s32 s0, s3;
	s0 =	sld [smem:$0x3F8D]  }
0x30: {  	s3 =	sld [smem:$0x3F90]  }
0x31: {  	[smem:$0x3F99] =	sst s10  }
0x32: {  	s10 =	sld [smem:$0x3F97];
	_ =	sdelay $0x3  }
0x33: {  	p0 =	seq.s32 s10, $0x1;
	s10 =	sld [smem:$0x3F99];
	_ =	sdelay $0x3  }
0x34: {  	[smem:$0x3F99] =	sst s10  }
0x35: {  	s10 =	sld [smem:$0x3F98];
	_ =	sdelay $0x3  }
0x36: {  	p1 =	seq.s32 s10, $0x1;
	s10 =	sld [smem:$0x3F99];
	_ =	sdelay $0x3  }
0x37: {  	[smem:$0x3F99] =	sst s10  }
0x38: {  	s10 =	sld [smem:$0x3F9A]  }
0x39: {  	_ = 	snop;
	(pc) =	sbr.ind lr, $3  }
0x3a: {  	_ = 	snop  }
0x3b: {  	_ = 	snop  }
0x3c: {  	p2 =	seq.s32 s10, $0x1;
	s10 =	sld [smem:$0x3F99]  }
0x3d: {  	_ =	shalt  }
0x3e: {  	_ =	shalt  }
0x3f: {  	_ =	shalt  }
0x40: {  	_ =	shalt  }
0x41: {  	_ =	shalt  }
0x42: {  	_ =	shalt  }
0x43: {  	_ =	shalt  }
0x44: {  	_ =	shalt  }
0x45: {  	_ =	shalt  }
0x46: {  	_ =	shalt  }
0x47: {  	_ =	shalt  }
0x48: {  	_ =	shalt  }
0x49: {  	_ =	shalt  }
0x4a: {  	_ =	shalt  }
0x4b: {  	_ =	shalt  }
0x4c: {  	_ =	shalt  }
0x4d: {  	_ =	shalt  }
0x4e: {  	_ =	shalt  }
0x4f: {  	_ =	shalt  }
0x50: {  	_ =	shalt  }
0x51: {  	_ =	shalt  }
0x52: {  	_ =	shalt  }
0x53: {  	_ =	shalt  }
0x54: {  	_ =	shalt  }
0x55: {  	_ =	shalt  }
0x56: {  	_ =	shalt  }
0x57: {  	_ =	shalt  }
0x58: {  	_ =	shalt  }
0x59: {  	_ =	shalt  }
0x5a: {  	_ =	shalt  }
0x5b: {  	_ =	shalt  }
0x5c: {  	_ =	shalt  }
0x5d: {  	_ =	shalt  }
0x5e: {  	_ =	shalt  }
0x5f: {  	_ =	shalt  }
0x60: {  	_ =	shalt  }
0x61: {  	_ =	shalt  }
0x62: {  	_ =	shalt  }
0x63: {  	_ =	shalt  }
0x64: {  	_ =	shalt  }
0x65: {  	_ =	shalt  }
0x66: {  	_ =	shalt  }
0x67: {  	_ =	shalt  }
0x68: {  	_ =	shalt  }
0x69: {  	_ =	shalt  }
0x6a: {  	_ =	shalt  }
0x6b: {  	_ =	shalt  }
0x6c: {  	_ =	shalt  }
0x6d: {  	_ =	shalt  }
0x6e: {  	_ =	shalt  }
0x6f: {  	_ =	shalt  }
0x70: {  	_ =	shalt  }
0x71: {  	_ =	shalt  }
0x72: {  	_ =	shalt  }
0x73: {  	_ =	shalt  }
0x74: {  	_ =	shalt  }
0x75: {  	_ =	shalt  }
0x76: {  	_ =	shalt  }
0x77: {  	_ =	shalt  }
0x78: {  	_ =	shalt  }
0x79: {  	_ =	shalt  }
0x7a: {  	_ =	shalt  }
0x7b: {  	_ =	shalt  }
0x7c: {  	_ =	shalt  }
0x7d: {  	_ =	shalt  }
0x7e: {  	_ =	shalt  }
0x7f: {  	_ =	shalt  }
0x80: {  	_ =	shalt  }
0x81: {  	_ =	shalt  }
0x82: {  	_ =	shalt  }
0x83: {  	_ =	shalt  }
0x84: {  	_ =	shalt  }
0x85: {  	_ =	shalt  }
0x86: {  	_ =	shalt  }
0x87: {  	_ =	shalt  }
.Lfunc_end0:
.L_simem_size_0:
called_computation.1_lowered:
.L_overlay_start_0:
0x88: {  	s2 =	sld [smem:$0x3FD9]  }
0x89: {  	s3 =	sld [smem:$0x3FFE];
	_ =	sdelay $0x1  }
0x8a: {  	s1 =	srdreg.scid  }
0x8b: {  	s0 =	sand.u32 $0x1, s1  }
0x8c: {  	s14 =	sshll.u32 s0, $0xA;
	s2 =	sadd.s32 s3, s2  }
0x8d: {  	s2 =	sadd.s32 s2, s14  }
0x8e: {  	[smem:$0x3FA5] =	sst s2  }
0x8f: {  	_ = 	snop  }
0x90: {  	s2 =	sld [smem:$0x3FD0];
	_ =	sdelay $0x2  }
0x91: {  	s15 =	simm.s32 $0xA;
	s4 =	simm.s32 $0x10  }
0x92: {  	[smem:s4], [sflag:s15] =	dma.local [hbm:s2], $0x1  }
0x93: {  	_ =	swait.eq [sflag:s15], $0x1  }
0x94: {  	[sflag:s15] =	ssyncset.done $0x0  }
0x95: {  	s16 =	sld [smem:$0x10];
	[sflag:s15] =	ssyncadd.s32 $0xFFFFFFFF  }
0x96: {  	s17 =	sld [smem:$0x16];
	(tm) =	ssettm $0x1  }
0x97: {  	s18 =	sld [smem:$0x3FFB];
	_ =	sdelay $0x3  }
0x98: {  	_ =	strace s18  }
0x99: {  	s4 =	sld [smem:$0x3FFC];
	_ =	sdelay $0x3  }
0x9a: {  	_ =	strace s4  }
0x9b: {  	s4 =	sld [smem:$0x3FFD];
	_ =	sdelay $0x3  }
0x9c: {  	_ =	strace s4  }
0x9d: {  	_ =	strace $0x8FFFFFFF  }
0x9e: {  	s19 =	sld [smem:$0x3FDB];
	_ =	sdelay $0x1  }
0x9f: {  	s5 =	simm.s32 $_scs_section_size  }
0xa0: {  	s6 =	simm.s32 $_size__tile_overlayer_lowered;
	s7 =	simm.s32 $_tile_overlayer_lowered  }
0xa1: {  	s22 =	simm.s32 $0x1BFF;
	s21 =	sshll.u32 s7, $0x1;
	s4 =	sadd.s32 s5, s19  }
0xa2: {  	s8 =	simm.s32 $0x0;
	s20 =	sshll.u32 s6, $0x1;
	s6 =	sadd.s32 s21, s4  }
0xa3: {  	[timem:s8], [sflag:s22] =	dma.local [hbm:s6], s20  }
0xa4: {  	_ =	swait.ge [sflag:s22], s20  }
0xa5: {  	s5 =	ssub.s32 $0x0, s20;
	[sflag:s22] =	ssyncset.done $0x0  }
0xa6: {  	[sflag:s22] =	ssyncadd.s32 s5;
	_ =	sdelay $0x1  }
0xa7: {  	s23 =	simm.s32 $0x1B8B  }
0xa8: {  	_ =	swait.ge [sflag:s23], $0x1  }
0xa9: {  	[sflag:s23] =	ssyncset.done $0x0  }
0xaa: {  	s25 =	simm.s32 $0x1B8E;
	s24 =	sld [smem:$0x3FFE];
	[sflag:s23] =	ssyncadd.s32 $0xFFFFFFFF  }
0xab: {  	s26 =	simm.s32 $execute0_lowered;
	[smem:$0x3FD2] =	sst s25  }
0xac: {  	s6 =	sshll.u32 s26, $0x1;
	_ =	strace $0x80000049;
	[dreg:$0x1] =	wrdreg $0xFFFFFFFF  }
0xad: {  	s28 =	simm.s32 $_size_execute0_lowered;
	s4 =	sadd.s32 s4, s6;
	[dreg:$0x0] =	wrdreg $0x0  }
0xae: {  	s6 =	sshll.u32 s28, $0x1;
	[dreg:$0x2] =	wrdreg s4  }
0xaf: {  	[dreg:$0x3] =	wrdreg s6  }
0xb0: {  	[dreg:$0x4] =	wrdreg $0xC0  }
0xb1: {  	_ =	task [dreg:s8], $0x5FFFF  }
0xb2: {  	[dreg:$0x1] =	wrdreg $0xFFFFFFFF  }
0xb3: {  	[dreg:$0x0] =	wrdreg $0x60  }
0xb4: {  	[dreg:$0x2] =	wrdreg s17  }
0xb5: {  	[dreg:$0x3] =	wrdreg s16  }
0xb6: {  	[dreg:$0x4] =	wrdreg s24  }
0xb7: {  	[dreg:$0x5] =	wrdreg $0x9  }
0xb8: {  	_ =	task.clear_ibuf [dreg:s8], $0x6FFFF;
	_ =	strace $0x90000049  }
0xb9: {  	s29 =	simm.s32 $0x9;
	_ =	strace $0x8000004B  }
0xba: {  	_ =	swait.ge [sflag:s29], $0x1  }
0xbb: {  	[sflag:s29] =	ssyncadd.s32 $0xFFFFFFFF  }
0xbc: {  	_ =	strace $0x9000004B  }
0xbd: {  	_ =	sfence  }
0xbe: {  	s30 =	sld [smem:$0x0];
	_ =	sdelay $0x2  }
0xbf: {  	s31 =	sshll.u32 s1, $0xD;
	s1 =	sshrl.u32 s1, $0x2  }
0xc0: {  	s3 =	sand.u32 $0x4000, s31;
	s1 =	sadd.s32 s1, s30  }
0xc1: {  	s0 =	sor.u32 s3, s0;
	s1 =	sshll.u32 s1, $0x11  }
0xc2: {  	s0 =	sor.u32 s1, s0  }
0xc3: {  	s0 =	sadd.s32 $0x8F2B, s0  }
0xc4: {  	[sflag:s0] =	ssyncadd.remote.s32 $0x1  }
0xc5: {  	_ =	sfence.sel $0xFFFF  }
0xc6: {  	[dreg:$0x0] =	wrdreg $0xFFFFFFFF;
	(pc) =	sbr.abs _section_cstart, $3  }
0xc7: {  	[dreg:$0x1] =	wrdreg $0xFFFFFFFF  }
0xc8: {  	_ =	task.clear_ibuf [dreg:s8], $0x2FFFF;
	_ =	strace $0x9FFFFFFF  }
0xc9: {  	(tm) =	ssettm $0x7FFFFFFF  }
tec
execute0_lowered:
.L_overlay_start_1:
0x0: {  	(tag) =	ssettag $0x1  }
0x1: {  	s4 =	rddreg [dreg:$0x0]  }
0x2: {  	s2 =	rddreg [dreg:$0x1]  }
0x3: {  	s5 =	rddreg [dreg:$0x2]  }
0x4: {  	s1 =	stileid.u32;
	s3 =	srdreg.scid  }
0x5: {  	s0 =	rddreg [dreg:$0x3];
	s11 =	simm.s32 $0x0;
	s6 =	sand.u32 $0x1, s3  }
0x6: {  	s7 =	sshll.u32 s1, $0x1;
	s3 =	simm.s32 $0x0;
	s8 =	smul.u32 $0x14000, s1  }
0x7: {  	s7 =	sor.u32 s6, s7;
	s9 =	ssub.s32 $0x2, s6;
	s6 =	smul.u32 $0xA000, s6  }
0x8: {  	[smem:$0x7FF] =	sst s3;
	s7 =	smul.u32 $0xA00, s7;
	s10 =	sshrl.u32 s9, $0x1  }
0x9: {  	_ =	strace $0x8000004A;
	s8 =	sadd.s32 s8, s5;
	s31 =	ssub.s32 s9, s10  }
0xa: {  	s6 =	sadd.s32 s6, s8;
	s8 =	simm.s32 $0x28;
	s9 =	simm.s32 $0xA00  }
0xb: {  	s10 =	simm.s32 $0x1;
	s7 =	sshrl.u32 s7, $0x3;
	s5 =	smax.u32 s31, $0x1  }
0xc: {  	s6 =	sadd.s32 $0x6A00, s6;
	s4 =	sadd.s32 s4, s7;
	s7 =	simm.s32 $0x2  }
.LBB2_1:
0xd: {  	[tilespmem:s3], [sflag:$0x2] =	stream.linear.gather [hbm4b:s4+s3], $0xA00, $0x38;
	[tilespmem:$0x1E00] =	vst v63  }
0xe: {  	_ =	swait.ge [sflag:s7], $0xA00  }
0xf: {  	[sflag:s7] =	ssyncset.done $0x0  }
0x10: {  	s12 =	simm.s32 $0x0;
	[sflag:s7] =	ssyncadd.s32 $0xFFFFF600  }
0x11: {  	[tilespmem:s9], [sflag:$0x1] =	stream.indirect.gather [hbm4b:s2+s8], $0x80, s12, s8, $0xb8;
	[tilespmem:$0x1E00] =	vst v63  }
0x12: {  	_ =	swait.ge [sflag:s10], $0x1400  }
0x13: {  	[sflag:s10] =	ssyncset.done $0x0  }
0x14: {  	[sflag:s10] =	ssyncadd.s32 $0xFFFFEC00  }
0x15: {  	[hbm4b:s6+s3] =	stream.linear.scatter [tilespmem:s9], [sflag:$0x2], $0x1400, $0x38;
	[tilespmem:$0x1E00] =	vst v63  }
0x16: {  	s13 =	simm.s32 $0xA0;
	_ =	swait.ge [sflag:s7], $0x1400  }
0x17: {  	s14 =	simm.s32 $0x140;
	s12 =	sadd.s32 $0x280, s6;
	[sflag:s7] =	ssyncset.done $0x0  }
.LBB2_2:
0x18: {  	s15 =	sshra.s32 s13, $0x2  }
0x19: {  	[sflag:s7] =	ssyncadd.s32 $0xFFFFEC00;
	s13 =	smov.u32 s14;
	s16 =	sadd.s32 $0xA0, s14  }
0x1a: {  	[tilespmem:s9], [sflag:$0x1] =	stream.indirect.gather [hbm4b:s2+s8], $0x80, s15, s8, $0xb8;
	[tilespmem:$0x1E00] =	vst v63  }
0x1b: {  	p0 =	sne.s32 s14, $0x2760;
	_ =	swait.ge [sflag:s10], $0x1400  }
.Ltmp0:
0x1c: {  	[sflag:s10] =	ssyncset.done $0x0;
	(pc) =	sbr.rel @p0 .LBB2_2-.Ltmp0, $4  }
0x1d: {  	[sflag:s10] =	ssyncadd.s32 $0xFFFFEC00  }
0x1e: {  	[hbm4b:s12+s3] =	stream.linear.scatter [tilespmem:s9], [sflag:$0x2], $0x1400, $0x38;
	[tilespmem:$0x1E00] =	vst v63  }
0x1f: {  	_ =	swait.ge [sflag:s7], $0x1400  }
0x20: {  	s14 =	smov.u32 s16;
	s12 =	sadd.s32 $0x280, s12;
	[sflag:s7] =	ssyncset.done $0x0  }
0x21: {  	s13 =	sshra.s32 s13, $0x2;
	[sflag:s7] =	ssyncadd.s32 $0xFFFFEC00  }
0x22: {  	[tilespmem:s9], [sflag:$0x1] =	stream.indirect.gather [hbm4b:s2+s8], $0x80, s13, s8, $0xb8;
	[tilespmem:$0x1E00] =	vst v63  }
0x23: {  	s11 =	sadd.s32 $0x1, s11;
	_ =	swait.ge [sflag:s10], $0x1400  }
0x24: {  	p0 =	sne.s32 s11, s5;
	[sflag:s10] =	ssyncset.done $0x0  }
.Ltmp1:
0x25: {  	[sflag:s10] =	ssyncadd.s32 $0xFFFFEC00;
	(pc) =	sbr.rel @p0 .LBB2_1-.Ltmp1, $4  }
0x26: {  	[hbm4b:s12+s3] =	stream.linear.scatter [tilespmem:s9], [sflag:$0x2], $0x1400, $0x38;
	[tilespmem:$0x1E00] =	vst v63  }
0x27: {  	_ =	swait.ge [sflag:s7], $0x1400  }
0x28: {  	[sflag:s7] =	ssyncset.done $0x0  }
0x29: {  	[sflag:s7] =	ssyncadd.s32 $0xFFFFEC00  }
0x2a: {  	_ =	sfence.sel $0x180000  }
0x2b: {  	[bflag:$0x0] =	sbarrier.arrive $0xFFFF  }
0x2c: {  	p0 =	sne.s32 s1, $0x0;
	_ =	strace $0x9000004A  }
0x2d: {  	s0 =	sadd.s32 @!p0 $0x100000, s0;
	[bflag:$0x2] =	sbarrier.arrive $0xFFFF  }
0x2e: {  	[sflag:s0] =	ssyncadd.tile.s32 @!p0 $0x1;
	_ =	shalt  }
.Lfunc_end2:
_tile_overlayer_lowered:
.L_overlay_start_2:
0x2f: {  	(tag) =	ssettag $0x2  }
0x30: {  	s0 =	rddreg [dreg:$0x0];
	s2 =	stileid.u32  }
0x31: {  	s1 =	rddreg [dreg:$0x1];
	p0 =	sne.s32 s2, $0x0  }
0x32: {  	s3 =	rddreg [dreg:$0x2];
	[bflag:$0x3] =	sbarrier.arrive $0xFFFF;
	s2 =	simm.s32 @!p0 $0x1C02  }
0x33: {  	[timem:s3], [sflag:s2] =	dma.local @!p0 [hbm:s0], s1  }
0x34: {  	s0 =	simm.s32 @!p0 $0x2  }
0x35: {  	_ =	swait.ge @!p0 [sflag:s0], s1  }
0x36: {  	s1 =	ssub.s32 @!p0 $0x0, s1;
	[sflag:s0] =	ssyncset.done @!p0 $0x0  }
0x37: {  	[sflag:s0] =	ssyncadd.s32 @!p0 s1  }
0x38: {  	[bflag:$0x3] =	sbarrier.arrive $0xFFFF  }
0x39: {  	_ =	shalt  }

// kernel: kernel.27.cloned.1.call-start
scs
__scs_entry_jumppad:
0x0: {  	(pc) =	sbr.rel $0x88, $3  }
0x1: {  	(tag) =	ssettag $0x0;
	lr =	simm.s32 $0x1  }
0x2: {  	[smem:$0x3F7E] =	sst lr;
	_ =	strace $0xD0000000  }
0x3: {  	_ = 	snop  }
0x4: {  	_ = 	snop  }
0x5: {  	_ = 	snop  }
0x6: {  	_ = 	snop  }
0x7: {  	_ = 	snop  }
__scs_overlays_trampoline_lowered:
0x8: {  	[smem:$0x3F8D] =	sst s0  }
0x9: {  	[smem:$0x3F8E] =	sst s1  }
0xa: {  	[smem:$0x3F8F] =	sst s2  }
0xb: {  	[smem:$0x3F90] =	sst s3  }
0xc: {  	[smem:$0x3F91] =	sst s4  }
0xd: {  	[smem:$0x3F92] =	sst s5  }
0xe: {  	[smem:$0x3F93] =	sst s6  }
0xf: {  	[smem:$0x3F94] =	sst s7  }
0x10: {  	[smem:$0x3F95] =	sst s8  }
0x11: {  	[smem:$0x3F96] =	sst s9;
	s0 =	simm.s32 @!p0 $0x0  }
0x12: {  	s1 =	sld [smem:$0x3F7C];
	s0 =	simm.s32 @p0 $0x1  }
0x13: {  	[smem:$0x3F97] =	sst s0;
	s0 =	simm.s32 @!p1 $0x0  }
0x14: {  	s2 =	sld [smem:$0x3F7B];
	s0 =	simm.s32 @p1 $0x1  }
0x15: {  	[smem:$0x3F98] =	sst s0;
	s0 =	simm.s32 @!p2 $0x0  }
0x16: {  	s3 =	sld [smem:$0x3FDB];
	s0 =	simm.s32 @p2 $0x1  }
0x17: {  	s4 =	simm.s32 $0x1BF5;
	[smem:$0x3F9A] =	sst s0  }
0x18: {  	s0 =	sld [smem:$0x3F7D];
	_ =	swait.ge [sflag:s4], $0x0  }
0x19: {  	s7 =	sld [smem:$0x3F7E]  }
0x1a: {  	s8 =	sadd.s32 $0xFFFFE003, lr  }
0x1b: {  	s9 =	sadd.s32 $0xFFFFFEF7, lr;
	s5 =	simm.s32 $0xFFFFFFFF;
	p2 =	slt.u32 s8, $0xFFFFF086  }
0x1c: {  	p1 =	slt.u32 s9, $0xF7A;
	s5 =	simm.s32 @!p2 $0x0  }
0x1d: {  	s5 =	simm.s32 @p1 $0x1;
	p0 =	seq.s32 s7, s2  }
0x1e: {  	s7 =	smul.u32 @!p0 $0xF7A, s2;
	p2 =	seq.s32 @!p0 s5, $0x0  }
0x1f: {  	s9 =	smul.u32 $0xF7A, s1;
	s8 =	simm.s32 @!p0 $0x1BF5;
	p2 =	por !p2, p0  }
0x20: {  	[sflag:s8] =	ssyncset.s32 @!p0 $0xFFFFF086;
	s6 =	sadd.s32 @!p0 s3, s7;
	s7 =	simm.s32 @!p0 $0x108  }
0x21: {  	s3 =	sadd.s32 s3, s9;
	s6 =	sadd.s32 @!p0 $0x88, s6;
	s7 =	simm.s32 @p2 $0x1082  }
0x22: {  	[simem:s7], [sflag:s8] =	dma.local @!p0 [hbm:s6], $0xF7A  }
0x23: {  	s9 =	sor.u32 $0xD0000000, s2;
	s6 =	simm.s32 $0x108;
	_ =	swait.ge @!p0 [sflag:s8], $0x0  }
0x24: {  	s3 =	sadd.s32 $0x88, s3;
	s6 =	simm.s32 @!p1 $0x1082;
	[sflag:s4] =	ssyncset.s32 $0xFFFFF086  }
0x25: {  	[simem:s6], [sflag:s4] =	dma.local [hbm:s3], $0xF7A  }
0x26: {  	[smem:$0x3F7E] =	sst s1;
	(tag) =	ssettag s2;
	_ =	strace s9  }
0x27: {  	s1 =	sld [smem:$0x3F8E]  }
0x28: {  	s2 =	sld [smem:$0x3F8F]  }
0x29: {  	s4 =	sld [smem:$0x3F91]  }
0x2a: {  	p0 =	seq.s32 s5, $0x0;
	s5 =	sld [smem:$0x3F92]  }
0x2b: {  	s6 =	sld [smem:$0x3F93]  }
0x2c: {  	s7 =	sld [smem:$0x3F94]  }
0x2d: {  	s3 =	simm.s32 $0x108;
	s8 =	sld [smem:$0x3F95]  }
0x2e: {  	s3 =	simm.s32 @!p0 $0x1082;
	s9 =	sld [smem:$0x3F96]  }
0x2f: {  	lr =	sadd.s32 s0, s3;
	s0 =	sld [smem:$0x3F8D]  }
0x30: {  	s3 =	sld [smem:$0x3F90]  }
0x31: {  	[smem:$0x3F99] =	sst s10  }
0x32: {  	s10 =	sld [smem:$0x3F97];
	_ =	sdelay $0x3  }
0x33: {  	p0 =	seq.s32 s10, $0x1;
	s10 =	sld [smem:$0x3F99];
	_ =	sdelay $0x3  }
0x34: {  	[smem:$0x3F99] =	sst s10  }
0x35: {  	s10 =	sld [smem:$0x3F98];
	_ =	sdelay $0x3  }
0x36: {  	p1 =	seq.s32 s10, $0x1;
	s10 =	sld [smem:$0x3F99];
	_ =	sdelay $0x3  }
0x37: {  	[smem:$0x3F99] =	sst s10  }
0x38: {  	s10 =	sld [smem:$0x3F9A]  }
0x39: {  	_ = 	snop;
	(pc) =	sbr.ind lr, $3  }
0x3a: {  	_ = 	snop  }
0x3b: {  	_ = 	snop  }
0x3c: {  	p2 =	seq.s32 s10, $0x1;
	s10 =	sld [smem:$0x3F99]  }
0x3d: {  	_ =	shalt  }
0x3e: {  	_ =	shalt  }
0x3f: {  	_ =	shalt  }
0x40: {  	_ =	shalt  }
0x41: {  	_ =	shalt  }
0x42: {  	_ =	shalt  }
0x43: {  	_ =	shalt  }
0x44: {  	_ =	shalt  }
0x45: {  	_ =	shalt  }
0x46: {  	_ =	shalt  }
0x47: {  	_ =	shalt  }
0x48: {  	_ =	shalt  }
0x49: {  	_ =	shalt  }
0x4a: {  	_ =	shalt  }
0x4b: {  	_ =	shalt  }
0x4c: {  	_ =	shalt  }
0x4d: {  	_ =	shalt  }
0x4e: {  	_ =	shalt  }
0x4f: {  	_ =	shalt  }
0x50: {  	_ =	shalt  }
0x51: {  	_ =	shalt  }
0x52: {  	_ =	shalt  }
0x53: {  	_ =	shalt  }
0x54: {  	_ =	shalt  }
0x55: {  	_ =	shalt  }
0x56: {  	_ =	shalt  }
0x57: {  	_ =	shalt  }
0x58: {  	_ =	shalt  }
0x59: {  	_ =	shalt  }
0x5a: {  	_ =	shalt  }
0x5b: {  	_ =	shalt  }
0x5c: {  	_ =	shalt  }
0x5d: {  	_ =	shalt  }
0x5e: {  	_ =	shalt  }
0x5f: {  	_ =	shalt  }
0x60: {  	_ =	shalt  }
0x61: {  	_ =	shalt  }
0x62: {  	_ =	shalt  }
0x63: {  	_ =	shalt  }
0x64: {  	_ =	shalt  }
0x65: {  	_ =	shalt  }
0x66: {  	_ =	shalt  }
0x67: {  	_ =	shalt  }
0x68: {  	_ =	shalt  }
0x69: {  	_ =	shalt  }
0x6a: {  	_ =	shalt  }
0x6b: {  	_ =	shalt  }
0x6c: {  	_ =	shalt  }
0x6d: {  	_ =	shalt  }
0x6e: {  	_ =	shalt  }
0x6f: {  	_ =	shalt  }
0x70: {  	_ =	shalt  }
0x71: {  	_ =	shalt  }
0x72: {  	_ =	shalt  }
0x73: {  	_ =	shalt  }
0x74: {  	_ =	shalt  }
0x75: {  	_ =	shalt  }
0x76: {  	_ =	shalt  }
0x77: {  	_ =	shalt  }
0x78: {  	_ =	shalt  }
0x79: {  	_ =	shalt  }
0x7a: {  	_ =	shalt  }
0x7b: {  	_ =	shalt  }
0x7c: {  	_ =	shalt  }
0x7d: {  	_ =	shalt  }
0x7e: {  	_ =	shalt  }
0x7f: {  	_ =	shalt  }
0x80: {  	_ =	shalt  }
0x81: {  	_ =	shalt  }
0x82: {  	_ =	shalt  }
0x83: {  	_ =	shalt  }
0x84: {  	_ =	shalt  }
0x85: {  	_ =	shalt  }
0x86: {  	_ =	shalt  }
0x87: {  	_ =	shalt  }
.Lfunc_end0:
.L_simem_size_0:
called_computation.2_lowered:
.L_overlay_start_0:
0x88: {  	s2 =	sld [smem:$0x3FD9]  }
0x89: {  	s3 =	sld [smem:$0x3FFE];
	_ =	sdelay $0x1  }
0x8a: {  	s1 =	srdreg.scid  }
0x8b: {  	s0 =	sand.u32 $0x1, s1  }
0x8c: {  	s14 =	sshll.u32 s0, $0xA;
	s2 =	sadd.s32 s3, s2  }
0x8d: {  	s2 =	sadd.s32 s2, s14  }
0x8e: {  	[smem:$0x3FA5] =	sst s2  }
0x8f: {  	_ = 	snop  }
0x90: {  	s2 =	sld [smem:$0x3FD0];
	_ =	sdelay $0x2  }
0x91: {  	s15 =	simm.s32 $0xA;
	s4 =	simm.s32 $0x10  }
0x92: {  	[smem:s4], [sflag:s15] =	dma.local [hbm:s2], $0x1  }
0x93: {  	_ =	swait.eq [sflag:s15], $0x1  }
0x94: {  	[sflag:s15] =	ssyncset.done $0x0  }
0x95: {  	s16 =	sld [smem:$0x10];
	[sflag:s15] =	ssyncadd.s32 $0xFFFFFFFF  }
0x96: {  	s17 =	sld [smem:$0x16];
	(tm) =	ssettm $0x1  }
0x97: {  	s18 =	sld [smem:$0x3FFB];
	_ =	sdelay $0x3  }
0x98: {  	_ =	strace s18  }
0x99: {  	s4 =	sld [smem:$0x3FFC];
	_ =	sdelay $0x3  }
0x9a: {  	_ =	strace s4  }
0x9b: {  	s4 =	sld [smem:$0x3FFD];
	_ =	sdelay $0x3  }
0x9c: {  	_ =	strace s4  }
0x9d: {  	_ =	strace $0x8FFFFFFF  }
0x9e: {  	s19 =	sld [smem:$0x3FDB];
	_ =	sdelay $0x1  }
0x9f: {  	s5 =	simm.s32 $_scs_section_size  }
0xa0: {  	s6 =	simm.s32 $_size__tile_overlayer_lowered;
	s7 =	simm.s32 $_tile_overlayer_lowered  }
0xa1: {  	s22 =	simm.s32 $0x1BFF;
	s21 =	sshll.u32 s7, $0x1;
	s4 =	sadd.s32 s5, s19  }
0xa2: {  	s8 =	simm.s32 $0x0;
	s20 =	sshll.u32 s6, $0x1;
	s6 =	sadd.s32 s21, s4  }
0xa3: {  	[timem:s8], [sflag:s22] =	dma.local [hbm:s6], s20  }
0xa4: {  	_ =	swait.ge [sflag:s22], s20  }
0xa5: {  	s5 =	ssub.s32 $0x0, s20;
	[sflag:s22] =	ssyncset.done $0x0  }
0xa6: {  	[sflag:s22] =	ssyncadd.s32 s5;
	_ =	sdelay $0x1  }
0xa7: {  	s23 =	simm.s32 $0x1B8B  }
0xa8: {  	_ =	swait.ge [sflag:s23], $0x1  }
0xa9: {  	[sflag:s23] =	ssyncset.done $0x0  }
0xaa: {  	s25 =	simm.s32 $0x1B8E;
	s24 =	sld [smem:$0x3FFE];
	[sflag:s23] =	ssyncadd.s32 $0xFFFFFFFF  }
0xab: {  	s26 =	simm.s32 $execute0_lowered;
	[smem:$0x3FD2] =	sst s25  }
0xac: {  	s6 =	sshll.u32 s26, $0x1;
	_ =	strace $0x8000004C;
	[dreg:$0x1] =	wrdreg $0xFFFFFFFF  }
0xad: {  	s28 =	simm.s32 $_size_execute0_lowered;
	s4 =	sadd.s32 s4, s6;
	[dreg:$0x0] =	wrdreg $0x0  }
0xae: {  	s6 =	sshll.u32 s28, $0x1;
	[dreg:$0x2] =	wrdreg s4  }
0xaf: {  	[dreg:$0x3] =	wrdreg s6  }
0xb0: {  	[dreg:$0x4] =	wrdreg $0xC0  }
0xb1: {  	_ =	task [dreg:s8], $0x5FFFF  }
0xb2: {  	[dreg:$0x1] =	wrdreg $0xFFFFFFFF  }
0xb3: {  	[dreg:$0x0] =	wrdreg $0x60  }
0xb4: {  	[dreg:$0x2] =	wrdreg s17  }
0xb5: {  	[dreg:$0x3] =	wrdreg s16  }
0xb6: {  	[dreg:$0x4] =	wrdreg s24  }
0xb7: {  	[dreg:$0x5] =	wrdreg $0x9  }
0xb8: {  	_ =	task.clear_ibuf [dreg:s8], $0x6FFFF;
	_ =	strace $0x9000004C  }
0xb9: {  	s29 =	simm.s32 $0x9;
	_ =	strace $0x8000004E  }
0xba: {  	_ =	swait.ge [sflag:s29], $0x1  }
0xbb: {  	[sflag:s29] =	ssyncadd.s32 $0xFFFFFFFF  }
0xbc: {  	_ =	strace $0x9000004E  }
0xbd: {  	_ =	sfence  }
0xbe: {  	s30 =	sld [smem:$0x0];
	_ =	sdelay $0x2  }
0xbf: {  	s31 =	sshll.u32 s1, $0xD;
	s1 =	sshrl.u32 s1, $0x2  }
0xc0: {  	s3 =	sand.u32 $0x4000, s31;
	s1 =	sadd.s32 s1, s30  }
0xc1: {  	s0 =	sor.u32 s3, s0;
	s1 =	sshll.u32 s1, $0x11  }
0xc2: {  	s0 =	sor.u32 s1, s0  }
0xc3: {  	s0 =	sadd.s32 $0x8F2B, s0  }
0xc4: {  	[sflag:s0] =	ssyncadd.remote.s32 $0x1  }
0xc5: {  	_ =	sfence.sel $0xFFFF  }
0xc6: {  	[dreg:$0x0] =	wrdreg $0xFFFFFFFF;
	(pc) =	sbr.abs _section_cstart, $3  }
0xc7: {  	[dreg:$0x1] =	wrdreg $0xFFFFFFFF  }
0xc8: {  	_ =	task.clear_ibuf [dreg:s8], $0x2FFFF;
	_ =	strace $0x9FFFFFFF  }
0xc9: {  	(tm) =	ssettm $0x7FFFFFFF  }
tec
execute0_lowered:
.L_overlay_start_1:
0x0: {  	(tag) =	ssettag $0x1  }
0x1: {  	s4 =	rddreg [dreg:$0x0]  }
0x2: {  	s2 =	rddreg [dreg:$0x1]  }
0x3: {  	s5 =	rddreg [dreg:$0x2]  }
0x4: {  	s1 =	stileid.u32;
	s3 =	srdreg.scid  }
0x5: {  	s0 =	rddreg [dreg:$0x3];
	s11 =	simm.s32 $0x0;
	s6 =	sand.u32 $0x1, s3  }
0x6: {  	s7 =	sshll.u32 s1, $0x1;
	s3 =	simm.s32 $0x0;
	s8 =	smul.u32 $0x14000, s1  }
0x7: {  	s7 =	sor.u32 s6, s7;
	s9 =	ssub.s32 $0x2, s6;
	s6 =	smul.u32 $0xA000, s6  }
0x8: {  	[smem:$0x7FF] =	sst s3;
	s7 =	smul.u32 $0xA00, s7;
	s10 =	sshrl.u32 s9, $0x1  }
0x9: {  	_ =	strace $0x8000004D;
	s8 =	sadd.s32 s8, s5;
	s31 =	ssub.s32 s9, s10  }
0xa: {  	s6 =	sadd.s32 s6, s8;
	s8 =	simm.s32 $0x28;
	s9 =	simm.s32 $0xA00  }
0xb: {  	s10 =	simm.s32 $0x1;
	s7 =	sshrl.u32 s7, $0x3;
	s5 =	smax.u32 s31, $0x1  }
0xc: {  	s6 =	sadd.s32 $0x6A00, s6;
	s4 =	sadd.s32 s4, s7;
	s7 =	simm.s32 $0x2  }
.LBB2_1:
0xd: {  	[tilespmem:s3], [sflag:$0x2] =	stream.linear.gather [hbm4b:s4+s3], $0xA00, $0x38;
	[tilespmem:$0x1E00] =	vst v63  }
0xe: {  	_ =	swait.ge [sflag:s7], $0xA00  }
0xf: {  	[sflag:s7] =	ssyncset.done $0x0  }
0x10: {  	s12 =	simm.s32 $0x0;
	[sflag:s7] =	ssyncadd.s32 $0xFFFFF600  }
0x11: {  	[tilespmem:s9], [sflag:$0x1] =	stream.indirect.gather [hbm4b:s2+s8], $0x80, s12, s8, $0xb8;
	[tilespmem:$0x1E00] =	vst v63  }
0x12: {  	_ =	swait.ge [sflag:s10], $0x1400  }
0x13: {  	[sflag:s10] =	ssyncset.done $0x0  }
0x14: {  	[sflag:s10] =	ssyncadd.s32 $0xFFFFEC00  }
0x15: {  	[hbm4b:s6+s3] =	stream.linear.scatter [tilespmem:s9], [sflag:$0x2], $0x1400, $0x38;
	[tilespmem:$0x1E00] =	vst v63  }
0x16: {  	s13 =	simm.s32 $0xA0;
	_ =	swait.ge [sflag:s7], $0x1400  }
0x17: {  	s14 =	simm.s32 $0x140;
	s12 =	sadd.s32 $0x280, s6;
	[sflag:s7] =	ssyncset.done $0x0  }
.LBB2_2:
0x18: {  	s15 =	sshra.s32 s13, $0x2  }
0x19: {  	[sflag:s7] =	ssyncadd.s32 $0xFFFFEC00;
	s13 =	smov.u32 s14;
	s16 =	sadd.s32 $0xA0, s14  }
0x1a: {  	[tilespmem:s9], [sflag:$0x1] =	stream.indirect.gather [hbm4b:s2+s8], $0x80, s15, s8, $0xb8;
	[tilespmem:$0x1E00] =	vst v63  }
0x1b: {  	p0 =	sne.s32 s14, $0x2760;
	_ =	swait.ge [sflag:s10], $0x1400  }
.Ltmp0:
0x1c: {  	[sflag:s10] =	ssyncset.done $0x0;
	(pc) =	sbr.rel @p0 .LBB2_2-.Ltmp0, $4  }
0x1d: {  	[sflag:s10] =	ssyncadd.s32 $0xFFFFEC00  }
0x1e: {  	[hbm4b:s12+s3] =	stream.linear.scatter [tilespmem:s9], [sflag:$0x2], $0x1400, $0x38;
	[tilespmem:$0x1E00] =	vst v63  }
0x1f: {  	_ =	swait.ge [sflag:s7], $0x1400  }
0x20: {  	s14 =	smov.u32 s16;
	s12 =	sadd.s32 $0x280, s12;
	[sflag:s7] =	ssyncset.done $0x0  }
0x21: {  	s13 =	sshra.s32 s13, $0x2;
	[sflag:s7] =	ssyncadd.s32 $0xFFFFEC00  }
0x22: {  	[tilespmem:s9], [sflag:$0x1] =	stream.indirect.gather [hbm4b:s2+s8], $0x80, s13, s8, $0xb8;
	[tilespmem:$0x1E00] =	vst v63  }
0x23: {  	s11 =	sadd.s32 $0x1, s11;
	_ =	swait.ge [sflag:s10], $0x1400  }
0x24: {  	p0 =	sne.s32 s11, s5;
	[sflag:s10] =	ssyncset.done $0x0  }
.Ltmp1:
0x25: {  	[sflag:s10] =	ssyncadd.s32 $0xFFFFEC00;
	(pc) =	sbr.rel @p0 .LBB2_1-.Ltmp1, $4  }
0x26: {  	[hbm4b:s12+s3] =	stream.linear.scatter [tilespmem:s9], [sflag:$0x2], $0x1400, $0x38;
	[tilespmem:$0x1E00] =	vst v63  }
0x27: {  	_ =	swait.ge [sflag:s7], $0x1400  }
0x28: {  	[sflag:s7] =	ssyncset.done $0x0  }
0x29: {  	[sflag:s7] =	ssyncadd.s32 $0xFFFFEC00  }
0x2a: {  	_ =	sfence.sel $0x180000  }
0x2b: {  	[bflag:$0x0] =	sbarrier.arrive $0xFFFF  }
0x2c: {  	p0 =	sne.s32 s1, $0x0;
	_ =	strace $0x9000004D  }
0x2d: {  	s0 =	sadd.s32 @!p0 $0x100000, s0;
	[bflag:$0x2] =	sbarrier.arrive $0xFFFF  }
0x2e: {  	[sflag:s0] =	ssyncadd.tile.s32 @!p0 $0x1;
	_ =	shalt  }
.Lfunc_end2:
_tile_overlayer_lowered:
.L_overlay_start_2:
0x2f: {  	(tag) =	ssettag $0x2  }
0x30: {  	s0 =	rddreg [dreg:$0x0];
	s2 =	stileid.u32  }
0x31: {  	s1 =	rddreg [dreg:$0x1];
	p0 =	sne.s32 s2, $0x0  }
0x32: {  	s3 =	rddreg [dreg:$0x2];
	[bflag:$0x3] =	sbarrier.arrive $0xFFFF;
	s2 =	simm.s32 @!p0 $0x1C02  }
0x33: {  	[timem:s3], [sflag:s2] =	dma.local @!p0 [hbm:s0], s1  }
0x34: {  	s0 =	simm.s32 @!p0 $0x2  }
0x35: {  	_ =	swait.ge @!p0 [sflag:s0], s1  }
0x36: {  	s1 =	ssub.s32 @!p0 $0x0, s1;
	[sflag:s0] =	ssyncset.done @!p0 $0x0  }
0x37: {  	[sflag:s0] =	ssyncadd.s32 @!p0 s1  }
0x38: {  	[bflag:$0x3] =	sbarrier.arrive $0xFFFF  }
0x39: {  	_ =	shalt  }

// kernel: kernel.30.cloned.1.call-start
scs
__scs_entry_jumppad:
0x0: {  	(pc) =	sbr.rel $0x88, $3  }
0x1: {  	(tag) =	ssettag $0x0;
	lr =	simm.s32 $0x1  }
0x2: {  	[smem:$0x3F7E] =	sst lr;
	_ =	strace $0xD0000000  }
0x3: {  	_ = 	snop  }
0x4: {  	_ = 	snop  }
0x5: {  	_ = 	snop  }
0x6: {  	_ = 	snop  }
0x7: {  	_ = 	snop  }
__scs_overlays_trampoline_lowered:
0x8: {  	[smem:$0x3F8D] =	sst s0  }
0x9: {  	[smem:$0x3F8E] =	sst s1  }
0xa: {  	[smem:$0x3F8F] =	sst s2  }
0xb: {  	[smem:$0x3F90] =	sst s3  }
0xc: {  	[smem:$0x3F91] =	sst s4  }
0xd: {  	[smem:$0x3F92] =	sst s5  }
0xe: {  	[smem:$0x3F93] =	sst s6  }
0xf: {  	[smem:$0x3F94] =	sst s7  }
0x10: {  	[smem:$0x3F95] =	sst s8  }
0x11: {  	[smem:$0x3F96] =	sst s9;
	s0 =	simm.s32 @!p0 $0x0  }
0x12: {  	s1 =	sld [smem:$0x3F7C];
	s0 =	simm.s32 @p0 $0x1  }
0x13: {  	[smem:$0x3F97] =	sst s0;
	s0 =	simm.s32 @!p1 $0x0  }
0x14: {  	s2 =	sld [smem:$0x3F7B];
	s0 =	simm.s32 @p1 $0x1  }
0x15: {  	[smem:$0x3F98] =	sst s0;
	s0 =	simm.s32 @!p2 $0x0  }
0x16: {  	s3 =	sld [smem:$0x3FDB];
	s0 =	simm.s32 @p2 $0x1  }
0x17: {  	s4 =	simm.s32 $0x1BF5;
	[smem:$0x3F9A] =	sst s0  }
0x18: {  	s0 =	sld [smem:$0x3F7D];
	_ =	swait.ge [sflag:s4], $0x0  }
0x19: {  	s7 =	sld [smem:$0x3F7E]  }
0x1a: {  	s8 =	sadd.s32 $0xFFFFE003, lr  }
0x1b: {  	s9 =	sadd.s32 $0xFFFFFEF7, lr;
	s5 =	simm.s32 $0xFFFFFFFF;
	p2 =	slt.u32 s8, $0xFFFFF086  }
0x1c: {  	p1 =	slt.u32 s9, $0xF7A;
	s5 =	simm.s32 @!p2 $0x0  }
0x1d: {  	s5 =	simm.s32 @p1 $0x1;
	p0 =	seq.s32 s7, s2  }
0x1e: {  	s7 =	smul.u32 @!p0 $0xF7A, s2;
	p2 =	seq.s32 @!p0 s5, $0x0  }
0x1f: {  	s9 =	smul.u32 $0xF7A, s1;
	s8 =	simm.s32 @!p0 $0x1BF5;
	p2 =	por !p2, p0  }
0x20: {  	[sflag:s8] =	ssyncset.s32 @!p0 $0xFFFFF086;
	s6 =	sadd.s32 @!p0 s3, s7;
	s7 =	simm.s32 @!p0 $0x108  }
0x21: {  	s3 =	sadd.s32 s3, s9;
	s6 =	sadd.s32 @!p0 $0x88, s6;
	s7 =	simm.s32 @p2 $0x1082  }
0x22: {  	[simem:s7], [sflag:s8] =	dma.local @!p0 [hbm:s6], $0xF7A  }
0x23: {  	s9 =	sor.u32 $0xD0000000, s2;
	s6 =	simm.s32 $0x108;
	_ =	swait.ge @!p0 [sflag:s8], $0x0  }
0x24: {  	s3 =	sadd.s32 $0x88, s3;
	s6 =	simm.s32 @!p1 $0x1082;
	[sflag:s4] =	ssyncset.s32 $0xFFFFF086  }
0x25: {  	[simem:s6], [sflag:s4] =	dma.local [hbm:s3], $0xF7A  }
0x26: {  	[smem:$0x3F7E] =	sst s1;
	(tag) =	ssettag s2;
	_ =	strace s9  }
0x27: {  	s1 =	sld [smem:$0x3F8E]  }
0x28: {  	s2 =	sld [smem:$0x3F8F]  }
0x29: {  	s4 =	sld [smem:$0x3F91]  }
0x2a: {  	p0 =	seq.s32 s5, $0x0;
	s5 =	sld [smem:$0x3F92]  }
0x2b: {  	s6 =	sld [smem:$0x3F93]  }
0x2c: {  	s7 =	sld [smem:$0x3F94]  }
0x2d: {  	s3 =	simm.s32 $0x108;
	s8 =	sld [smem:$0x3F95]  }
0x2e: {  	s3 =	simm.s32 @!p0 $0x1082;
	s9 =	sld [smem:$0x3F96]  }
0x2f: {  	lr =	sadd.s32 s0, s3;
	s0 =	sld [smem:$0x3F8D]  }
0x30: {  	s3 =	sld [smem:$0x3F90]  }
0x31: {  	[smem:$0x3F99] =	sst s10  }
0x32: {  	s10 =	sld [smem:$0x3F97];
	_ =	sdelay $0x3  }
0x33: {  	p0 =	seq.s32 s10, $0x1;
	s10 =	sld [smem:$0x3F99];
	_ =	sdelay $0x3  }
0x34: {  	[smem:$0x3F99] =	sst s10  }
0x35: {  	s10 =	sld [smem:$0x3F98];
	_ =	sdelay $0x3  }
0x36: {  	p1 =	seq.s32 s10, $0x1;
	s10 =	sld [smem:$0x3F99];
	_ =	sdelay $0x3  }
0x37: {  	[smem:$0x3F99] =	sst s10  }
0x38: {  	s10 =	sld [smem:$0x3F9A]  }
0x39: {  	_ = 	snop;
	(pc) =	sbr.ind lr, $3  }
0x3a: {  	_ = 	snop  }
0x3b: {  	_ = 	snop  }
0x3c: {  	p2 =	seq.s32 s10, $0x1;
	s10 =	sld [smem:$0x3F99]  }
0x3d: {  	_ =	shalt  }
0x3e: {  	_ =	shalt  }
0x3f: {  	_ =	shalt  }
0x40: {  	_ =	shalt  }
0x41: {  	_ =	shalt  }
0x42: {  	_ =	shalt  }
0x43: {  	_ =	shalt  }
0x44: {  	_ =	shalt  }
0x45: {  	_ =	shalt  }
0x46: {  	_ =	shalt  }
0x47: {  	_ =	shalt  }
0x48: {  	_ =	shalt  }
0x49: {  	_ =	shalt  }
0x4a: {  	_ =	shalt  }
0x4b: {  	_ =	shalt  }
0x4c: {  	_ =	shalt  }
0x4d: {  	_ =	shalt  }
0x4e: {  	_ =	shalt  }
0x4f: {  	_ =	shalt  }
0x50: {  	_ =	shalt  }
0x51: {  	_ =	shalt  }
0x52: {  	_ =	shalt  }
0x53: {  	_ =	shalt  }
0x54: {  	_ =	shalt  }
0x55: {  	_ =	shalt  }
0x56: {  	_ =	shalt  }
0x57: {  	_ =	shalt  }
0x58: {  	_ =	shalt  }
0x59: {  	_ =	shalt  }
0x5a: {  	_ =	shalt  }
0x5b: {  	_ =	shalt  }
0x5c: {  	_ =	shalt  }
0x5d: {  	_ =	shalt  }
0x5e: {  	_ =	shalt  }
0x5f: {  	_ =	shalt  }
0x60: {  	_ =	shalt  }
0x61: {  	_ =	shalt  }
0x62: {  	_ =	shalt  }
0x63: {  	_ =	shalt  }
0x64: {  	_ =	shalt  }
0x65: {  	_ =	shalt  }
0x66: {  	_ =	shalt  }
0x67: {  	_ =	shalt  }
0x68: {  	_ =	shalt  }
0x69: {  	_ =	shalt  }
0x6a: {  	_ =	shalt  }
0x6b: {  	_ =	shalt  }
0x6c: {  	_ =	shalt  }
0x6d: {  	_ =	shalt  }
0x6e: {  	_ =	shalt  }
0x6f: {  	_ =	shalt  }
0x70: {  	_ =	shalt  }
0x71: {  	_ =	shalt  }
0x72: {  	_ =	shalt  }
0x73: {  	_ =	shalt  }
0x74: {  	_ =	shalt  }
0x75: {  	_ =	shalt  }
0x76: {  	_ =	shalt  }
0x77: {  	_ =	shalt  }
0x78: {  	_ =	shalt  }
0x79: {  	_ =	shalt  }
0x7a: {  	_ =	shalt  }
0x7b: {  	_ =	shalt  }
0x7c: {  	_ =	shalt  }
0x7d: {  	_ =	shalt  }
0x7e: {  	_ =	shalt  }
0x7f: {  	_ =	shalt  }
0x80: {  	_ =	shalt  }
0x81: {  	_ =	shalt  }
0x82: {  	_ =	shalt  }
0x83: {  	_ =	shalt  }
0x84: {  	_ =	shalt  }
0x85: {  	_ =	shalt  }
0x86: {  	_ =	shalt  }
0x87: {  	_ =	shalt  }
.Lfunc_end0:
.L_simem_size_0:
called_computation.3_lowered:
.L_overlay_start_0:
0x88: {  	s2 =	sld [smem:$0x3FD9]  }
0x89: {  	s3 =	sld [smem:$0x3FFE];
	_ =	sdelay $0x1  }
0x8a: {  	s1 =	srdreg.scid  }
0x8b: {  	s0 =	sand.u32 $0x1, s1  }
0x8c: {  	s14 =	sshll.u32 s0, $0xA;
	s2 =	sadd.s32 s3, s2  }
0x8d: {  	s2 =	sadd.s32 s2, s14  }
0x8e: {  	[smem:$0x3FA5] =	sst s2  }
0x8f: {  	_ = 	snop  }
0x90: {  	s2 =	sld [smem:$0x3FD0];
	_ =	sdelay $0x2  }
0x91: {  	s15 =	simm.s32 $0xA;
	s4 =	simm.s32 $0x10  }
0x92: {  	[smem:s4], [sflag:s15] =	dma.local [hbm:s2], $0x1  }
0x93: {  	_ =	swait.eq [sflag:s15], $0x1  }
0x94: {  	[sflag:s15] =	ssyncset.done $0x0  }
0x95: {  	s16 =	sld [smem:$0x10];
	[sflag:s15] =	ssyncadd.s32 $0xFFFFFFFF  }
0x96: {  	s17 =	sld [smem:$0x16];
	(tm) =	ssettm $0x1  }
0x97: {  	s18 =	sld [smem:$0x3FFB];
	_ =	sdelay $0x3  }
0x98: {  	_ =	strace s18  }
0x99: {  	s4 =	sld [smem:$0x3FFC];
	_ =	sdelay $0x3  }
0x9a: {  	_ =	strace s4  }
0x9b: {  	s4 =	sld [smem:$0x3FFD];
	_ =	sdelay $0x3  }
0x9c: {  	_ =	strace s4  }
0x9d: {  	_ =	strace $0x8FFFFFFF  }
0x9e: {  	s19 =	sld [smem:$0x3FDB];
	_ =	sdelay $0x1  }
0x9f: {  	s5 =	simm.s32 $_scs_section_size  }
0xa0: {  	s6 =	simm.s32 $_size__tile_overlayer_lowered;
	s7 =	simm.s32 $_tile_overlayer_lowered  }
0xa1: {  	s22 =	simm.s32 $0x1BFF;
	s21 =	sshll.u32 s7, $0x1;
	s4 =	sadd.s32 s5, s19  }
0xa2: {  	s8 =	simm.s32 $0x0;
	s20 =	sshll.u32 s6, $0x1;
	s6 =	sadd.s32 s21, s4  }
0xa3: {  	[timem:s8], [sflag:s22] =	dma.local [hbm:s6], s20  }
0xa4: {  	_ =	swait.ge [sflag:s22], s20  }
0xa5: {  	s5 =	ssub.s32 $0x0, s20;
	[sflag:s22] =	ssyncset.done $0x0  }
0xa6: {  	[sflag:s22] =	ssyncadd.s32 s5;
	_ =	sdelay $0x1  }
0xa7: {  	s23 =	simm.s32 $0x1B8B  }
0xa8: {  	_ =	swait.ge [sflag:s23], $0x1  }
0xa9: {  	[sflag:s23] =	ssyncset.done $0x0  }
0xaa: {  	s25 =	simm.s32 $0x1B8E;
	s24 =	sld [smem:$0x3FFE];
	[sflag:s23] =	ssyncadd.s32 $0xFFFFFFFF  }
0xab: {  	s26 =	simm.s32 $execute0_lowered;
	[smem:$0x3FD2] =	sst s25  }
0xac: {  	s6 =	sshll.u32 s26, $0x1;
	_ =	strace $0x8000004F;
	[dreg:$0x1] =	wrdreg $0xFFFFFFFF  }
0xad: {  	s28 =	simm.s32 $_size_execute0_lowered;
	s4 =	sadd.s32 s4, s6;
	[dreg:$0x0] =	wrdreg $0x0  }
0xae: {  	s6 =	sshll.u32 s28, $0x1;
	[dreg:$0x2] =	wrdreg s4  }
0xaf: {  	[dreg:$0x3] =	wrdreg s6  }
0xb0: {  	[dreg:$0x4] =	wrdreg $0xC0  }
0xb1: {  	_ =	task [dreg:s8], $0x5FFFF  }
0xb2: {  	[dreg:$0x1] =	wrdreg $0xFFFFFFFF  }
0xb3: {  	[dreg:$0x0] =	wrdreg $0x60  }
0xb4: {  	[dreg:$0x2] =	wrdreg s17  }
0xb5: {  	[dreg:$0x3] =	wrdreg s16  }
0xb6: {  	[dreg:$0x4] =	wrdreg s24  }
0xb7: {  	[dreg:$0x5] =	wrdreg $0x9  }
0xb8: {  	_ =	task.clear_ibuf [dreg:s8], $0x6FFFF;
	_ =	strace $0x9000004F  }
0xb9: {  	s29 =	simm.s32 $0x9;
	_ =	strace $0x80000051  }
0xba: {  	_ =	swait.ge [sflag:s29], $0x1  }
0xbb: {  	[sflag:s29] =	ssyncadd.s32 $0xFFFFFFFF  }
0xbc: {  	_ =	strace $0x90000051  }
0xbd: {  	_ =	sfence  }
0xbe: {  	s30 =	sld [smem:$0x0];
	_ =	sdelay $0x2  }
0xbf: {  	s31 =	sshll.u32 s1, $0xD;
	s1 =	sshrl.u32 s1, $0x2  }
0xc0: {  	s3 =	sand.u32 $0x4000, s31;
	s1 =	sadd.s32 s1, s30  }
0xc1: {  	s0 =	sor.u32 s3, s0;
	s1 =	sshll.u32 s1, $0x11  }
0xc2: {  	s0 =	sor.u32 s1, s0  }
0xc3: {  	s0 =	sadd.s32 $0x8F2B, s0  }
0xc4: {  	[sflag:s0] =	ssyncadd.remote.s32 $0x1  }
0xc5: {  	_ =	sfence.sel $0xFFFF  }
0xc6: {  	[dreg:$0x0] =	wrdreg $0xFFFFFFFF;
	(pc) =	sbr.abs _section_cstart, $3  }
0xc7: {  	[dreg:$0x1] =	wrdreg $0xFFFFFFFF  }
0xc8: {  	_ =	task.clear_ibuf [dreg:s8], $0x2FFFF;
	_ =	strace $0x9FFFFFFF  }
0xc9: {  	(tm) =	ssettm $0x7FFFFFFF  }
tec
execute0_lowered:
.L_overlay_start_1:
0x0: {  	(tag) =	ssettag $0x1  }
0x1: {  	s4 =	rddreg [dreg:$0x0]  }
0x2: {  	s2 =	rddreg [dreg:$0x1]  }
0x3: {  	s5 =	rddreg [dreg:$0x2]  }
0x4: {  	s1 =	stileid.u32;
	s3 =	srdreg.scid  }
0x5: {  	s0 =	rddreg [dreg:$0x3];
	s11 =	simm.s32 $0x0;
	s6 =	sand.u32 $0x1, s3  }
0x6: {  	s7 =	sshll.u32 s1, $0x1;
	s3 =	simm.s32 $0x0;
	s8 =	smul.u32 $0x14000, s1  }
0x7: {  	s7 =	sor.u32 s6, s7;
	s9 =	ssub.s32 $0x2, s6;
	s6 =	smul.u32 $0xA000, s6  }
0x8: {  	[smem:$0x7FF] =	sst s3;
	s7 =	smul.u32 $0xA00, s7;
	s10 =	sshrl.u32 s9, $0x1  }
0x9: {  	_ =	strace $0x80000050;
	s8 =	sadd.s32 s8, s5;
	s31 =	ssub.s32 s9, s10  }
0xa: {  	s6 =	sadd.s32 s6, s8;
	s8 =	simm.s32 $0x28;
	s9 =	simm.s32 $0xA00  }
0xb: {  	s10 =	simm.s32 $0x1;
	s7 =	sshrl.u32 s7, $0x3;
	s5 =	smax.u32 s31, $0x1  }
0xc: {  	s6 =	sadd.s32 $0x6A00, s6;
	s4 =	sadd.s32 s4, s7;
	s7 =	simm.s32 $0x2  }
.LBB2_1:
0xd: {  	[tilespmem:s3], [sflag:$0x2] =	stream.linear.gather [hbm4b:s4+s3], $0xA00, $0x38;
	[tilespmem:$0x1E00] =	vst v63  }
0xe: {  	_ =	swait.ge [sflag:s7], $0xA00  }
0xf: {  	[sflag:s7] =	ssyncset.done $0x0  }
0x10: {  	s12 =	simm.s32 $0x0;
	[sflag:s7] =	ssyncadd.s32 $0xFFFFF600  }
0x11: {  	[tilespmem:s9], [sflag:$0x1] =	stream.indirect.gather [hbm4b:s2+s8], $0x80, s12, s8, $0xb8;
	[tilespmem:$0x1E00] =	vst v63  }
0x12: {  	_ =	swait.ge [sflag:s10], $0x1400  }
0x13: {  	[sflag:s10] =	ssyncset.done $0x0  }
0x14: {  	[sflag:s10] =	ssyncadd.s32 $0xFFFFEC00  }
0x15: {  	[hbm4b:s6+s3] =	stream.linear.scatter [tilespmem:s9], [sflag:$0x2], $0x1400, $0x38;
	[tilespmem:$0x1E00] =	vst v63  }
0x16: {  	s13 =	simm.s32 $0xA0;
	_ =	swait.ge [sflag:s7], $0x1400  }
0x17: {  	s14 =	simm.s32 $0x140;
	s12 =	sadd.s32 $0x280, s6;
	[sflag:s7] =	ssyncset.done $0x0  }
.LBB2_2:
0x18: {  	s15 =	sshra.s32 s13, $0x2  }
0x19: {  	[sflag:s7] =	ssyncadd.s32 $0xFFFFEC00;
	s13 =	smov.u32 s14;
	s16 =	sadd.s32 $0xA0, s14  }
0x1a: {  	[tilespmem:s9], [sflag:$0x1] =	stream.indirect.gather [hbm4b:s2+s8], $0x80, s15, s8, $0xb8;
	[tilespmem:$0x1E00] =	vst v63  }
0x1b: {  	p0 =	sne.s32 s14, $0x2760;
	_ =	swait.ge [sflag:s10], $0x1400  }
.Ltmp0:
0x1c: {  	[sflag:s10] =	ssyncset.done $0x0;
	(pc) =	sbr.rel @p0 .LBB2_2-.Ltmp0, $4  }
0x1d: {  	[sflag:s10] =	ssyncadd.s32 $0xFFFFEC00  }
0x1e: {  	[hbm4b:s12+s3] =	stream.linear.scatter [tilespmem:s9], [sflag:$0x2], $0x1400, $0x38;
	[tilespmem:$0x1E00] =	vst v63  }
0x1f: {  	_ =	swait.ge [sflag:s7], $0x1400  }
0x20: {  	s14 =	smov.u32 s16;
	s12 =	sadd.s32 $0x280, s12;
	[sflag:s7] =	ssyncset.done $0x0  }
0x21: {  	s13 =	sshra.s32 s13, $0x2;
	[sflag:s7] =	ssyncadd.s32 $0xFFFFEC00  }
0x22: {  	[tilespmem:s9], [sflag:$0x1] =	stream.indirect.gather [hbm4b:s2+s8], $0x80, s13, s8, $0xb8;
	[tilespmem:$0x1E00] =	vst v63  }
0x23: {  	s11 =	sadd.s32 $0x1, s11;
	_ =	swait.ge [sflag:s10], $0x1400  }
0x24: {  	p0 =	sne.s32 s11, s5;
	[sflag:s10] =	ssyncset.done $0x0  }
.Ltmp1:
0x25: {  	[sflag:s10] =	ssyncadd.s32 $0xFFFFEC00;
	(pc) =	sbr.rel @p0 .LBB2_1-.Ltmp1, $4  }
0x26: {  	[hbm4b:s12+s3] =	stream.linear.scatter [tilespmem:s9], [sflag:$0x2], $0x1400, $0x38;
	[tilespmem:$0x1E00] =	vst v63  }
0x27: {  	_ =	swait.ge [sflag:s7], $0x1400  }
0x28: {  	[sflag:s7] =	ssyncset.done $0x0  }
0x29: {  	[sflag:s7] =	ssyncadd.s32 $0xFFFFEC00  }
0x2a: {  	_ =	sfence.sel $0x180000  }
0x2b: {  	[bflag:$0x0] =	sbarrier.arrive $0xFFFF  }
0x2c: {  	p0 =	sne.s32 s1, $0x0;
	_ =	strace $0x90000050  }
0x2d: {  	s0 =	sadd.s32 @!p0 $0x100000, s0;
	[bflag:$0x2] =	sbarrier.arrive $0xFFFF  }
0x2e: {  	[sflag:s0] =	ssyncadd.tile.s32 @!p0 $0x1;
	_ =	shalt  }
.Lfunc_end2:
_tile_overlayer_lowered:
.L_overlay_start_2:
0x2f: {  	(tag) =	ssettag $0x2  }
0x30: {  	s0 =	rddreg [dreg:$0x0];
	s2 =	stileid.u32  }
0x31: {  	s1 =	rddreg [dreg:$0x1];
	p0 =	sne.s32 s2, $0x0  }
0x32: {  	s3 =	rddreg [dreg:$0x2];
	[bflag:$0x3] =	sbarrier.arrive $0xFFFF;
	s2 =	simm.s32 @!p0 $0x1C02  }
0x33: {  	[timem:s3], [sflag:s2] =	dma.local @!p0 [hbm:s0], s1  }
0x34: {  	s0 =	simm.s32 @!p0 $0x2  }
0x35: {  	_ =	swait.ge @!p0 [sflag:s0], s1  }
0x36: {  	s1 =	ssub.s32 @!p0 $0x0, s1;
	[sflag:s0] =	ssyncset.done @!p0 $0x0  }
0x37: {  	[sflag:s0] =	ssyncadd.s32 @!p0 s1  }
0x38: {  	[bflag:$0x3] =	sbarrier.arrive $0xFFFF  }
0x39: {  	_ =	shalt  }

</sc_bundles>
